<compile_context>
chip_gen: v7x
topology: tpu7x:2x2x1
jax: 0.10.2.dev20260603
libtpu: 0.0.44.dev20260713+nightly
codegen_flags: <defaults>
</compile_context>

<pallas_src>
import functools
import jax
import jax.numpy as jnp
from jax import lax
from jax.experimental import pallas as pl
from jax.experimental.pallas import tpu as pltpu
from jax.experimental.pallas import tpu_sc as plsc

_N = 10000
_E = 160000
_BLK = 1024

_NC = 2
_NS = 16
_NW = _NC * _NS
_NPAD = 10240
_EPW = 5040
_EPAD = _NW * _EPW
_NTAB = 10240
_RPT = _NTAB // _NS



def _sc_agg_body(with_cnt, c_dim, nbuf, k_ahead, nchunks,
                 y_hbm, srcp_hbm, dstp_hbm, zrow_hbm, zvec_hbm, ones_hbm,
                 *refs):
    if with_cnt:
        (tab_out, cnt_out, src_v, dst_v, rows_v, ones_v,
         table_sh, cnt_sh, sems) = refs
    else:
        (tab_out, src_v, dst_v, rows_v, table_sh, sems) = refs
    cid = lax.axis_index("c")
    sid = lax.axis_index("s")
    w = cid * _NS + sid

    pltpu.sync_copy(srcp_hbm.at[w], src_v)
    pltpu.sync_copy(dstp_hbm.at[w], dst_v)

    pltpu.sync_copy(zrow_hbm, table_sh.at[pl.ds(sid * _RPT, _RPT)])
    if with_cnt:
        pltpu.sync_copy(ones_hbm, ones_v)
        pltpu.sync_copy(zvec_hbm, cnt_sh.at[pl.ds(sid * _RPT, _RPT)])
    plsc.subcore_barrier()

    for p in range(k_ahead):
        pltpu.async_copy(y_hbm.at[src_v.at[p]], rows_v.at[p], sems[p])

    def step(s, carry):
        for b in range(nbuf):
            i = nbuf * s + b
            pltpu.make_async_copy(y_hbm.at[src_v.at[i]], rows_v.at[b],
                                  sems[b]).wait()

            bj = (b + k_ahead) % nbuf

            @pl.when(i + k_ahead < nchunks)
            def _():
                @pl.when(i + k_ahead >= nbuf)
                def _():
                    pltpu.make_async_copy(
                        rows_v.at[bj], table_sh.at[dst_v.at[i]],
                        sems[bj]).wait()
                    if with_cnt:
                        pltpu.make_async_copy(
                            ones_v, cnt_sh.at[dst_v.at[i]], sems[bj]).wait()
                pltpu.async_copy(y_hbm.at[src_v.at[i + k_ahead]],
                                 rows_v.at[bj], sems[bj])

            pltpu.async_copy(rows_v.at[b], table_sh.at[dst_v.at[i]], sems[b],
                             add=True)
            if with_cnt:
                pltpu.async_copy(ones_v, cnt_sh.at[dst_v.at[i]], sems[b],
                                 add=True)
        return carry

    lax.fori_loop(0, nchunks // nbuf, step, 0)
    for b in range(nbuf):
        pltpu.make_async_copy(rows_v.at[b], table_sh.at[dst_v.at[0]],
                              sems[b]).wait()
        if with_cnt:
            pltpu.make_async_copy(ones_v, cnt_sh.at[dst_v.at[0]],
                                  sems[b]).wait()
    plsc.subcore_barrier()

    r0 = sid * _RPT
    pltpu.sync_copy(table_sh.at[pl.ds(r0, _RPT)], tab_out.at[cid, pl.ds(r0, _RPT)])
    if with_cnt:
        pltpu.sync_copy(cnt_sh.at[pl.ds(r0, _RPT)], cnt_out.at[cid, pl.ds(r0, _RPT)])


@functools.lru_cache(maxsize=None)
def _make_sc_agg(c_dim, with_cnt, nbuf, k_ahead, chunk):
    nchunks = _EPW // chunk
    mesh = plsc.VectorSubcoreMesh(core_axis_name="c", subcore_axis_name="s")
    out_type = [jax.ShapeDtypeStruct((_NC, _NPAD, c_dim), jnp.float32)]

    def sems():
        return [pltpu.SemaphoreType.DMA for _ in range(nbuf)]
    scratch = [
        pltpu.VMEM((nchunks, chunk), jnp.int32),
        pltpu.VMEM((nchunks, chunk), jnp.int32),
        pltpu.VMEM((nbuf, chunk, c_dim), jnp.float32),
        pltpu.VMEM_SHARED((_NTAB, c_dim), jnp.float32),
        sems(),
    ]
    if with_cnt:
        out_type.append(jax.ShapeDtypeStruct((_NC, _NPAD), jnp.float32))
        scratch = [
            pltpu.VMEM((nchunks, chunk), jnp.int32),
            pltpu.VMEM((nchunks, chunk), jnp.int32),
            pltpu.VMEM((nbuf, chunk, c_dim), jnp.float32),
            pltpu.VMEM((chunk,), jnp.float32),
            pltpu.VMEM_SHARED((_NTAB, c_dim), jnp.float32),
            pltpu.VMEM_SHARED((_NTAB,), jnp.float32),
            sems(),
        ]
    params = None
    if c_dim % 128 != 0:
        params = pltpu.CompilerParams(use_tc_tiling_on_sc=False)
    return pl.kernel(
        functools.partial(_sc_agg_body, with_cnt, c_dim, nbuf, k_ahead, nchunks),
        out_type=out_type,
        mesh=mesh,
        scratch_types=scratch,
        compiler_params=params,
    )


def _sc_agg(y, src_flat, dst_flat, with_cnt=False, nbuf=3, k_ahead=2,
            chunk=40):
    c_dim = y.shape[1]
    nchunks = _EPW // chunk
    k = _make_sc_agg(c_dim, with_cnt, nbuf, k_ahead, chunk)
    srcp = src_flat.reshape(_NW, nchunks, chunk)
    dstp = dst_flat.reshape(_NW, nchunks, chunk)
    zrow = jnp.zeros((_RPT, c_dim), jnp.float32)
    zvec = jnp.zeros((_RPT,), jnp.float32)
    ones = jnp.ones((chunk,), jnp.float32)
    return k(y, srcp, dstp, zrow, zvec, ones)


def _proj_first_body(x_ref, wl_ref, wr_ref, bl_ref, y_ref, z_ref):
    x = x_ref[...]
    y_ref[...] = jnp.dot(x, wl_ref[...], preferred_element_type=jnp.float32)
    z_ref[...] = (
        jnp.dot(x, wr_ref[...], preferred_element_type=jnp.float32) + bl_ref[...]
    )


def _proj_first(x, wl, wr, bl):
    n, din = x.shape
    cout = wl.shape[1]
    return pl.pallas_call(
        _proj_first_body,
        grid=(n // _BLK,),
        in_specs=[
            pl.BlockSpec((_BLK, din), lambda i: (i, 0)),
            pl.BlockSpec((din, cout), lambda i: (0, 0)),
            pl.BlockSpec((din, cout), lambda i: (0, 0)),
            pl.BlockSpec((1, cout), lambda i: (0, 0)),
        ],
        out_specs=[
            pl.BlockSpec((_BLK, cout), lambda i: (i, 0)),
            pl.BlockSpec((_BLK, cout), lambda i: (i, 0)),
        ],
        out_shape=[
            jax.ShapeDtypeStruct((n, cout), jnp.float32),
            jax.ShapeDtypeStruct((n, cout), jnp.float32),
        ],
    )(x, wl, wr, bl.reshape(1, -1))


def _proj_mid_body(t_ref, cnt_ref, z_ref, wl_ref, wr_ref, bl_ref, y_ref, z2_ref):
    i = pl.program_id(0)
    cs = cnt_ref[0, pl.ds(i * _BLK, _BLK)] + cnt_ref[1, pl.ds(i * _BLK, _BLK)]
    invd = 1.0 / jnp.maximum(cs, 1.0)
    agg = t_ref[0] + t_ref[1]
    xn = jnp.maximum(agg * invd[:, None] + z_ref[...], 0.0)
    y_ref[...] = jnp.dot(xn, wl_ref[...], preferred_element_type=jnp.float32)
    z2_ref[...] = (
        jnp.dot(xn, wr_ref[...], preferred_element_type=jnp.float32) + bl_ref[...]
    )


def _proj_mid(t, cnt, z, wl, wr, bl):
    n = t.shape[1]
    din = t.shape[2]
    cout = wl.shape[1]
    return pl.pallas_call(
        _proj_mid_body,
        grid=(n // _BLK,),
        in_specs=[
            pl.BlockSpec((_NC, _BLK, din), lambda i: (0, i, 0)),
            pl.BlockSpec((_NC, n), lambda i: (0, 0)),
            pl.BlockSpec((_BLK, din), lambda i: (i, 0)),
            pl.BlockSpec((din, cout), lambda i: (0, 0)),
            pl.BlockSpec((din, cout), lambda i: (0, 0)),
            pl.BlockSpec((1, cout), lambda i: (0, 0)),
        ],
        out_specs=[
            pl.BlockSpec((_BLK, cout), lambda i: (i, 0)),
            pl.BlockSpec((_BLK, cout), lambda i: (i, 0)),
        ],
        out_shape=[
            jax.ShapeDtypeStruct((n, cout), jnp.float32),
            jax.ShapeDtypeStruct((n, cout), jnp.float32),
        ],
    )(t, cnt, z, wl, wr, bl.reshape(1, -1))


def _final_body(t_ref, cnt_ref, z_ref, out_ref):
    i = pl.program_id(0)
    cs = cnt_ref[0, pl.ds(i * _BLK, _BLK)] + cnt_ref[1, pl.ds(i * _BLK, _BLK)]
    invd = 1.0 / jnp.maximum(cs, 1.0)
    agg = t_ref[0] + t_ref[1]
    out_ref[...] = jnp.maximum(agg * invd[:, None] + z_ref[...], 0.0)


def _final(t, cnt, z):
    n = t.shape[1]
    c = t.shape[2]
    return pl.pallas_call(
        _final_body,
        grid=(n // _BLK,),
        in_specs=[
            pl.BlockSpec((_NC, _BLK, c), lambda i: (0, i, 0)),
            pl.BlockSpec((_NC, n), lambda i: (0, 0)),
            pl.BlockSpec((_BLK, c), lambda i: (i, 0)),
        ],
        out_specs=pl.BlockSpec((_BLK, c), lambda i: (i, 0)),
        out_shape=jax.ShapeDtypeStruct((n, c), jnp.float32),
    )(t, cnt, z)


def kernel(x, edge_index, W1, as1, ad1, b1, W2, as2, ad2, b2, W3, as3, ad3, b3,
           Wp, bp, Wl1, bl1, Wr1, Wl2, bl2, Wr2, Wl3, bl3, Wr3):
    src = edge_index[0]
    dst = edge_index[1]
    pad_idx = _N + (jnp.arange(_EPAD - _E, dtype=jnp.int32) % (_NTAB - _N))
    srcp = jnp.concatenate([src, pad_idx])
    dstp = jnp.concatenate([dst, pad_idx])
    x_pad = jnp.pad(x, ((0, _NPAD - _N), (0, 0)))

    y1, z1 = _proj_first(x_pad, Wl1, Wr1, bl1)
    t1, cnt = _sc_agg(y1, srcp, dstp, with_cnt=True)
    y2, z2 = _proj_mid(t1, cnt, z1, Wl2, Wr2, bl2)
    t2, = _sc_agg(y2, srcp, dstp)
    y3, z3 = _proj_mid(t2, cnt, z2, Wl3, Wr3, bl3)
    t3, = _sc_agg(y3, srcp, dstp, nbuf=6, k_ahead=4, chunk=40)
    out = _final(t3, cnt, z3)
    return out[:_N]

# --- scband reference (transcript-rebuilt; emitter-appended) ---
"""Pipeline reference for scband-gnn-47974784696843 (READ-ONLY COPY).

The authoritative reference and input builder live on the scoring server;
editing this copy changes nothing except your own understanding.
"""

import jax, jax.numpy as jnp
import numpy as np

N = 10000
E = 160000
D = 128
H = 4
C = 128
CO = 32

def _gat(x, src, dst, W, a_s, a_d, b, heads, ch):
    n = x.shape[0]
    h = (x @ W).reshape(n, heads, ch)
    asrc = jnp.sum(h * a_s[None, :, :], axis=-1)
    adst = jnp.sum(h * a_d[None, :, :], axis=-1)
    e = asrc[src] + adst[dst]
    e = jax.nn.leaky_relu(e, negative_slope=0.2)
    m = jax.ops.segment_max(e, dst, num_segments=n)
    m = jnp.where(jnp.isfinite(m), m, 0.0)
    ex = jnp.exp(e - m[dst])
    den = jax.ops.segment_sum(ex, dst, num_segments=n)
    alpha = ex / (den[dst] + 1e-16)
    out = jax.ops.segment_sum(h[src] * alpha[:, :, None], dst, num_segments=n)
    return out.reshape(n, heads * ch) + b

def _sage(x, src, dst, Wl, bl, Wr):
    n = x.shape[0]
    s = jax.ops.segment_sum(x[src], dst, num_segments=n)
    cnt = jax.ops.segment_sum(jnp.ones((src.shape[0],), dtype=x.dtype), dst, num_segments=n)
    mean = s / jnp.clip(cnt, 1.0)[:, None]
    return mean @ Wl + bl + x @ Wr

def setup_inputs(seed: int = 0):
    key = jax.random.key(seed)
    ks = jax.random.split(key, 30)
    def p(i, shape):
        return jax.random.normal(ks[i], shape, dtype=jnp.float32) * 0.05
    inp = {}
    inp["x"] = jax.random.normal(ks[0], (N, D), dtype=jnp.float32)
    inp["edge_index"] = jax.random.randint(ks[1], (2, E), 0, N, dtype=jnp.int32)
    inp["W1"] = p(2, (D, H * C)); inp["as1"] = p(3, (H, C)); inp["ad1"] = p(4, (H, C)); inp["b1"] = p(5, (H * C,))
    inp["W2"] = p(6, (C, H * C)); inp["as2"] = p(7, (H, C)); inp["ad2"] = p(8, (H, C)); inp["b2"] = p(9, (H * C,))
    inp["W3"] = p(10, (C, H * CO)); inp["as3"] = p(11, (H, CO)); inp["ad3"] = p(12, (H, CO)); inp["b3"] = p(13, (H * CO,))
    inp["Wp"] = p(14, (CO, 1)); inp["bp"] = p(15, (1,))
    inp["Wl1"] = p(16, (D, C)); inp["bl1"] = p(17, (C,)); inp["Wr1"] = p(18, (D, C))
    inp["Wl2"] = p(19, (C, C)); inp["bl2"] = p(20, (C,)); inp["Wr2"] = p(21, (C, C))
    inp["Wl3"] = p(22, (C, CO)); inp["bl3"] = p(23, (CO,)); inp["Wr3"] = p(24, (C, CO))
    return inp

def reference(x, edge_index, W1, as1, ad1, b1, W2, as2, ad2, b2, W3, as3, ad3, b3, Wp, bp, Wl1, bl1, Wr1, Wl2, bl2, Wr2, Wl3, bl3, Wr3):
    src = edge_index[0]
    dst = edge_index[1]
    # GAT branch (dropout is identity at inference); note: its result is
    # overwritten by the SAGE branch in the original module, but we compute it
    # faithfully.
    g1 = jax.nn.relu(_gat(x, src, dst, W1, as1, ad1, b1, H, C)).reshape(-1, H, C).mean(axis=1)
    g2 = jax.nn.relu(_gat(g1, src, dst, W2, as2, ad2, b2, H, C)).reshape(-1, H, C).mean(axis=1)
    g3 = jax.nn.relu(_gat(g2, src, dst, W3, as3, ad3, b3, H, CO)).reshape(-1, H, CO).mean(axis=1)
    pen = g3 @ Wp + bp
    g3 = g3 * jnp.exp(pen)
    # SAGE branch (this is what is actually returned)
    s1 = jax.nn.relu(_sage(x, src, dst, Wl1, bl1, Wr1))
    s2 = jax.nn.relu(_sage(s1, src, dst, Wl2, bl2, Wr2))
    s3 = jax.nn.relu(_sage(s2, src, dst, Wl3, bl3, Wr3))
    return s3

if __name__ == "__main__":
    import jax
    _d = setup_inputs()
    print(jax.jit(kernel)(*tuple(_d.values())))

</pallas_src>

<mosaic_0001>
#map = affine_map<(d0, d1) -> (0, 0)>
#map1 = affine_map<(d0, d1) -> (0, 0, 0)>
#map2 = affine_map<(d0, d1) -> (0)>
module attributes {stable_mosaic.version = 14 : i64} {
  func.func @_sc_agg_body(%arg0: i32, %arg1: i32, %arg2: memref<10240x32xf32, #tpu.memory_space<hbm>>, %arg3: memref<32x126x40xi32, #tpu.memory_space<hbm>>, %arg4: memref<32x126x40xi32, #tpu.memory_space<hbm>>, %arg5: memref<640x32xf32, #tpu.memory_space<hbm>>, %arg6: memref<640xf32, #tpu.memory_space<hbm>>, %arg7: memref<40xf32, #tpu.memory_space<hbm>>, %arg8: memref<2x10240x32xf32, #tpu.memory_space<hbm>>, %arg9: memref<126x40xi32, #tpu.memory_space<vmem>>, %arg10: memref<126x40xi32, #tpu.memory_space<vmem>>, %arg11: memref<6x40x32xf32, #tpu.memory_space<vmem>>, %arg12: memref<10240x32xf32, #tpu.memory_space<vmem_shared>>, %arg13: memref<!tpu.dma_semaphore, #tpu.memory_space<semaphore_mem>>, %arg14: memref<!tpu.dma_semaphore, #tpu.memory_space<semaphore_mem>>, %arg15: memref<!tpu.dma_semaphore, #tpu.memory_space<semaphore_mem>>, %arg16: memref<!tpu.dma_semaphore, #tpu.memory_space<semaphore_mem>>, %arg17: memref<!tpu.dma_semaphore, #tpu.memory_space<semaphore_mem>>, %arg18: memref<!tpu.dma_semaphore, #tpu.memory_space<semaphore_mem>>) attributes {dimension_semantics = [#tpu.dimension_semantics<core_parallel>, #tpu.dimension_semantics<subcore_parallel>], iteration_bounds = array<i64: 2, 16>, scalar_prefetch = 0 : i64, scratch_operands = 10 : i64, tpu.core_type = #tpu.core_type<sc_vector_subcore>, window_params = [{transform_indices = #map}, {transform_indices = #map1}, {transform_indices = #map1}, {transform_indices = #map}, {transform_indices = #map2}, {transform_indices = #map2}, {transform_indices = #map1}]} {
    %mul3A = arith.constant 16 : i32
    %mul3A_0 = arith.muli %arg0, %mul3A : i32
    %add3A = arith.addi %mul3A_0, %arg1 : i32
    "tpu.region"() ({
      %run_scoped3A = tpu.sem_alloc : memref<!tpu.dma_semaphore, #tpu.memory_space<semaphore_mem>>
      %dma_start3A_129 = arith.constant 0 : i32
      %dma_start3A_130 = arith.constant 0 : i32
      %dma_start3A_131 = tpu.memref_slice %arg3[%add3A, %dma_start3A_129, %dma_start3A_130] : memref<32x126x40xi32, #tpu.memory_space<hbm>> -> memref<1x126x40xi32, #tpu.memory_space<hbm>>
      %dma_start3A_132 = tpu.memref_squeeze %dma_start3A_131 : memref<1x126x40xi32, #tpu.memory_space<hbm>> -> memref<126x40xi32, #tpu.memory_space<hbm>>
      %dma_start3A_133 = arith.constant 0 : i32
      %dma_start3A_134 = arith.constant 0 : i32
      %dma_start3A_135 = tpu.memref_slice %arg3[%add3A, %dma_start3A_133, %dma_start3A_134] : memref<32x126x40xi32, #tpu.memory_space<hbm>> -> memref<1x126x40xi32, #tpu.memory_space<hbm>>
      %dma_start3A_136 = tpu.memref_squeeze %dma_start3A_135 : memref<1x126x40xi32, #tpu.memory_space<hbm>> -> memref<126x40xi32, #tpu.memory_space<hbm>>
      tpu.enqueue_dma source(%dma_start3A_136 : memref<126x40xi32, #tpu.memory_space<hbm>>) target(%arg9 : memref<126x40xi32, #tpu.memory_space<vmem>>) target_semaphore(%run_scoped3A : memref<!tpu.dma_semaphore, #tpu.memory_space<semaphore_mem>>)
      %dma_wait3A_137 = arith.constant 0 : i32
      %dma_wait3A_138 = arith.constant 0 : i32
      %dma_wait3A_139 = tpu.memref_slice %arg3[%add3A, %dma_wait3A_137, %dma_wait3A_138] : memref<32x126x40xi32, #tpu.memory_space<hbm>> -> memref<1x126x40xi32, #tpu.memory_space<hbm>>
      %dma_wait3A_140 = tpu.memref_squeeze %dma_wait3A_139 : memref<1x126x40xi32, #tpu.memory_space<hbm>> -> memref<126x40xi32, #tpu.memory_space<hbm>>
      %dma_wait3A_141 = arith.constant 0 : i32
      %dma_wait3A_142 = arith.constant 0 : i32
      %dma_wait3A_143 = tpu.memref_slice %arg3[%add3A, %dma_wait3A_141, %dma_wait3A_142] : memref<32x126x40xi32, #tpu.memory_space<hbm>> -> memref<1x126x40xi32, #tpu.memory_space<hbm>>
      %dma_wait3A_144 = tpu.memref_squeeze %dma_wait3A_143 : memref<1x126x40xi32, #tpu.memory_space<hbm>> -> memref<126x40xi32, #tpu.memory_space<hbm>>
      tpu.wait_dma2 semaphore(%run_scoped3A : memref<!tpu.dma_semaphore, #tpu.memory_space<semaphore_mem>>) src(%dma_wait3A_144 : memref<126x40xi32, #tpu.memory_space<hbm>>) dst(%arg9 : memref<126x40xi32, #tpu.memory_space<vmem>>)
      tpu.yield
    }) : () -> ()
    "tpu.region"() ({
      %run_scoped3A = tpu.sem_alloc : memref<!tpu.dma_semaphore, #tpu.memory_space<semaphore_mem>>
      %dma_start3A_129 = arith.constant 0 : i32
      %dma_start3A_130 = arith.constant 0 : i32
      %dma_start3A_131 = tpu.memref_slice %arg4[%add3A, %dma_start3A_129, %dma_start3A_130] : memref<32x126x40xi32, #tpu.memory_space<hbm>> -> memref<1x126x40xi32, #tpu.memory_space<hbm>>
      %dma_start3A_132 = tpu.memref_squeeze %dma_start3A_131 : memref<1x126x40xi32, #tpu.memory_space<hbm>> -> memref<126x40xi32, #tpu.memory_space<hbm>>
      %dma_start3A_133 = arith.constant 0 : i32
      %dma_start3A_134 = arith.constant 0 : i32
      %dma_start3A_135 = tpu.memref_slice %arg4[%add3A, %dma_start3A_133, %dma_start3A_134] : memref<32x126x40xi32, #tpu.memory_space<hbm>> -> memref<1x126x40xi32, #tpu.memory_space<hbm>>
      %dma_start3A_136 = tpu.memref_squeeze %dma_start3A_135 : memref<1x126x40xi32, #tpu.memory_space<hbm>> -> memref<126x40xi32, #tpu.memory_space<hbm>>
      tpu.enqueue_dma source(%dma_start3A_136 : memref<126x40xi32, #tpu.memory_space<hbm>>) target(%arg10 : memref<126x40xi32, #tpu.memory_space<vmem>>) target_semaphore(%run_scoped3A : memref<!tpu.dma_semaphore, #tpu.memory_space<semaphore_mem>>)
      %dma_wait3A_137 = arith.constant 0 : i32
      %dma_wait3A_138 = arith.constant 0 : i32
      %dma_wait3A_139 = tpu.memref_slice %arg4[%add3A, %dma_wait3A_137, %dma_wait3A_138] : memref<32x126x40xi32, #tpu.memory_space<hbm>> -> memref<1x126x40xi32, #tpu.memory_space<hbm>>
      %dma_wait3A_140 = tpu.memref_squeeze %dma_wait3A_139 : memref<1x126x40xi32, #tpu.memory_space<hbm>> -> memref<126x40xi32, #tpu.memory_space<hbm>>
      %dma_wait3A_141 = arith.constant 0 : i32
      %dma_wait3A_142 = arith.constant 0 : i32
      %dma_wait3A_143 = tpu.memref_slice %arg4[%add3A, %dma_wait3A_141, %dma_wait3A_142] : memref<32x126x40xi32, #tpu.memory_space<hbm>> -> memref<1x126x40xi32, #tpu.memory_space<hbm>>
      %dma_wait3A_144 = tpu.memref_squeeze %dma_wait3A_143 : memref<1x126x40xi32, #tpu.memory_space<hbm>> -> memref<126x40xi32, #tpu.memory_space<hbm>>
      tpu.wait_dma2 semaphore(%run_scoped3A : memref<!tpu.dma_semaphore, #tpu.memory_space<semaphore_mem>>) src(%dma_wait3A_144 : memref<126x40xi32, #tpu.memory_space<hbm>>) dst(%arg10 : memref<126x40xi32, #tpu.memory_space<vmem>>)
      tpu.yield
    }) : () -> ()
    %mul3A_1 = arith.constant 640 : i32
    %mul3A_2 = arith.muli %arg1, %mul3A_1 : i32
    "tpu.region"() ({
      %run_scoped3A = tpu.sem_alloc : memref<!tpu.dma_semaphore, #tpu.memory_space<semaphore_mem>>
      %dma_start3A_129 = arith.constant 0 : i32
      %dma_start3A_130 = tpu.memref_slice %arg12[%mul3A_2, %dma_start3A_129] : memref<10240x32xf32, #tpu.memory_space<vmem_shared>> -> memref<640x32xf32, #tpu.memory_space<vmem_shared>>
      tpu.enqueue_dma source(%arg5 : memref<640x32xf32, #tpu.memory_space<hbm>>) target(%dma_start3A_130 : memref<640x32xf32, #tpu.memory_space<vmem_shared>>) target_semaphore(%run_scoped3A : memref<!tpu.dma_semaphore, #tpu.memory_space<semaphore_mem>>)
      %dma_wait3A_131 = arith.constant 0 : i32
      %dma_wait3A_132 = tpu.memref_slice %arg12[%mul3A_2, %dma_wait3A_131] : memref<10240x32xf32, #tpu.memory_space<vmem_shared>> -> memref<640x32xf32, #tpu.memory_space<vmem_shared>>
      tpu.wait_dma2 semaphore(%run_scoped3A : memref<!tpu.dma_semaphore, #tpu.memory_space<semaphore_mem>>) src(%arg5 : memref<640x32xf32, #tpu.memory_space<hbm>>) dst(%dma_wait3A_132 : memref<640x32xf32, #tpu.memory_space<vmem_shared>>)
      tpu.yield
    }) : () -> ()
    %barrier3A = arith.constant 0 : index
    tpu.barrier barrier_id(%barrier3A)
    %dma_start3A = arith.constant 0 : i32
    %dma_start3A_3 = arith.constant 0 : i32
    %dma_start3A_4 = arith.constant 0 : i32
    %dma_start3A_5 = arith.constant 0 : i32
    %dma_start3A_6 = tpu.memref_slice %arg11[%dma_start3A_3, %dma_start3A_4, %dma_start3A_5] : memref<6x40x32xf32, #tpu.memory_space<vmem>> -> memref<1x40x32xf32, #tpu.memory_space<vmem>>
    %dma_start3A_7 = tpu.memref_squeeze %dma_start3A_6 : memref<1x40x32xf32, #tpu.memory_space<vmem>> -> memref<40x32xf32, #tpu.memory_space<vmem>>
    %dma_start3A_8 = arith.constant 0 : i32
    %dma_start3A_9 = tpu.memref_slice %arg9[%dma_start3A, %dma_start3A_8] : memref<126x40xi32, #tpu.memory_space<vmem>> -> memref<1x40xi32, #tpu.memory_space<vmem>>
    %dma_start3A_10 = tpu.memref_squeeze %dma_start3A_9 : memref<1x40xi32, #tpu.memory_space<vmem>> -> memref<40xi32, #tpu.memory_space<vmem>>
    %dma_start3A_11 = arith.constant 0 : i32
    %dma_start3A_12 = arith.constant 0 : i32
    %dma_start3A_13 = tpu.memref_slice %arg2[%dma_start3A_11, %dma_start3A_12] : memref<10240x32xf32, #tpu.memory_space<hbm>> -> memref<10240x32xf32, #tpu.memory_space<hbm>>
    tpu.enqueue_indirect_dma source(%dma_start3A_13 : memref<10240x32xf32, #tpu.memory_space<hbm>>) target(%dma_start3A_7 : memref<40x32xf32, #tpu.memory_space<vmem>>) offsets(%dma_start3A_10 : memref<40xi32, #tpu.memory_space<vmem>>) semaphore(%arg13 : memref<!tpu.dma_semaphore, #tpu.memory_space<semaphore_mem>>)
    %dma_start3A_14 = arith.constant 1 : i32
    %dma_start3A_15 = arith.constant 1 : i32
    %dma_start3A_16 = arith.constant 0 : i32
    %dma_start3A_17 = arith.constant 0 : i32
    %dma_start3A_18 = tpu.memref_slice %arg11[%dma_start3A_15, %dma_start3A_16, %dma_start3A_17] : memref<6x40x32xf32, #tpu.memory_space<vmem>> -> memref<1x40x32xf32, #tpu.memory_space<vmem>>
    %dma_start3A_19 = tpu.memref_squeeze %dma_start3A_18 : memref<1x40x32xf32, #tpu.memory_space<vmem>> -> memref<40x32xf32, #tpu.memory_space<vmem>>
    %dma_start3A_20 = arith.constant 0 : i32
    %dma_start3A_21 = tpu.memref_slice %arg9[%dma_start3A_14, %dma_start3A_20] : memref<126x40xi32, #tpu.memory_space<vmem>> -> memref<1x40xi32, #tpu.memory_space<vmem>>
    %dma_start3A_22 = tpu.memref_squeeze %dma_start3A_21 : memref<1x40xi32, #tpu.memory_space<vmem>> -> memref<40xi32, #tpu.memory_space<vmem>>
    %dma_start3A_23 = arith.constant 0 : i32
    %dma_start3A_24 = arith.constant 0 : i32
    %dma_start3A_25 = tpu.memref_slice %arg2[%dma_start3A_23, %dma_start3A_24] : memref<10240x32xf32, #tpu.memory_space<hbm>> -> memref<10240x32xf32, #tpu.memory_space<hbm>>
    tpu.enqueue_indirect_dma source(%dma_start3A_25 : memref<10240x32xf32, #tpu.memory_space<hbm>>) target(%dma_start3A_19 : memref<40x32xf32, #tpu.memory_space<vmem>>) offsets(%dma_start3A_22 : memref<40xi32, #tpu.memory_space<vmem>>) semaphore(%arg14 : memref<!tpu.dma_semaphore, #tpu.memory_space<semaphore_mem>>)
    %dma_start3A_26 = arith.constant 2 : i32
    %dma_start3A_27 = arith.constant 2 : i32
    %dma_start3A_28 = arith.constant 0 : i32
    %dma_start3A_29 = arith.constant 0 : i32
    %dma_start3A_30 = tpu.memref_slice %arg11[%dma_start3A_27, %dma_start3A_28, %dma_start3A_29] : memref<6x40x32xf32, #tpu.memory_space<vmem>> -> memref<1x40x32xf32, #tpu.memory_space<vmem>>
    %dma_start3A_31 = tpu.memref_squeeze %dma_start3A_30 : memref<1x40x32xf32, #tpu.memory_space<vmem>> -> memref<40x32xf32, #tpu.memory_space<vmem>>
    %dma_start3A_32 = arith.constant 0 : i32
    %dma_start3A_33 = tpu.memref_slice %arg9[%dma_start3A_26, %dma_start3A_32] : memref<126x40xi32, #tpu.memory_space<vmem>> -> memref<1x40xi32, #tpu.memory_space<vmem>>
    %dma_start3A_34 = tpu.memref_squeeze %dma_start3A_33 : memref<1x40xi32, #tpu.memory_space<vmem>> -> memref<40xi32, #tpu.memory_space<vmem>>
    %dma_start3A_35 = arith.constant 0 : i32
    %dma_start3A_36 = arith.constant 0 : i32
    %dma_start3A_37 = tpu.memref_slice %arg2[%dma_start3A_35, %dma_start3A_36] : memref<10240x32xf32, #tpu.memory_space<hbm>> -> memref<10240x32xf32, #tpu.memory_space<hbm>>
    tpu.enqueue_indirect_dma source(%dma_start3A_37 : memref<10240x32xf32, #tpu.memory_space<hbm>>) target(%dma_start3A_31 : memref<40x32xf32, #tpu.memory_space<vmem>>) offsets(%dma_start3A_34 : memref<40xi32, #tpu.memory_space<vmem>>) semaphore(%arg15 : memref<!tpu.dma_semaphore, #tpu.memory_space<semaphore_mem>>)
    %dma_start3A_38 = arith.constant 3 : i32
    %dma_start3A_39 = arith.constant 3 : i32
    %dma_start3A_40 = arith.constant 0 : i32
    %dma_start3A_41 = arith.constant 0 : i32
    %dma_start3A_42 = tpu.memref_slice %arg11[%dma_start3A_39, %dma_start3A_40, %dma_start3A_41] : memref<6x40x32xf32, #tpu.memory_space<vmem>> -> memref<1x40x32xf32, #tpu.memory_space<vmem>>
    %dma_start3A_43 = tpu.memref_squeeze %dma_start3A_42 : memref<1x40x32xf32, #tpu.memory_space<vmem>> -> memref<40x32xf32, #tpu.memory_space<vmem>>
    %dma_start3A_44 = arith.constant 0 : i32
    %dma_start3A_45 = tpu.memref_slice %arg9[%dma_start3A_38, %dma_start3A_44] : memref<126x40xi32, #tpu.memory_space<vmem>> -> memref<1x40xi32, #tpu.memory_space<vmem>>
    %dma_start3A_46 = tpu.memref_squeeze %dma_start3A_45 : memref<1x40xi32, #tpu.memory_space<vmem>> -> memref<40xi32, #tpu.memory_space<vmem>>
    %dma_start3A_47 = arith.constant 0 : i32
    %dma_start3A_48 = arith.constant 0 : i32
    %dma_start3A_49 = tpu.memref_slice %arg2[%dma_start3A_47, %dma_start3A_48] : memref<10240x32xf32, #tpu.memory_space<hbm>> -> memref<10240x32xf32, #tpu.memory_space<hbm>>
    tpu.enqueue_indirect_dma source(%dma_start3A_49 : memref<10240x32xf32, #tpu.memory_space<hbm>>) target(%dma_start3A_43 : memref<40x32xf32, #tpu.memory_space<vmem>>) offsets(%dma_start3A_46 : memref<40xi32, #tpu.memory_space<vmem>>) semaphore(%arg16 : memref<!tpu.dma_semaphore, #tpu.memory_space<semaphore_mem>>)
    %scan3A = arith.constant 0 : i32
    %scan3A_50 = arith.constant 0 : i32
    %scan3A_51 = arith.constant 21 : i32
    %scan3A_52 = arith.addi %scan3A_50, %scan3A_51 : i32
    %scan3A_53 = arith.constant 1 : i32
    scf.for %scan3A_129 = %scan3A_50 to %scan3A_52 step %scan3A_53  : i32 {
      %mul3A_130 = arith.constant 6 : i32
      %mul3A_131 = arith.muli %mul3A_130, %scan3A_129 : i32
      %add3A_132 = arith.constant 0 : i32
      %add3A_133 = arith.addi %mul3A_131, %add3A_132 : i32
      %dma_wait3A_134 = arith.constant 0 : i32
      %dma_wait3A_135 = arith.constant 0 : i32
      %dma_wait3A_136 = arith.constant 0 : i32
      %dma_wait3A_137 = tpu.memref_slice %arg11[%dma_wait3A_134, %dma_wait3A_135, %dma_wait3A_136] : memref<6x40x32xf32, #tpu.memory_space<vmem>> -> memref<1x40x32xf32, #tpu.memory_space<vmem>>
      %dma_wait3A_138 = tpu.memref_squeeze %dma_wait3A_137 : memref<1x40x32xf32, #tpu.memory_space<vmem>> -> memref<40x32xf32, #tpu.memory_space<vmem>>
      %dma_wait3A_139 = arith.constant 0 : i32
      %dma_wait3A_140 = tpu.memref_slice %arg9[%add3A_133, %dma_wait3A_139] : memref<126x40xi32, #tpu.memory_space<vmem>> -> memref<1x40xi32, #tpu.memory_space<vmem>>
      %dma_wait3A_141 = tpu.memref_squeeze %dma_wait3A_140 : memref<1x40xi32, #tpu.memory_space<vmem>> -> memref<40xi32, #tpu.memory_space<vmem>>
      %dma_wait3A_142 = arith.constant 0 : i32
      %dma_wait3A_143 = arith.constant 0 : i32
      %dma_wait3A_144 = tpu.memref_slice %arg2[%dma_wait3A_142, %dma_wait3A_143] : memref<10240x32xf32, #tpu.memory_space<hbm>> -> memref<10240x32xf32, #tpu.memory_space<hbm>>
      tpu.wait_indirect_dma semaphore(%arg13 : memref<!tpu.dma_semaphore, #tpu.memory_space<semaphore_mem>>) src(%dma_wait3A_144 : memref<10240x32xf32, #tpu.memory_space<hbm>>) dst(%dma_wait3A_138 : memref<40x32xf32, #tpu.memory_space<vmem>>)
      %add3A_145 = arith.constant 4 : i32
      %add3A_146 = arith.addi %add3A_133, %add3A_145 : i32
      %lt3A = arith.constant 126 : i32
      %lt3A_147 = arith.cmpi slt, %add3A_146, %lt3A : i32
      %convert_element_type3A = arith.extui %lt3A_147 : i1 to i32
      %cond3A = arith.constant 0 : i32
      %cond3A_148 = arith.cmpi ne, %convert_element_type3A, %cond3A : i32
      scf.if %cond3A_148 {
        %add3A_325 = arith.constant 4 : i32
        %add3A_326 = arith.addi %add3A_133, %add3A_325 : i32
        %ge3A = arith.constant 6 : i32
        %ge3A_327 = arith.cmpi sge, %add3A_326, %ge3A : i32
        %convert_element_type3A_328 = arith.extui %ge3A_327 : i1 to i32
        %cond3A_329 = arith.constant 0 : i32
        %cond3A_330 = arith.cmpi ne, %convert_element_type3A_328, %cond3A_329 : i32
        scf.if %cond3A_330 {
          %dma_wait3A_344 = arith.constant 4 : i32
          %dma_wait3A_345 = arith.constant 0 : i32
          %dma_wait3A_346 = arith.constant 0 : i32
          %dma_wait3A_347 = tpu.memref_slice %arg11[%dma_wait3A_344, %dma_wait3A_345, %dma_wait3A_346] : memref<6x40x32xf32, #tpu.memory_space<vmem>> -> memref<1x40x32xf32, #tpu.memory_space<vmem>>
          %dma_wait3A_348 = tpu.memref_squeeze %dma_wait3A_347 : memref<1x40x32xf32, #tpu.memory_space<vmem>> -> memref<40x32xf32, #tpu.memory_space<vmem>>
          %dma_wait3A_349 = arith.constant 0 : i32
          %dma_wait3A_350 = tpu.memref_slice %arg10[%add3A_133, %dma_wait3A_349] : memref<126x40xi32, #tpu.memory_space<vmem>> -> memref<1x40xi32, #tpu.memory_space<vmem>>
          %dma_wait3A_351 = tpu.memref_squeeze %dma_wait3A_350 : memref<1x40xi32, #tpu.memory_space<vmem>> -> memref<40xi32, #tpu.memory_space<vmem>>
          %dma_wait3A_352 = arith.constant 0 : i32
          %dma_wait3A_353 = arith.constant 0 : i32
          %dma_wait3A_354 = tpu.memref_slice %arg12[%dma_wait3A_352, %dma_wait3A_353] : memref<10240x32xf32, #tpu.memory_space<vmem_shared>> -> memref<10240x32xf32, #tpu.memory_space<vmem_shared>>
          tpu.wait_indirect_dma semaphore(%arg17 : memref<!tpu.dma_semaphore, #tpu.memory_space<semaphore_mem>>) src(%dma_wait3A_348 : memref<40x32xf32, #tpu.memory_space<vmem>>) dst(%dma_wait3A_354 : memref<10240x32xf32, #tpu.memory_space<vmem_shared>>)
        } else {
        }
        %add3A_331 = arith.constant 4 : i32
        %add3A_332 = arith.addi %add3A_133, %add3A_331 : i32
        %dma_start3A_333 = arith.constant 4 : i32
        %dma_start3A_334 = arith.constant 0 : i32
        %dma_start3A_335 = arith.constant 0 : i32
        %dma_start3A_336 = tpu.memref_slice %arg11[%dma_start3A_333, %dma_start3A_334, %dma_start3A_335] : memref<6x40x32xf32, #tpu.memory_space<vmem>> -> memref<1x40x32xf32, #tpu.memory_space<vmem>>
        %dma_start3A_337 = tpu.memref_squeeze %dma_start3A_336 : memref<1x40x32xf32, #tpu.memory_space<vmem>> -> memref<40x32xf32, #tpu.memory_space<vmem>>
        %dma_start3A_338 = arith.constant 0 : i32
        %dma_start3A_339 = tpu.memref_slice %arg9[%add3A_332, %dma_start3A_338] : memref<126x40xi32, #tpu.memory_space<vmem>> -> memref<1x40xi32, #tpu.memory_space<vmem>>
        %dma_start3A_340 = tpu.memref_squeeze %dma_start3A_339 : memref<1x40xi32, #tpu.memory_space<vmem>> -> memref<40xi32, #tpu.memory_space<vmem>>
        %dma_start3A_341 = arith.constant 0 : i32
        %dma_start3A_342 = arith.constant 0 : i32
        %dma_start3A_343 = tpu.memref_slice %arg2[%dma_start3A_341, %dma_start3A_342] : memref<10240x32xf32, #tpu.memory_space<hbm>> -> memref<10240x32xf32, #tpu.memory_space<hbm>>
        tpu.enqueue_indirect_dma source(%dma_start3A_343 : memref<10240x32xf32, #tpu.memory_space<hbm>>) target(%dma_start3A_337 : memref<40x32xf32, #tpu.memory_space<vmem>>) offsets(%dma_start3A_340 : memref<40xi32, #tpu.memory_space<vmem>>) semaphore(%arg17 : memref<!tpu.dma_semaphore, #tpu.memory_space<semaphore_mem>>)
      } else {
      }
      %dma_start3A_149 = arith.constant 0 : i32
      %dma_start3A_150 = arith.constant 0 : i32
      %dma_start3A_151 = arith.constant 0 : i32
      %dma_start3A_152 = tpu.memref_slice %arg11[%dma_start3A_149, %dma_start3A_150, %dma_start3A_151] : memref<6x40x32xf32, #tpu.memory_space<vmem>> -> memref<1x40x32xf32, #tpu.memory_space<vmem>>
      %dma_start3A_153 = tpu.memref_squeeze %dma_start3A_152 : memref<1x40x32xf32, #tpu.memory_space<vmem>> -> memref<40x32xf32, #tpu.memory_space<vmem>>
      %dma_start3A_154 = arith.constant 0 : i32
      %dma_start3A_155 = tpu.memref_slice %arg10[%add3A_133, %dma_start3A_154] : memref<126x40xi32, #tpu.memory_space<vmem>> -> memref<1x40xi32, #tpu.memory_space<vmem>>
      %dma_start3A_156 = tpu.memref_squeeze %dma_start3A_155 : memref<1x40xi32, #tpu.memory_space<vmem>> -> memref<40xi32, #tpu.memory_space<vmem>>
      %dma_start3A_157 = arith.constant 0 : i32
      %dma_start3A_158 = arith.constant 0 : i32
      %dma_start3A_159 = tpu.memref_slice %arg12[%dma_start3A_157, %dma_start3A_158] : memref<10240x32xf32, #tpu.memory_space<vmem_shared>> -> memref<10240x32xf32, #tpu.memory_space<vmem_shared>>
      tpu.enqueue_indirect_dma source(%dma_start3A_153 : memref<40x32xf32, #tpu.memory_space<vmem>>) target(%dma_start3A_159 : memref<10240x32xf32, #tpu.memory_space<vmem_shared>>) offsets(%dma_start3A_156 : memref<40xi32, #tpu.memory_space<vmem>>) semaphore(%arg13 : memref<!tpu.dma_semaphore, #tpu.memory_space<semaphore_mem>>) {add = true}
      %mul3A_160 = arith.constant 6 : i32
      %mul3A_161 = arith.muli %mul3A_160, %scan3A_129 : i32
      %add3A_162 = arith.constant 1 : i32
      %add3A_163 = arith.addi %mul3A_161, %add3A_162 : i32
      %dma_wait3A_164 = arith.constant 1 : i32
      %dma_wait3A_165 = arith.constant 0 : i32
      %dma_wait3A_166 = arith.constant 0 : i32
      %dma_wait3A_167 = tpu.memref_slice %arg11[%dma_wait3A_164, %dma_wait3A_165, %dma_wait3A_166] : memref<6x40x32xf32, #tpu.memory_space<vmem>> -> memref<1x40x32xf32, #tpu.memory_space<vmem>>
      %dma_wait3A_168 = tpu.memref_squeeze %dma_wait3A_167 : memref<1x40x32xf32, #tpu.memory_space<vmem>> -> memref<40x32xf32, #tpu.memory_space<vmem>>
      %dma_wait3A_169 = arith.constant 0 : i32
      %dma_wait3A_170 = tpu.memref_slice %arg9[%add3A_163, %dma_wait3A_169] : memref<126x40xi32, #tpu.memory_space<vmem>> -> memref<1x40xi32, #tpu.memory_space<vmem>>
      %dma_wait3A_171 = tpu.memref_squeeze %dma_wait3A_170 : memref<1x40xi32, #tpu.memory_space<vmem>> -> memref<40xi32, #tpu.memory_space<vmem>>
      %dma_wait3A_172 = arith.constant 0 : i32
      %dma_wait3A_173 = arith.constant 0 : i32
      %dma_wait3A_174 = tpu.memref_slice %arg2[%dma_wait3A_172, %dma_wait3A_173] : memref<10240x32xf32, #tpu.memory_space<hbm>> -> memref<10240x32xf32, #tpu.memory_space<hbm>>
      tpu.wait_indirect_dma semaphore(%arg14 : memref<!tpu.dma_semaphore, #tpu.memory_space<semaphore_mem>>) src(%dma_wait3A_174 : memref<10240x32xf32, #tpu.memory_space<hbm>>) dst(%dma_wait3A_168 : memref<40x32xf32, #tpu.memory_space<vmem>>)
      %add3A_175 = arith.constant 4 : i32
      %add3A_176 = arith.addi %add3A_163, %add3A_175 : i32
      %lt3A_177 = arith.constant 126 : i32
      %lt3A_178 = arith.cmpi slt, %add3A_176, %lt3A_177 : i32
      %convert_element_type3A_179 = arith.extui %lt3A_178 : i1 to i32
      %cond3A_180 = arith.constant 0 : i32
      %cond3A_181 = arith.cmpi ne, %convert_element_type3A_179, %cond3A_180 : i32
      scf.if %cond3A_181 {
        %add3A_325 = arith.constant 4 : i32
        %add3A_326 = arith.addi %add3A_163, %add3A_325 : i32
        %ge3A = arith.constant 6 : i32
        %ge3A_327 = arith.cmpi sge, %add3A_326, %ge3A : i32
        %convert_element_type3A_328 = arith.extui %ge3A_327 : i1 to i32
        %cond3A_329 = arith.constant 0 : i32
        %cond3A_330 = arith.cmpi ne, %convert_element_type3A_328, %cond3A_329 : i32
        scf.if %cond3A_330 {
          %dma_wait3A_344 = arith.constant 5 : i32
          %dma_wait3A_345 = arith.constant 0 : i32
          %dma_wait3A_346 = arith.constant 0 : i32
          %dma_wait3A_347 = tpu.memref_slice %arg11[%dma_wait3A_344, %dma_wait3A_345, %dma_wait3A_346] : memref<6x40x32xf32, #tpu.memory_space<vmem>> -> memref<1x40x32xf32, #tpu.memory_space<vmem>>
          %dma_wait3A_348 = tpu.memref_squeeze %dma_wait3A_347 : memref<1x40x32xf32, #tpu.memory_space<vmem>> -> memref<40x32xf32, #tpu.memory_space<vmem>>
          %dma_wait3A_349 = arith.constant 0 : i32
          %dma_wait3A_350 = tpu.memref_slice %arg10[%add3A_163, %dma_wait3A_349] : memref<126x40xi32, #tpu.memory_space<vmem>> -> memref<1x40xi32, #tpu.memory_space<vmem>>
          %dma_wait3A_351 = tpu.memref_squeeze %dma_wait3A_350 : memref<1x40xi32, #tpu.memory_space<vmem>> -> memref<40xi32, #tpu.memory_space<vmem>>
          %dma_wait3A_352 = arith.constant 0 : i32
          %dma_wait3A_353 = arith.constant 0 : i32
          %dma_wait3A_354 = tpu.memref_slice %arg12[%dma_wait3A_352, %dma_wait3A_353] : memref<10240x32xf32, #tpu.memory_space<vmem_shared>> -> memref<10240x32xf32, #tpu.memory_space<vmem_shared>>
          tpu.wait_indirect_dma semaphore(%arg18 : memref<!tpu.dma_semaphore, #tpu.memory_space<semaphore_mem>>) src(%dma_wait3A_348 : memref<40x32xf32, #tpu.memory_space<vmem>>) dst(%dma_wait3A_354 : memref<10240x32xf32, #tpu.memory_space<vmem_shared>>)
        } else {
        }
        %add3A_331 = arith.constant 4 : i32
        %add3A_332 = arith.addi %add3A_163, %add3A_331 : i32
        %dma_start3A_333 = arith.constant 5 : i32
        %dma_start3A_334 = arith.constant 0 : i32
        %dma_start3A_335 = arith.constant 0 : i32
        %dma_start3A_336 = tpu.memref_slice %arg11[%dma_start3A_333, %dma_start3A_334, %dma_start3A_335] : memref<6x40x32xf32, #tpu.memory_space<vmem>> -> memref<1x40x32xf32, #tpu.memory_space<vmem>>
        %dma_start3A_337 = tpu.memref_squeeze %dma_start3A_336 : memref<1x40x32xf32, #tpu.memory_space<vmem>> -> memref<40x32xf32, #tpu.memory_space<vmem>>
        %dma_start3A_338 = arith.constant 0 : i32
        %dma_start3A_339 = tpu.memref_slice %arg9[%add3A_332, %dma_start3A_338] : memref<126x40xi32, #tpu.memory_space<vmem>> -> memref<1x40xi32, #tpu.memory_space<vmem>>
        %dma_start3A_340 = tpu.memref_squeeze %dma_start3A_339 : memref<1x40xi32, #tpu.memory_space<vmem>> -> memref<40xi32, #tpu.memory_space<vmem>>
        %dma_start3A_341 = arith.constant 0 : i32
        %dma_start3A_342 = arith.constant 0 : i32
        %dma_start3A_343 = tpu.memref_slice %arg2[%dma_start3A_341, %dma_start3A_342] : memref<10240x32xf32, #tpu.memory_space<hbm>> -> memref<10240x32xf32, #tpu.memory_space<hbm>>
        tpu.enqueue_indirect_dma source(%dma_start3A_343 : memref<10240x32xf32, #tpu.memory_space<hbm>>) target(%dma_start3A_337 : memref<40x32xf32, #tpu.memory_space<vmem>>) offsets(%dma_start3A_340 : memref<40xi32, #tpu.memory_space<vmem>>) semaphore(%arg18 : memref<!tpu.dma_semaphore, #tpu.memory_space<semaphore_mem>>)
      } else {
      }
      %dma_start3A_182 = arith.constant 1 : i32
      %dma_start3A_183 = arith.constant 0 : i32
      %dma_start3A_184 = arith.constant 0 : i32
      %dma_start3A_185 = tpu.memref_slice %arg11[%dma_start3A_182, %dma_start3A_183, %dma_start3A_184] : memref<6x40x32xf32, #tpu.memory_space<vmem>> -> memref<1x40x32xf32, #tpu.memory_space<vmem>>
      %dma_start3A_186 = tpu.memref_squeeze %dma_start3A_185 : memref<1x40x32xf32, #tpu.memory_space<vmem>> -> memref<40x32xf32, #tpu.memory_space<vmem>>
      %dma_start3A_187 = arith.constant 0 : i32
      %dma_start3A_188 = tpu.memref_slice %arg10[%add3A_163, %dma_start3A_187] : memref<126x40xi32, #tpu.memory_space<vmem>> -> memref<1x40xi32, #tpu.memory_space<vmem>>
      %dma_start3A_189 = tpu.memref_squeeze %dma_start3A_188 : memref<1x40xi32, #tpu.memory_space<vmem>> -> memref<40xi32, #tpu.memory_space<vmem>>
      %dma_start3A_190 = arith.constant 0 : i32
      %dma_start3A_191 = arith.constant 0 : i32
      %dma_start3A_192 = tpu.memref_slice %arg12[%dma_start3A_190, %dma_start3A_191] : memref<10240x32xf32, #tpu.memory_space<vmem_shared>> -> memref<10240x32xf32, #tpu.memory_space<vmem_shared>>
      tpu.enqueue_indirect_dma source(%dma_start3A_186 : memref<40x32xf32, #tpu.memory_space<vmem>>) target(%dma_start3A_192 : memref<10240x32xf32, #tpu.memory_space<vmem_shared>>) offsets(%dma_start3A_189 : memref<40xi32, #tpu.memory_space<vmem>>) semaphore(%arg14 : memref<!tpu.dma_semaphore, #tpu.memory_space<semaphore_mem>>) {add = true}
      %mul3A_193 = arith.constant 6 : i32
      %mul3A_194 = arith.muli %mul3A_193, %scan3A_129 : i32
      %add3A_195 = arith.constant 2 : i32
      %add3A_196 = arith.addi %mul3A_194, %add3A_195 : i32
      %dma_wait3A_197 = arith.constant 2 : i32
      %dma_wait3A_198 = arith.constant 0 : i32
      %dma_wait3A_199 = arith.constant 0 : i32
      %dma_wait3A_200 = tpu.memref_slice %arg11[%dma_wait3A_197, %dma_wait3A_198, %dma_wait3A_199] : memref<6x40x32xf32, #tpu.memory_space<vmem>> -> memref<1x40x32xf32, #tpu.memory_space<vmem>>
      %dma_wait3A_201 = tpu.memref_squeeze %dma_wait3A_200 : memref<1x40x32xf32, #tpu.memory_space<vmem>> -> memref<40x32xf32, #tpu.memory_space<vmem>>
      %dma_wait3A_202 = arith.constant 0 : i32
      %dma_wait3A_203 = tpu.memref_slice %arg9[%add3A_196, %dma_wait3A_202] : memref<126x40xi32, #tpu.memory_space<vmem>> -> memref<1x40xi32, #tpu.memory_space<vmem>>
      %dma_wait3A_204 = tpu.memref_squeeze %dma_wait3A_203 : memref<1x40xi32, #tpu.memory_space<vmem>> -> memref<40xi32, #tpu.memory_space<vmem>>
      %dma_wait3A_205 = arith.constant 0 : i32
      %dma_wait3A_206 = arith.constant 0 : i32
      %dma_wait3A_207 = tpu.memref_slice %arg2[%dma_wait3A_205, %dma_wait3A_206] : memref<10240x32xf32, #tpu.memory_space<hbm>> -> memref<10240x32xf32, #tpu.memory_space<hbm>>
      tpu.wait_indirect_dma semaphore(%arg15 : memref<!tpu.dma_semaphore, #tpu.memory_space<semaphore_mem>>) src(%dma_wait3A_207 : memref<10240x32xf32, #tpu.memory_space<hbm>>) dst(%dma_wait3A_201 : memref<40x32xf32, #tpu.memory_space<vmem>>)
      %add3A_208 = arith.constant 4 : i32
      %add3A_209 = arith.addi %add3A_196, %add3A_208 : i32
      %lt3A_210 = arith.constant 126 : i32
      %lt3A_211 = arith.cmpi slt, %add3A_209, %lt3A_210 : i32
      %convert_element_type3A_212 = arith.extui %lt3A_211 : i1 to i32
      %cond3A_213 = arith.constant 0 : i32
      %cond3A_214 = arith.cmpi ne, %convert_element_type3A_212, %cond3A_213 : i32
      scf.if %cond3A_214 {
        %add3A_325 = arith.constant 4 : i32
        %add3A_326 = arith.addi %add3A_196, %add3A_325 : i32
        %ge3A = arith.constant 6 : i32
        %ge3A_327 = arith.cmpi sge, %add3A_326, %ge3A : i32
        %convert_element_type3A_328 = arith.extui %ge3A_327 : i1 to i32
        %cond3A_329 = arith.constant 0 : i32
        %cond3A_330 = arith.cmpi ne, %convert_element_type3A_328, %cond3A_329 : i32
        scf.if %cond3A_330 {
          %dma_wait3A_344 = arith.constant 0 : i32
          %dma_wait3A_345 = arith.constant 0 : i32
          %dma_wait3A_346 = arith.constant 0 : i32
          %dma_wait3A_347 = tpu.memref_slice %arg11[%dma_wait3A_344, %dma_wait3A_345, %dma_wait3A_346] : memref<6x40x32xf32, #tpu.memory_space<vmem>> -> memref<1x40x32xf32, #tpu.memory_space<vmem>>
          %dma_wait3A_348 = tpu.memref_squeeze %dma_wait3A_347 : memref<1x40x32xf32, #tpu.memory_space<vmem>> -> memref<40x32xf32, #tpu.memory_space<vmem>>
          %dma_wait3A_349 = arith.constant 0 : i32
          %dma_wait3A_350 = tpu.memref_slice %arg10[%add3A_196, %dma_wait3A_349] : memref<126x40xi32, #tpu.memory_space<vmem>> -> memref<1x40xi32, #tpu.memory_space<vmem>>
          %dma_wait3A_351 = tpu.memref_squeeze %dma_wait3A_350 : memref<1x40xi32, #tpu.memory_space<vmem>> -> memref<40xi32, #tpu.memory_space<vmem>>
          %dma_wait3A_352 = arith.constant 0 : i32
          %dma_wait3A_353 = arith.constant 0 : i32
          %dma_wait3A_354 = tpu.memref_slice %arg12[%dma_wait3A_352, %dma_wait3A_353] : memref<10240x32xf32, #tpu.memory_space<vmem_shared>> -> memref<10240x32xf32, #tpu.memory_space<vmem_shared>>
          tpu.wait_indirect_dma semaphore(%arg13 : memref<!tpu.dma_semaphore, #tpu.memory_space<semaphore_mem>>) src(%dma_wait3A_348 : memref<40x32xf32, #tpu.memory_space<vmem>>) dst(%dma_wait3A_354 : memref<10240x32xf32, #tpu.memory_space<vmem_shared>>)
        } else {
        }
        %add3A_331 = arith.constant 4 : i32
        %add3A_332 = arith.addi %add3A_196, %add3A_331 : i32
        %dma_start3A_333 = arith.constant 0 : i32
        %dma_start3A_334 = arith.constant 0 : i32
        %dma_start3A_335 = arith.constant 0 : i32
        %dma_start3A_336 = tpu.memref_slice %arg11[%dma_start3A_333, %dma_start3A_334, %dma_start3A_335] : memref<6x40x32xf32, #tpu.memory_space<vmem>> -> memref<1x40x32xf32, #tpu.memory_space<vmem>>
        %dma_start3A_337 = tpu.memref_squeeze %dma_start3A_336 : memref<1x40x32xf32, #tpu.memory_space<vmem>> -> memref<40x32xf32, #tpu.memory_space<vmem>>
        %dma_start3A_338 = arith.constant 0 : i32
        %dma_start3A_339 = tpu.memref_slice %arg9[%add3A_332, %dma_start3A_338] : memref<126x40xi32, #tpu.memory_space<vmem>> -> memref<1x40xi32, #tpu.memory_space<vmem>>
        %dma_start3A_340 = tpu.memref_squeeze %dma_start3A_339 : memref<1x40xi32, #tpu.memory_space<vmem>> -> memref<40xi32, #tpu.memory_space<vmem>>
        %dma_start3A_341 = arith.constant 0 : i32
        %dma_start3A_342 = arith.constant 0 : i32
        %dma_start3A_343 = tpu.memref_slice %arg2[%dma_start3A_341, %dma_start3A_342] : memref<10240x32xf32, #tpu.memory_space<hbm>> -> memref<10240x32xf32, #tpu.memory_space<hbm>>
        tpu.enqueue_indirect_dma source(%dma_start3A_343 : memref<10240x32xf32, #tpu.memory_space<hbm>>) target(%dma_start3A_337 : memref<40x32xf32, #tpu.memory_space<vmem>>) offsets(%dma_start3A_340 : memref<40xi32, #tpu.memory_space<vmem>>) semaphore(%arg13 : memref<!tpu.dma_semaphore, #tpu.memory_space<semaphore_mem>>)
      } else {
      }
      %dma_start3A_215 = arith.constant 2 : i32
      %dma_start3A_216 = arith.constant 0 : i32
      %dma_start3A_217 = arith.constant 0 : i32
      %dma_start3A_218 = tpu.memref_slice %arg11[%dma_start3A_215, %dma_start3A_216, %dma_start3A_217] : memref<6x40x32xf32, #tpu.memory_space<vmem>> -> memref<1x40x32xf32, #tpu.memory_space<vmem>>
      %dma_start3A_219 = tpu.memref_squeeze %dma_start3A_218 : memref<1x40x32xf32, #tpu.memory_space<vmem>> -> memref<40x32xf32, #tpu.memory_space<vmem>>
      %dma_start3A_220 = arith.constant 0 : i32
      %dma_start3A_221 = tpu.memref_slice %arg10[%add3A_196, %dma_start3A_220] : memref<126x40xi32, #tpu.memory_space<vmem>> -> memref<1x40xi32, #tpu.memory_space<vmem>>
      %dma_start3A_222 = tpu.memref_squeeze %dma_start3A_221 : memref<1x40xi32, #tpu.memory_space<vmem>> -> memref<40xi32, #tpu.memory_space<vmem>>
      %dma_start3A_223 = arith.constant 0 : i32
      %dma_start3A_224 = arith.constant 0 : i32
      %dma_start3A_225 = tpu.memref_slice %arg12[%dma_start3A_223, %dma_start3A_224] : memref<10240x32xf32, #tpu.memory_space<vmem_shared>> -> memref<10240x32xf32, #tpu.memory_space<vmem_shared>>
      tpu.enqueue_indirect_dma source(%dma_start3A_219 : memref<40x32xf32, #tpu.memory_space<vmem>>) target(%dma_start3A_225 : memref<10240x32xf32, #tpu.memory_space<vmem_shared>>) offsets(%dma_start3A_222 : memref<40xi32, #tpu.memory_space<vmem>>) semaphore(%arg15 : memref<!tpu.dma_semaphore, #tpu.memory_space<semaphore_mem>>) {add = true}
      %mul3A_226 = arith.constant 6 : i32
      %mul3A_227 = arith.muli %mul3A_226, %scan3A_129 : i32
      %add3A_228 = arith.constant 3 : i32
      %add3A_229 = arith.addi %mul3A_227, %add3A_228 : i32
      %dma_wait3A_230 = arith.constant 3 : i32
      %dma_wait3A_231 = arith.constant 0 : i32
      %dma_wait3A_232 = arith.constant 0 : i32
      %dma_wait3A_233 = tpu.memref_slice %arg11[%dma_wait3A_230, %dma_wait3A_231, %dma_wait3A_232] : memref<6x40x32xf32, #tpu.memory_space<vmem>> -> memref<1x40x32xf32, #tpu.memory_space<vmem>>
      %dma_wait3A_234 = tpu.memref_squeeze %dma_wait3A_233 : memref<1x40x32xf32, #tpu.memory_space<vmem>> -> memref<40x32xf32, #tpu.memory_space<vmem>>
      %dma_wait3A_235 = arith.constant 0 : i32
      %dma_wait3A_236 = tpu.memref_slice %arg9[%add3A_229, %dma_wait3A_235] : memref<126x40xi32, #tpu.memory_space<vmem>> -> memref<1x40xi32, #tpu.memory_space<vmem>>
      %dma_wait3A_237 = tpu.memref_squeeze %dma_wait3A_236 : memref<1x40xi32, #tpu.memory_space<vmem>> -> memref<40xi32, #tpu.memory_space<vmem>>
      %dma_wait3A_238 = arith.constant 0 : i32
      %dma_wait3A_239 = arith.constant 0 : i32
      %dma_wait3A_240 = tpu.memref_slice %arg2[%dma_wait3A_238, %dma_wait3A_239] : memref<10240x32xf32, #tpu.memory_space<hbm>> -> memref<10240x32xf32, #tpu.memory_space<hbm>>
      tpu.wait_indirect_dma semaphore(%arg16 : memref<!tpu.dma_semaphore, #tpu.memory_space<semaphore_mem>>) src(%dma_wait3A_240 : memref<10240x32xf32, #tpu.memory_space<hbm>>) dst(%dma_wait3A_234 : memref<40x32xf32, #tpu.memory_space<vmem>>)
      %add3A_241 = arith.constant 4 : i32
      %add3A_242 = arith.addi %add3A_229, %add3A_241 : i32
      %lt3A_243 = arith.constant 126 : i32
      %lt3A_244 = arith.cmpi slt, %add3A_242, %lt3A_243 : i32
      %convert_element_type3A_245 = arith.extui %lt3A_244 : i1 to i32
      %cond3A_246 = arith.constant 0 : i32
      %cond3A_247 = arith.cmpi ne, %convert_element_type3A_245, %cond3A_246 : i32
      scf.if %cond3A_247 {
        %add3A_325 = arith.constant 4 : i32
        %add3A_326 = arith.addi %add3A_229, %add3A_325 : i32
        %ge3A = arith.constant 6 : i32
        %ge3A_327 = arith.cmpi sge, %add3A_326, %ge3A : i32
        %convert_element_type3A_328 = arith.extui %ge3A_327 : i1 to i32
        %cond3A_329 = arith.constant 0 : i32
        %cond3A_330 = arith.cmpi ne, %convert_element_type3A_328, %cond3A_329 : i32
        scf.if %cond3A_330 {
          %dma_wait3A_344 = arith.constant 1 : i32
          %dma_wait3A_345 = arith.constant 0 : i32
          %dma_wait3A_346 = arith.constant 0 : i32
          %dma_wait3A_347 = tpu.memref_slice %arg11[%dma_wait3A_344, %dma_wait3A_345, %dma_wait3A_346] : memref<6x40x32xf32, #tpu.memory_space<vmem>> -> memref<1x40x32xf32, #tpu.memory_space<vmem>>
          %dma_wait3A_348 = tpu.memref_squeeze %dma_wait3A_347 : memref<1x40x32xf32, #tpu.memory_space<vmem>> -> memref<40x32xf32, #tpu.memory_space<vmem>>
          %dma_wait3A_349 = arith.constant 0 : i32
          %dma_wait3A_350 = tpu.memref_slice %arg10[%add3A_229, %dma_wait3A_349] : memref<126x40xi32, #tpu.memory_space<vmem>> -> memref<1x40xi32, #tpu.memory_space<vmem>>
          %dma_wait3A_351 = tpu.memref_squeeze %dma_wait3A_350 : memref<1x40xi32, #tpu.memory_space<vmem>> -> memref<40xi32, #tpu.memory_space<vmem>>
          %dma_wait3A_352 = arith.constant 0 : i32
          %dma_wait3A_353 = arith.constant 0 : i32
          %dma_wait3A_354 = tpu.memref_slice %arg12[%dma_wait3A_352, %dma_wait3A_353] : memref<10240x32xf32, #tpu.memory_space<vmem_shared>> -> memref<10240x32xf32, #tpu.memory_space<vmem_shared>>
          tpu.wait_indirect_dma semaphore(%arg14 : memref<!tpu.dma_semaphore, #tpu.memory_space<semaphore_mem>>) src(%dma_wait3A_348 : memref<40x32xf32, #tpu.memory_space<vmem>>) dst(%dma_wait3A_354 : memref<10240x32xf32, #tpu.memory_space<vmem_shared>>)
        } else {
        }
        %add3A_331 = arith.constant 4 : i32
        %add3A_332 = arith.addi %add3A_229, %add3A_331 : i32
        %dma_start3A_333 = arith.constant 1 : i32
        %dma_start3A_334 = arith.constant 0 : i32
        %dma_start3A_335 = arith.constant 0 : i32
        %dma_start3A_336 = tpu.memref_slice %arg11[%dma_start3A_333, %dma_start3A_334, %dma_start3A_335] : memref<6x40x32xf32, #tpu.memory_space<vmem>> -> memref<1x40x32xf32, #tpu.memory_space<vmem>>
        %dma_start3A_337 = tpu.memref_squeeze %dma_start3A_336 : memref<1x40x32xf32, #tpu.memory_space<vmem>> -> memref<40x32xf32, #tpu.memory_space<vmem>>
        %dma_start3A_338 = arith.constant 0 : i32
        %dma_start3A_339 = tpu.memref_slice %arg9[%add3A_332, %dma_start3A_338] : memref<126x40xi32, #tpu.memory_space<vmem>> -> memref<1x40xi32, #tpu.memory_space<vmem>>
        %dma_start3A_340 = tpu.memref_squeeze %dma_start3A_339 : memref<1x40xi32, #tpu.memory_space<vmem>> -> memref<40xi32, #tpu.memory_space<vmem>>
        %dma_start3A_341 = arith.constant 0 : i32
        %dma_start3A_342 = arith.constant 0 : i32
        %dma_start3A_343 = tpu.memref_slice %arg2[%dma_start3A_341, %dma_start3A_342] : memref<10240x32xf32, #tpu.memory_space<hbm>> -> memref<10240x32xf32, #tpu.memory_space<hbm>>
        tpu.enqueue_indirect_dma source(%dma_start3A_343 : memref<10240x32xf32, #tpu.memory_space<hbm>>) target(%dma_start3A_337 : memref<40x32xf32, #tpu.memory_space<vmem>>) offsets(%dma_start3A_340 : memref<40xi32, #tpu.memory_space<vmem>>) semaphore(%arg14 : memref<!tpu.dma_semaphore, #tpu.memory_space<semaphore_mem>>)
      } else {
      }
      %dma_start3A_248 = arith.constant 3 : i32
      %dma_start3A_249 = arith.constant 0 : i32
      %dma_start3A_250 = arith.constant 0 : i32
      %dma_start3A_251 = tpu.memref_slice %arg11[%dma_start3A_248, %dma_start3A_249, %dma_start3A_250] : memref<6x40x32xf32, #tpu.memory_space<vmem>> -> memref<1x40x32xf32, #tpu.memory_space<vmem>>
      %dma_start3A_252 = tpu.memref_squeeze %dma_start3A_251 : memref<1x40x32xf32, #tpu.memory_space<vmem>> -> memref<40x32xf32, #tpu.memory_space<vmem>>
      %dma_start3A_253 = arith.constant 0 : i32
      %dma_start3A_254 = tpu.memref_slice %arg10[%add3A_229, %dma_start3A_253] : memref<126x40xi32, #tpu.memory_space<vmem>> -> memref<1x40xi32, #tpu.memory_space<vmem>>
      %dma_start3A_255 = tpu.memref_squeeze %dma_start3A_254 : memref<1x40xi32, #tpu.memory_space<vmem>> -> memref<40xi32, #tpu.memory_space<vmem>>
      %dma_start3A_256 = arith.constant 0 : i32
      %dma_start3A_257 = arith.constant 0 : i32
      %dma_start3A_258 = tpu.memref_slice %arg12[%dma_start3A_256, %dma_start3A_257] : memref<10240x32xf32, #tpu.memory_space<vmem_shared>> -> memref<10240x32xf32, #tpu.memory_space<vmem_shared>>
      tpu.enqueue_indirect_dma source(%dma_start3A_252 : memref<40x32xf32, #tpu.memory_space<vmem>>) target(%dma_start3A_258 : memref<10240x32xf32, #tpu.memory_space<vmem_shared>>) offsets(%dma_start3A_255 : memref<40xi32, #tpu.memory_space<vmem>>) semaphore(%arg16 : memref<!tpu.dma_semaphore, #tpu.memory_space<semaphore_mem>>) {add = true}
      %mul3A_259 = arith.constant 6 : i32
      %mul3A_260 = arith.muli %mul3A_259, %scan3A_129 : i32
      %add3A_261 = arith.constant 4 : i32
      %add3A_262 = arith.addi %mul3A_260, %add3A_261 : i32
      %dma_wait3A_263 = arith.constant 4 : i32
      %dma_wait3A_264 = arith.constant 0 : i32
      %dma_wait3A_265 = arith.constant 0 : i32
      %dma_wait3A_266 = tpu.memref_slice %arg11[%dma_wait3A_263, %dma_wait3A_264, %dma_wait3A_265] : memref<6x40x32xf32, #tpu.memory_space<vmem>> -> memref<1x40x32xf32, #tpu.memory_space<vmem>>
      %dma_wait3A_267 = tpu.memref_squeeze %dma_wait3A_266 : memref<1x40x32xf32, #tpu.memory_space<vmem>> -> memref<40x32xf32, #tpu.memory_space<vmem>>
      %dma_wait3A_268 = arith.constant 0 : i32
      %dma_wait3A_269 = tpu.memref_slice %arg9[%add3A_262, %dma_wait3A_268] : memref<126x40xi32, #tpu.memory_space<vmem>> -> memref<1x40xi32, #tpu.memory_space<vmem>>
      %dma_wait3A_270 = tpu.memref_squeeze %dma_wait3A_269 : memref<1x40xi32, #tpu.memory_space<vmem>> -> memref<40xi32, #tpu.memory_space<vmem>>
      %dma_wait3A_271 = arith.constant 0 : i32
      %dma_wait3A_272 = arith.constant 0 : i32
      %dma_wait3A_273 = tpu.memref_slice %arg2[%dma_wait3A_271, %dma_wait3A_272] : memref<10240x32xf32, #tpu.memory_space<hbm>> -> memref<10240x32xf32, #tpu.memory_space<hbm>>
      tpu.wait_indirect_dma semaphore(%arg17 : memref<!tpu.dma_semaphore, #tpu.memory_space<semaphore_mem>>) src(%dma_wait3A_273 : memref<10240x32xf32, #tpu.memory_space<hbm>>) dst(%dma_wait3A_267 : memref<40x32xf32, #tpu.memory_space<vmem>>)
      %add3A_274 = arith.constant 4 : i32
      %add3A_275 = arith.addi %add3A_262, %add3A_274 : i32
      %lt3A_276 = arith.constant 126 : i32
      %lt3A_277 = arith.cmpi slt, %add3A_275, %lt3A_276 : i32
      %convert_element_type3A_278 = arith.extui %lt3A_277 : i1 to i32
      %cond3A_279 = arith.constant 0 : i32
      %cond3A_280 = arith.cmpi ne, %convert_element_type3A_278, %cond3A_279 : i32
      scf.if %cond3A_280 {
        %add3A_325 = arith.constant 4 : i32
        %add3A_326 = arith.addi %add3A_262, %add3A_325 : i32
        %ge3A = arith.constant 6 : i32
        %ge3A_327 = arith.cmpi sge, %add3A_326, %ge3A : i32
        %convert_element_type3A_328 = arith.extui %ge3A_327 : i1 to i32
        %cond3A_329 = arith.constant 0 : i32
        %cond3A_330 = arith.cmpi ne, %convert_element_type3A_328, %cond3A_329 : i32
        scf.if %cond3A_330 {
          %dma_wait3A_344 = arith.constant 2 : i32
          %dma_wait3A_345 = arith.constant 0 : i32
          %dma_wait3A_346 = arith.constant 0 : i32
          %dma_wait3A_347 = tpu.memref_slice %arg11[%dma_wait3A_344, %dma_wait3A_345, %dma_wait3A_346] : memref<6x40x32xf32, #tpu.memory_space<vmem>> -> memref<1x40x32xf32, #tpu.memory_space<vmem>>
          %dma_wait3A_348 = tpu.memref_squeeze %dma_wait3A_347 : memref<1x40x32xf32, #tpu.memory_space<vmem>> -> memref<40x32xf32, #tpu.memory_space<vmem>>
          %dma_wait3A_349 = arith.constant 0 : i32
          %dma_wait3A_350 = tpu.memref_slice %arg10[%add3A_262, %dma_wait3A_349] : memref<126x40xi32, #tpu.memory_space<vmem>> -> memref<1x40xi32, #tpu.memory_space<vmem>>
          %dma_wait3A_351 = tpu.memref_squeeze %dma_wait3A_350 : memref<1x40xi32, #tpu.memory_space<vmem>> -> memref<40xi32, #tpu.memory_space<vmem>>
          %dma_wait3A_352 = arith.constant 0 : i32
          %dma_wait3A_353 = arith.constant 0 : i32
          %dma_wait3A_354 = tpu.memref_slice %arg12[%dma_wait3A_352, %dma_wait3A_353] : memref<10240x32xf32, #tpu.memory_space<vmem_shared>> -> memref<10240x32xf32, #tpu.memory_space<vmem_shared>>
          tpu.wait_indirect_dma semaphore(%arg15 : memref<!tpu.dma_semaphore, #tpu.memory_space<semaphore_mem>>) src(%dma_wait3A_348 : memref<40x32xf32, #tpu.memory_space<vmem>>) dst(%dma_wait3A_354 : memref<10240x32xf32, #tpu.memory_space<vmem_shared>>)
        } else {
        }
        %add3A_331 = arith.constant 4 : i32
        %add3A_332 = arith.addi %add3A_262, %add3A_331 : i32
        %dma_start3A_333 = arith.constant 2 : i32
        %dma_start3A_334 = arith.constant 0 : i32
        %dma_start3A_335 = arith.constant 0 : i32
        %dma_start3A_336 = tpu.memref_slice %arg11[%dma_start3A_333, %dma_start3A_334, %dma_start3A_335] : memref<6x40x32xf32, #tpu.memory_space<vmem>> -> memref<1x40x32xf32, #tpu.memory_space<vmem>>
        %dma_start3A_337 = tpu.memref_squeeze %dma_start3A_336 : memref<1x40x32xf32, #tpu.memory_space<vmem>> -> memref<40x32xf32, #tpu.memory_space<vmem>>
        %dma_start3A_338 = arith.constant 0 : i32
        %dma_start3A_339 = tpu.memref_slice %arg9[%add3A_332, %dma_start3A_338] : memref<126x40xi32, #tpu.memory_space<vmem>> -> memref<1x40xi32, #tpu.memory_space<vmem>>
        %dma_start3A_340 = tpu.memref_squeeze %dma_start3A_339 : memref<1x40xi32, #tpu.memory_space<vmem>> -> memref<40xi32, #tpu.memory_space<vmem>>
        %dma_start3A_341 = arith.constant 0 : i32
        %dma_start3A_342 = arith.constant 0 : i32
        %dma_start3A_343 = tpu.memref_slice %arg2[%dma_start3A_341, %dma_start3A_342] : memref<10240x32xf32, #tpu.memory_space<hbm>> -> memref<10240x32xf32, #tpu.memory_space<hbm>>
        tpu.enqueue_indirect_dma source(%dma_start3A_343 : memref<10240x32xf32, #tpu.memory_space<hbm>>) target(%dma_start3A_337 : memref<40x32xf32, #tpu.memory_space<vmem>>) offsets(%dma_start3A_340 : memref<40xi32, #tpu.memory_space<vmem>>) semaphore(%arg15 : memref<!tpu.dma_semaphore, #tpu.memory_space<semaphore_mem>>)
      } else {
      }
      %dma_start3A_281 = arith.constant 4 : i32
      %dma_start3A_282 = arith.constant 0 : i32
      %dma_start3A_283 = arith.constant 0 : i32
      %dma_start3A_284 = tpu.memref_slice %arg11[%dma_start3A_281, %dma_start3A_282, %dma_start3A_283] : memref<6x40x32xf32, #tpu.memory_space<vmem>> -> memref<1x40x32xf32, #tpu.memory_space<vmem>>
      %dma_start3A_285 = tpu.memref_squeeze %dma_start3A_284 : memref<1x40x32xf32, #tpu.memory_space<vmem>> -> memref<40x32xf32, #tpu.memory_space<vmem>>
      %dma_start3A_286 = arith.constant 0 : i32
      %dma_start3A_287 = tpu.memref_slice %arg10[%add3A_262, %dma_start3A_286] : memref<126x40xi32, #tpu.memory_space<vmem>> -> memref<1x40xi32, #tpu.memory_space<vmem>>
      %dma_start3A_288 = tpu.memref_squeeze %dma_start3A_287 : memref<1x40xi32, #tpu.memory_space<vmem>> -> memref<40xi32, #tpu.memory_space<vmem>>
      %dma_start3A_289 = arith.constant 0 : i32
      %dma_start3A_290 = arith.constant 0 : i32
      %dma_start3A_291 = tpu.memref_slice %arg12[%dma_start3A_289, %dma_start3A_290] : memref<10240x32xf32, #tpu.memory_space<vmem_shared>> -> memref<10240x32xf32, #tpu.memory_space<vmem_shared>>
      tpu.enqueue_indirect_dma source(%dma_start3A_285 : memref<40x32xf32, #tpu.memory_space<vmem>>) target(%dma_start3A_291 : memref<10240x32xf32, #tpu.memory_space<vmem_shared>>) offsets(%dma_start3A_288 : memref<40xi32, #tpu.memory_space<vmem>>) semaphore(%arg17 : memref<!tpu.dma_semaphore, #tpu.memory_space<semaphore_mem>>) {add = true}
      %mul3A_292 = arith.constant 6 : i32
      %mul3A_293 = arith.muli %mul3A_292, %scan3A_129 : i32
      %add3A_294 = arith.constant 5 : i32
      %add3A_295 = arith.addi %mul3A_293, %add3A_294 : i32
      %dma_wait3A_296 = arith.constant 5 : i32
      %dma_wait3A_297 = arith.constant 0 : i32
      %dma_wait3A_298 = arith.constant 0 : i32
      %dma_wait3A_299 = tpu.memref_slice %arg11[%dma_wait3A_296, %dma_wait3A_297, %dma_wait3A_298] : memref<6x40x32xf32, #tpu.memory_space<vmem>> -> memref<1x40x32xf32, #tpu.memory_space<vmem>>
      %dma_wait3A_300 = tpu.memref_squeeze %dma_wait3A_299 : memref<1x40x32xf32, #tpu.memory_space<vmem>> -> memref<40x32xf32, #tpu.memory_space<vmem>>
      %dma_wait3A_301 = arith.constant 0 : i32
      %dma_wait3A_302 = tpu.memref_slice %arg9[%add3A_295, %dma_wait3A_301] : memref<126x40xi32, #tpu.memory_space<vmem>> -> memref<1x40xi32, #tpu.memory_space<vmem>>
      %dma_wait3A_303 = tpu.memref_squeeze %dma_wait3A_302 : memref<1x40xi32, #tpu.memory_space<vmem>> -> memref<40xi32, #tpu.memory_space<vmem>>
      %dma_wait3A_304 = arith.constant 0 : i32
      %dma_wait3A_305 = arith.constant 0 : i32
      %dma_wait3A_306 = tpu.memref_slice %arg2[%dma_wait3A_304, %dma_wait3A_305] : memref<10240x32xf32, #tpu.memory_space<hbm>> -> memref<10240x32xf32, #tpu.memory_space<hbm>>
      tpu.wait_indirect_dma semaphore(%arg18 : memref<!tpu.dma_semaphore, #tpu.memory_space<semaphore_mem>>) src(%dma_wait3A_306 : memref<10240x32xf32, #tpu.memory_space<hbm>>) dst(%dma_wait3A_300 : memref<40x32xf32, #tpu.memory_space<vmem>>)
      %add3A_307 = arith.constant 4 : i32
      %add3A_308 = arith.addi %add3A_295, %add3A_307 : i32
      %lt3A_309 = arith.constant 126 : i32
      %lt3A_310 = arith.cmpi slt, %add3A_308, %lt3A_309 : i32
      %convert_element_type3A_311 = arith.extui %lt3A_310 : i1 to i32
      %cond3A_312 = arith.constant 0 : i32
      %cond3A_313 = arith.cmpi ne, %convert_element_type3A_311, %cond3A_312 : i32
      scf.if %cond3A_313 {
        %add3A_325 = arith.constant 4 : i32
        %add3A_326 = arith.addi %add3A_295, %add3A_325 : i32
        %ge3A = arith.constant 6 : i32
        %ge3A_327 = arith.cmpi sge, %add3A_326, %ge3A : i32
        %convert_element_type3A_328 = arith.extui %ge3A_327 : i1 to i32
        %cond3A_329 = arith.constant 0 : i32
        %cond3A_330 = arith.cmpi ne, %convert_element_type3A_328, %cond3A_329 : i32
        scf.if %cond3A_330 {
          %dma_wait3A_344 = arith.constant 3 : i32
          %dma_wait3A_345 = arith.constant 0 : i32
          %dma_wait3A_346 = arith.constant 0 : i32
          %dma_wait3A_347 = tpu.memref_slice %arg11[%dma_wait3A_344, %dma_wait3A_345, %dma_wait3A_346] : memref<6x40x32xf32, #tpu.memory_space<vmem>> -> memref<1x40x32xf32, #tpu.memory_space<vmem>>
          %dma_wait3A_348 = tpu.memref_squeeze %dma_wait3A_347 : memref<1x40x32xf32, #tpu.memory_space<vmem>> -> memref<40x32xf32, #tpu.memory_space<vmem>>
          %dma_wait3A_349 = arith.constant 0 : i32
          %dma_wait3A_350 = tpu.memref_slice %arg10[%add3A_295, %dma_wait3A_349] : memref<126x40xi32, #tpu.memory_space<vmem>> -> memref<1x40xi32, #tpu.memory_space<vmem>>
          %dma_wait3A_351 = tpu.memref_squeeze %dma_wait3A_350 : memref<1x40xi32, #tpu.memory_space<vmem>> -> memref<40xi32, #tpu.memory_space<vmem>>
          %dma_wait3A_352 = arith.constant 0 : i32
          %dma_wait3A_353 = arith.constant 0 : i32
          %dma_wait3A_354 = tpu.memref_slice %arg12[%dma_wait3A_352, %dma_wait3A_353] : memref<10240x32xf32, #tpu.memory_space<vmem_shared>> -> memref<10240x32xf32, #tpu.memory_space<vmem_shared>>
          tpu.wait_indirect_dma semaphore(%arg16 : memref<!tpu.dma_semaphore, #tpu.memory_space<semaphore_mem>>) src(%dma_wait3A_348 : memref<40x32xf32, #tpu.memory_space<vmem>>) dst(%dma_wait3A_354 : memref<10240x32xf32, #tpu.memory_space<vmem_shared>>)
        } else {
        }
        %add3A_331 = arith.constant 4 : i32
        %add3A_332 = arith.addi %add3A_295, %add3A_331 : i32
        %dma_start3A_333 = arith.constant 3 : i32
        %dma_start3A_334 = arith.constant 0 : i32
        %dma_start3A_335 = arith.constant 0 : i32
        %dma_start3A_336 = tpu.memref_slice %arg11[%dma_start3A_333, %dma_start3A_334, %dma_start3A_335] : memref<6x40x32xf32, #tpu.memory_space<vmem>> -> memref<1x40x32xf32, #tpu.memory_space<vmem>>
        %dma_start3A_337 = tpu.memref_squeeze %dma_start3A_336 : memref<1x40x32xf32, #tpu.memory_space<vmem>> -> memref<40x32xf32, #tpu.memory_space<vmem>>
        %dma_start3A_338 = arith.constant 0 : i32
        %dma_start3A_339 = tpu.memref_slice %arg9[%add3A_332, %dma_start3A_338] : memref<126x40xi32, #tpu.memory_space<vmem>> -> memref<1x40xi32, #tpu.memory_space<vmem>>
        %dma_start3A_340 = tpu.memref_squeeze %dma_start3A_339 : memref<1x40xi32, #tpu.memory_space<vmem>> -> memref<40xi32, #tpu.memory_space<vmem>>
        %dma_start3A_341 = arith.constant 0 : i32
        %dma_start3A_342 = arith.constant 0 : i32
        %dma_start3A_343 = tpu.memref_slice %arg2[%dma_start3A_341, %dma_start3A_342] : memref<10240x32xf32, #tpu.memory_space<hbm>> -> memref<10240x32xf32, #tpu.memory_space<hbm>>
        tpu.enqueue_indirect_dma source(%dma_start3A_343 : memref<10240x32xf32, #tpu.memory_space<hbm>>) target(%dma_start3A_337 : memref<40x32xf32, #tpu.memory_space<vmem>>) offsets(%dma_start3A_340 : memref<40xi32, #tpu.memory_space<vmem>>) semaphore(%arg16 : memref<!tpu.dma_semaphore, #tpu.memory_space<semaphore_mem>>)
      } else {
      }
      %dma_start3A_314 = arith.constant 5 : i32
      %dma_start3A_315 = arith.constant 0 : i32
      %dma_start3A_316 = arith.constant 0 : i32
      %dma_start3A_317 = tpu.memref_slice %arg11[%dma_start3A_314, %dma_start3A_315, %dma_start3A_316] : memref<6x40x32xf32, #tpu.memory_space<vmem>> -> memref<1x40x32xf32, #tpu.memory_space<vmem>>
      %dma_start3A_318 = tpu.memref_squeeze %dma_start3A_317 : memref<1x40x32xf32, #tpu.memory_space<vmem>> -> memref<40x32xf32, #tpu.memory_space<vmem>>
      %dma_start3A_319 = arith.constant 0 : i32
      %dma_start3A_320 = tpu.memref_slice %arg10[%add3A_295, %dma_start3A_319] : memref<126x40xi32, #tpu.memory_space<vmem>> -> memref<1x40xi32, #tpu.memory_space<vmem>>
      %dma_start3A_321 = tpu.memref_squeeze %dma_start3A_320 : memref<1x40xi32, #tpu.memory_space<vmem>> -> memref<40xi32, #tpu.memory_space<vmem>>
      %dma_start3A_322 = arith.constant 0 : i32
      %dma_start3A_323 = arith.constant 0 : i32
      %dma_start3A_324 = tpu.memref_slice %arg12[%dma_start3A_322, %dma_start3A_323] : memref<10240x32xf32, #tpu.memory_space<vmem_shared>> -> memref<10240x32xf32, #tpu.memory_space<vmem_shared>>
      tpu.enqueue_indirect_dma source(%dma_start3A_318 : memref<40x32xf32, #tpu.memory_space<vmem>>) target(%dma_start3A_324 : memref<10240x32xf32, #tpu.memory_space<vmem_shared>>) offsets(%dma_start3A_321 : memref<40xi32, #tpu.memory_space<vmem>>) semaphore(%arg18 : memref<!tpu.dma_semaphore, #tpu.memory_space<semaphore_mem>>) {add = true}
    }
    %scan3A_54 = arith.constant 21 : i32
    %dma_wait3A = arith.constant 0 : i32
    %dma_wait3A_55 = arith.constant 0 : i32
    %dma_wait3A_56 = arith.constant 0 : i32
    %dma_wait3A_57 = arith.constant 0 : i32
    %dma_wait3A_58 = tpu.memref_slice %arg11[%dma_wait3A, %dma_wait3A_56, %dma_wait3A_57] : memref<6x40x32xf32, #tpu.memory_space<vmem>> -> memref<1x40x32xf32, #tpu.memory_space<vmem>>
    %dma_wait3A_59 = tpu.memref_squeeze %dma_wait3A_58 : memref<1x40x32xf32, #tpu.memory_space<vmem>> -> memref<40x32xf32, #tpu.memory_space<vmem>>
    %dma_wait3A_60 = arith.constant 0 : i32
    %dma_wait3A_61 = tpu.memref_slice %arg10[%dma_wait3A_55, %dma_wait3A_60] : memref<126x40xi32, #tpu.memory_space<vmem>> -> memref<1x40xi32, #tpu.memory_space<vmem>>
    %dma_wait3A_62 = tpu.memref_squeeze %dma_wait3A_61 : memref<1x40xi32, #tpu.memory_space<vmem>> -> memref<40xi32, #tpu.memory_space<vmem>>
    %dma_wait3A_63 = arith.constant 0 : i32
    %dma_wait3A_64 = arith.constant 0 : i32
    %dma_wait3A_65 = tpu.memref_slice %arg12[%dma_wait3A_63, %dma_wait3A_64] : memref<10240x32xf32, #tpu.memory_space<vmem_shared>> -> memref<10240x32xf32, #tpu.memory_space<vmem_shared>>
    tpu.wait_indirect_dma semaphore(%arg13 : memref<!tpu.dma_semaphore, #tpu.memory_space<semaphore_mem>>) src(%dma_wait3A_59 : memref<40x32xf32, #tpu.memory_space<vmem>>) dst(%dma_wait3A_65 : memref<10240x32xf32, #tpu.memory_space<vmem_shared>>)
    %dma_wait3A_66 = arith.constant 1 : i32
    %dma_wait3A_67 = arith.constant 0 : i32
    %dma_wait3A_68 = arith.constant 0 : i32
    %dma_wait3A_69 = arith.constant 0 : i32
    %dma_wait3A_70 = tpu.memref_slice %arg11[%dma_wait3A_66, %dma_wait3A_68, %dma_wait3A_69] : memref<6x40x32xf32, #tpu.memory_space<vmem>> -> memref<1x40x32xf32, #tpu.memory_space<vmem>>
    %dma_wait3A_71 = tpu.memref_squeeze %dma_wait3A_70 : memref<1x40x32xf32, #tpu.memory_space<vmem>> -> memref<40x32xf32, #tpu.memory_space<vmem>>
    %dma_wait3A_72 = arith.constant 0 : i32
    %dma_wait3A_73 = tpu.memref_slice %arg10[%dma_wait3A_67, %dma_wait3A_72] : memref<126x40xi32, #tpu.memory_space<vmem>> -> memref<1x40xi32, #tpu.memory_space<vmem>>
    %dma_wait3A_74 = tpu.memref_squeeze %dma_wait3A_73 : memref<1x40xi32, #tpu.memory_space<vmem>> -> memref<40xi32, #tpu.memory_space<vmem>>
    %dma_wait3A_75 = arith.constant 0 : i32
    %dma_wait3A_76 = arith.constant 0 : i32
    %dma_wait3A_77 = tpu.memref_slice %arg12[%dma_wait3A_75, %dma_wait3A_76] : memref<10240x32xf32, #tpu.memory_space<vmem_shared>> -> memref<10240x32xf32, #tpu.memory_space<vmem_shared>>
    tpu.wait_indirect_dma semaphore(%arg14 : memref<!tpu.dma_semaphore, #tpu.memory_space<semaphore_mem>>) src(%dma_wait3A_71 : memref<40x32xf32, #tpu.memory_space<vmem>>) dst(%dma_wait3A_77 : memref<10240x32xf32, #tpu.memory_space<vmem_shared>>)
    %dma_wait3A_78 = arith.constant 2 : i32
    %dma_wait3A_79 = arith.constant 0 : i32
    %dma_wait3A_80 = arith.constant 0 : i32
    %dma_wait3A_81 = arith.constant 0 : i32
    %dma_wait3A_82 = tpu.memref_slice %arg11[%dma_wait3A_78, %dma_wait3A_80, %dma_wait3A_81] : memref<6x40x32xf32, #tpu.memory_space<vmem>> -> memref<1x40x32xf32, #tpu.memory_space<vmem>>
    %dma_wait3A_83 = tpu.memref_squeeze %dma_wait3A_82 : memref<1x40x32xf32, #tpu.memory_space<vmem>> -> memref<40x32xf32, #tpu.memory_space<vmem>>
    %dma_wait3A_84 = arith.constant 0 : i32
    %dma_wait3A_85 = tpu.memref_slice %arg10[%dma_wait3A_79, %dma_wait3A_84] : memref<126x40xi32, #tpu.memory_space<vmem>> -> memref<1x40xi32, #tpu.memory_space<vmem>>
    %dma_wait3A_86 = tpu.memref_squeeze %dma_wait3A_85 : memref<1x40xi32, #tpu.memory_space<vmem>> -> memref<40xi32, #tpu.memory_space<vmem>>
    %dma_wait3A_87 = arith.constant 0 : i32
    %dma_wait3A_88 = arith.constant 0 : i32
    %dma_wait3A_89 = tpu.memref_slice %arg12[%dma_wait3A_87, %dma_wait3A_88] : memref<10240x32xf32, #tpu.memory_space<vmem_shared>> -> memref<10240x32xf32, #tpu.memory_space<vmem_shared>>
    tpu.wait_indirect_dma semaphore(%arg15 : memref<!tpu.dma_semaphore, #tpu.memory_space<semaphore_mem>>) src(%dma_wait3A_83 : memref<40x32xf32, #tpu.memory_space<vmem>>) dst(%dma_wait3A_89 : memref<10240x32xf32, #tpu.memory_space<vmem_shared>>)
    %dma_wait3A_90 = arith.constant 3 : i32
    %dma_wait3A_91 = arith.constant 0 : i32
    %dma_wait3A_92 = arith.constant 0 : i32
    %dma_wait3A_93 = arith.constant 0 : i32
    %dma_wait3A_94 = tpu.memref_slice %arg11[%dma_wait3A_90, %dma_wait3A_92, %dma_wait3A_93] : memref<6x40x32xf32, #tpu.memory_space<vmem>> -> memref<1x40x32xf32, #tpu.memory_space<vmem>>
    %dma_wait3A_95 = tpu.memref_squeeze %dma_wait3A_94 : memref<1x40x32xf32, #tpu.memory_space<vmem>> -> memref<40x32xf32, #tpu.memory_space<vmem>>
    %dma_wait3A_96 = arith.constant 0 : i32
    %dma_wait3A_97 = tpu.memref_slice %arg10[%dma_wait3A_91, %dma_wait3A_96] : memref<126x40xi32, #tpu.memory_space<vmem>> -> memref<1x40xi32, #tpu.memory_space<vmem>>
    %dma_wait3A_98 = tpu.memref_squeeze %dma_wait3A_97 : memref<1x40xi32, #tpu.memory_space<vmem>> -> memref<40xi32, #tpu.memory_space<vmem>>
    %dma_wait3A_99 = arith.constant 0 : i32
    %dma_wait3A_100 = arith.constant 0 : i32
    %dma_wait3A_101 = tpu.memref_slice %arg12[%dma_wait3A_99, %dma_wait3A_100] : memref<10240x32xf32, #tpu.memory_space<vmem_shared>> -> memref<10240x32xf32, #tpu.memory_space<vmem_shared>>
    tpu.wait_indirect_dma semaphore(%arg16 : memref<!tpu.dma_semaphore, #tpu.memory_space<semaphore_mem>>) src(%dma_wait3A_95 : memref<40x32xf32, #tpu.memory_space<vmem>>) dst(%dma_wait3A_101 : memref<10240x32xf32, #tpu.memory_space<vmem_shared>>)
    %dma_wait3A_102 = arith.constant 4 : i32
    %dma_wait3A_103 = arith.constant 0 : i32
    %dma_wait3A_104 = arith.constant 0 : i32
    %dma_wait3A_105 = arith.constant 0 : i32
    %dma_wait3A_106 = tpu.memref_slice %arg11[%dma_wait3A_102, %dma_wait3A_104, %dma_wait3A_105] : memref<6x40x32xf32, #tpu.memory_space<vmem>> -> memref<1x40x32xf32, #tpu.memory_space<vmem>>
    %dma_wait3A_107 = tpu.memref_squeeze %dma_wait3A_106 : memref<1x40x32xf32, #tpu.memory_space<vmem>> -> memref<40x32xf32, #tpu.memory_space<vmem>>
    %dma_wait3A_108 = arith.constant 0 : i32
    %dma_wait3A_109 = tpu.memref_slice %arg10[%dma_wait3A_103, %dma_wait3A_108] : memref<126x40xi32, #tpu.memory_space<vmem>> -> memref<1x40xi32, #tpu.memory_space<vmem>>
    %dma_wait3A_110 = tpu.memref_squeeze %dma_wait3A_109 : memref<1x40xi32, #tpu.memory_space<vmem>> -> memref<40xi32, #tpu.memory_space<vmem>>
    %dma_wait3A_111 = arith.constant 0 : i32
    %dma_wait3A_112 = arith.constant 0 : i32
    %dma_wait3A_113 = tpu.memref_slice %arg12[%dma_wait3A_111, %dma_wait3A_112] : memref<10240x32xf32, #tpu.memory_space<vmem_shared>> -> memref<10240x32xf32, #tpu.memory_space<vmem_shared>>
    tpu.wait_indirect_dma semaphore(%arg17 : memref<!tpu.dma_semaphore, #tpu.memory_space<semaphore_mem>>) src(%dma_wait3A_107 : memref<40x32xf32, #tpu.memory_space<vmem>>) dst(%dma_wait3A_113 : memref<10240x32xf32, #tpu.memory_space<vmem_shared>>)
    %dma_wait3A_114 = arith.constant 5 : i32
    %dma_wait3A_115 = arith.constant 0 : i32
    %dma_wait3A_116 = arith.constant 0 : i32
    %dma_wait3A_117 = arith.constant 0 : i32
    %dma_wait3A_118 = tpu.memref_slice %arg11[%dma_wait3A_114, %dma_wait3A_116, %dma_wait3A_117] : memref<6x40x32xf32, #tpu.memory_space<vmem>> -> memref<1x40x32xf32, #tpu.memory_space<vmem>>
    %dma_wait3A_119 = tpu.memref_squeeze %dma_wait3A_118 : memref<1x40x32xf32, #tpu.memory_space<vmem>> -> memref<40x32xf32, #tpu.memory_space<vmem>>
    %dma_wait3A_120 = arith.constant 0 : i32
    %dma_wait3A_121 = tpu.memref_slice %arg10[%dma_wait3A_115, %dma_wait3A_120] : memref<126x40xi32, #tpu.memory_space<vmem>> -> memref<1x40xi32, #tpu.memory_space<vmem>>
    %dma_wait3A_122 = tpu.memref_squeeze %dma_wait3A_121 : memref<1x40xi32, #tpu.memory_space<vmem>> -> memref<40xi32, #tpu.memory_space<vmem>>
    %dma_wait3A_123 = arith.constant 0 : i32
    %dma_wait3A_124 = arith.constant 0 : i32
    %dma_wait3A_125 = tpu.memref_slice %arg12[%dma_wait3A_123, %dma_wait3A_124] : memref<10240x32xf32, #tpu.memory_space<vmem_shared>> -> memref<10240x32xf32, #tpu.memory_space<vmem_shared>>
    tpu.wait_indirect_dma semaphore(%arg18 : memref<!tpu.dma_semaphore, #tpu.memory_space<semaphore_mem>>) src(%dma_wait3A_119 : memref<40x32xf32, #tpu.memory_space<vmem>>) dst(%dma_wait3A_125 : memref<10240x32xf32, #tpu.memory_space<vmem_shared>>)
    %barrier3A_126 = arith.constant 0 : index
    tpu.barrier barrier_id(%barrier3A_126)
    %mul3A_127 = arith.constant 640 : i32
    %mul3A_128 = arith.muli %arg1, %mul3A_127 : i32
    "tpu.region"() ({
      %run_scoped3A = tpu.sem_alloc : memref<!tpu.dma_semaphore, #tpu.memory_space<semaphore_mem>>
      %dma_start3A_129 = arith.constant 0 : i32
      %dma_start3A_130 = tpu.memref_slice %arg8[%arg0, %mul3A_128, %dma_start3A_129] : memref<2x10240x32xf32, #tpu.memory_space<hbm>> -> memref<1x640x32xf32, #tpu.memory_space<hbm>>
      %dma_start3A_131 = tpu.memref_squeeze %dma_start3A_130 : memref<1x640x32xf32, #tpu.memory_space<hbm>> -> memref<640x32xf32, #tpu.memory_space<hbm>>
      %dma_start3A_132 = arith.constant 0 : i32
      %dma_start3A_133 = tpu.memref_slice %arg12[%mul3A_128, %dma_start3A_132] : memref<10240x32xf32, #tpu.memory_space<vmem_shared>> -> memref<640x32xf32, #tpu.memory_space<vmem_shared>>
      tpu.enqueue_dma source(%dma_start3A_133 : memref<640x32xf32, #tpu.memory_space<vmem_shared>>) target(%dma_start3A_131 : memref<640x32xf32, #tpu.memory_space<hbm>>) target_semaphore(%run_scoped3A : memref<!tpu.dma_semaphore, #tpu.memory_space<semaphore_mem>>)
      %dma_wait3A_134 = arith.constant 0 : i32
      %dma_wait3A_135 = tpu.memref_slice %arg8[%arg0, %mul3A_128, %dma_wait3A_134] : memref<2x10240x32xf32, #tpu.memory_space<hbm>> -> memref<1x640x32xf32, #tpu.memory_space<hbm>>
      %dma_wait3A_136 = tpu.memref_squeeze %dma_wait3A_135 : memref<1x640x32xf32, #tpu.memory_space<hbm>> -> memref<640x32xf32, #tpu.memory_space<hbm>>
      %dma_wait3A_137 = arith.constant 0 : i32
      %dma_wait3A_138 = tpu.memref_slice %arg12[%mul3A_128, %dma_wait3A_137] : memref<10240x32xf32, #tpu.memory_space<vmem_shared>> -> memref<640x32xf32, #tpu.memory_space<vmem_shared>>
      tpu.wait_dma2 semaphore(%run_scoped3A : memref<!tpu.dma_semaphore, #tpu.memory_space<semaphore_mem>>) src(%dma_wait3A_138 : memref<640x32xf32, #tpu.memory_space<vmem_shared>>) dst(%dma_wait3A_136 : memref<640x32xf32, #tpu.memory_space<hbm>>)
      tpu.yield
    }) : () -> ()
    return
  }
}

#map = affine_map<(d0, d1) -> (0, 0)>
#map1 = affine_map<(d0, d1) -> (0, 0, 0)>
#map2 = affine_map<(d0, d1) -> (0)>
module attributes {stable_mosaic.version = 14 : i64} {
  func.func @_sc_agg_body(%arg0: i32, %arg1: i32, %arg2: memref<10240x128xf32, #tpu.memory_space<hbm>>, %arg3: memref<32x126x40xi32, #tpu.memory_space<hbm>>, %arg4: memref<32x126x40xi32, #tpu.memory_space<hbm>>, %arg5: memref<640x128xf32, #tpu.memory_space<hbm>>, %arg6: memref<640xf32, #tpu.memory_space<hbm>>, %arg7: memref<40xf32, #tpu.memory_space<hbm>>, %arg8: memref<2x10240x128xf32, #tpu.memory_space<hbm>>, %arg9: memref<2x10240xf32, #tpu.memory_space<hbm>>, %arg10: memref<126x40xi32, #tpu.memory_space<vmem>>, %arg11: memref<126x40xi32, #tpu.memory_space<vmem>>, %arg12: memref<3x40x128xf32, #tpu.memory_space<vmem>>, %arg13: memref<40xf32, #tpu.memory_space<vmem>>, %arg14: memref<10240x128xf32, #tpu.memory_space<vmem_shared>>, %arg15: memref<10240xf32, #tpu.memory_space<vmem_shared>>, %arg16: memref<!tpu.dma_semaphore, #tpu.memory_space<semaphore_mem>>, %arg17: memref<!tpu.dma_semaphore, #tpu.memory_space<semaphore_mem>>, %arg18: memref<!tpu.dma_semaphore, #tpu.memory_space<semaphore_mem>>) attributes {dimension_semantics = [#tpu.dimension_semantics<core_parallel>, #tpu.dimension_semantics<subcore_parallel>], iteration_bounds = array<i64: 2, 16>, scalar_prefetch = 0 : i64, scratch_operands = 9 : i64, tpu.core_type = #tpu.core_type<sc_vector_subcore>, window_params = [{transform_indices = #map}, {transform_indices = #map1}, {transform_indices = #map1}, {transform_indices = #map}, {transform_indices = #map2}, {transform_indices = #map2}, {transform_indices = #map1}, {transform_indices = #map}]} {
    %mul3A = arith.constant 16 : i32
    %mul3A_0 = arith.muli %arg0, %mul3A : i32
    %add3A = arith.addi %mul3A_0, %arg1 : i32
    "tpu.region"() ({
      %run_scoped3A = tpu.sem_alloc : memref<!tpu.dma_semaphore, #tpu.memory_space<semaphore_mem>>
      %dma_start3A_89 = arith.constant 0 : i32
      %dma_start3A_90 = arith.constant 0 : i32
      %dma_start3A_91 = tpu.memref_slice %arg3[%add3A, %dma_start3A_89, %dma_start3A_90] : memref<32x126x40xi32, #tpu.memory_space<hbm>> -> memref<1x126x40xi32, #tpu.memory_space<hbm>>
      %dma_start3A_92 = tpu.memref_squeeze %dma_start3A_91 : memref<1x126x40xi32, #tpu.memory_space<hbm>> -> memref<126x40xi32, #tpu.memory_space<hbm>>
      %dma_start3A_93 = arith.constant 0 : i32
      %dma_start3A_94 = arith.constant 0 : i32
      %dma_start3A_95 = tpu.memref_slice %arg3[%add3A, %dma_start3A_93, %dma_start3A_94] : memref<32x126x40xi32, #tpu.memory_space<hbm>> -> memref<1x126x40xi32, #tpu.memory_space<hbm>>
      %dma_start3A_96 = tpu.memref_squeeze %dma_start3A_95 : memref<1x126x40xi32, #tpu.memory_space<hbm>> -> memref<126x40xi32, #tpu.memory_space<hbm>>
      tpu.enqueue_dma source(%dma_start3A_96 : memref<126x40xi32, #tpu.memory_space<hbm>>) target(%arg10 : memref<126x40xi32, #tpu.memory_space<vmem>>) target_semaphore(%run_scoped3A : memref<!tpu.dma_semaphore, #tpu.memory_space<semaphore_mem>>)
      %dma_wait3A_97 = arith.constant 0 : i32
      %dma_wait3A_98 = arith.constant 0 : i32
      %dma_wait3A_99 = tpu.memref_slice %arg3[%add3A, %dma_wait3A_97, %dma_wait3A_98] : memref<32x126x40xi32, #tpu.memory_space<hbm>> -> memref<1x126x40xi32, #tpu.memory_space<hbm>>
      %dma_wait3A_100 = tpu.memref_squeeze %dma_wait3A_99 : memref<1x126x40xi32, #tpu.memory_space<hbm>> -> memref<126x40xi32, #tpu.memory_space<hbm>>
      %dma_wait3A_101 = arith.constant 0 : i32
      %dma_wait3A_102 = arith.constant 0 : i32
      %dma_wait3A_103 = tpu.memref_slice %arg3[%add3A, %dma_wait3A_101, %dma_wait3A_102] : memref<32x126x40xi32, #tpu.memory_space<hbm>> -> memref<1x126x40xi32, #tpu.memory_space<hbm>>
      %dma_wait3A_104 = tpu.memref_squeeze %dma_wait3A_103 : memref<1x126x40xi32, #tpu.memory_space<hbm>> -> memref<126x40xi32, #tpu.memory_space<hbm>>
      tpu.wait_dma2 semaphore(%run_scoped3A : memref<!tpu.dma_semaphore, #tpu.memory_space<semaphore_mem>>) src(%dma_wait3A_104 : memref<126x40xi32, #tpu.memory_space<hbm>>) dst(%arg10 : memref<126x40xi32, #tpu.memory_space<vmem>>)
      tpu.yield
    }) : () -> ()
    "tpu.region"() ({
      %run_scoped3A = tpu.sem_alloc : memref<!tpu.dma_semaphore, #tpu.memory_space<semaphore_mem>>
      %dma_start3A_89 = arith.constant 0 : i32
      %dma_start3A_90 = arith.constant 0 : i32
      %dma_start3A_91 = tpu.memref_slice %arg4[%add3A, %dma_start3A_89, %dma_start3A_90] : memref<32x126x40xi32, #tpu.memory_space<hbm>> -> memref<1x126x40xi32, #tpu.memory_space<hbm>>
      %dma_start3A_92 = tpu.memref_squeeze %dma_start3A_91 : memref<1x126x40xi32, #tpu.memory_space<hbm>> -> memref<126x40xi32, #tpu.memory_space<hbm>>
      %dma_start3A_93 = arith.constant 0 : i32
      %dma_start3A_94 = arith.constant 0 : i32
      %dma_start3A_95 = tpu.memref_slice %arg4[%add3A, %dma_start3A_93, %dma_start3A_94] : memref<32x126x40xi32, #tpu.memory_space<hbm>> -> memref<1x126x40xi32, #tpu.memory_space<hbm>>
      %dma_start3A_96 = tpu.memref_squeeze %dma_start3A_95 : memref<1x126x40xi32, #tpu.memory_space<hbm>> -> memref<126x40xi32, #tpu.memory_space<hbm>>
      tpu.enqueue_dma source(%dma_start3A_96 : memref<126x40xi32, #tpu.memory_space<hbm>>) target(%arg11 : memref<126x40xi32, #tpu.memory_space<vmem>>) target_semaphore(%run_scoped3A : memref<!tpu.dma_semaphore, #tpu.memory_space<semaphore_mem>>)
      %dma_wait3A_97 = arith.constant 0 : i32
      %dma_wait3A_98 = arith.constant 0 : i32
      %dma_wait3A_99 = tpu.memref_slice %arg4[%add3A, %dma_wait3A_97, %dma_wait3A_98] : memref<32x126x40xi32, #tpu.memory_space<hbm>> -> memref<1x126x40xi32, #tpu.memory_space<hbm>>
      %dma_wait3A_100 = tpu.memref_squeeze %dma_wait3A_99 : memref<1x126x40xi32, #tpu.memory_space<hbm>> -> memref<126x40xi32, #tpu.memory_space<hbm>>
      %dma_wait3A_101 = arith.constant 0 : i32
      %dma_wait3A_102 = arith.constant 0 : i32
      %dma_wait3A_103 = tpu.memref_slice %arg4[%add3A, %dma_wait3A_101, %dma_wait3A_102] : memref<32x126x40xi32, #tpu.memory_space<hbm>> -> memref<1x126x40xi32, #tpu.memory_space<hbm>>
      %dma_wait3A_104 = tpu.memref_squeeze %dma_wait3A_103 : memref<1x126x40xi32, #tpu.memory_space<hbm>> -> memref<126x40xi32, #tpu.memory_space<hbm>>
      tpu.wait_dma2 semaphore(%run_scoped3A : memref<!tpu.dma_semaphore, #tpu.memory_space<semaphore_mem>>) src(%dma_wait3A_104 : memref<126x40xi32, #tpu.memory_space<hbm>>) dst(%arg11 : memref<126x40xi32, #tpu.memory_space<vmem>>)
      tpu.yield
    }) : () -> ()
    %mul3A_1 = arith.constant 640 : i32
    %mul3A_2 = arith.muli %arg1, %mul3A_1 : i32
    "tpu.region"() ({
      %run_scoped3A = tpu.sem_alloc : memref<!tpu.dma_semaphore, #tpu.memory_space<semaphore_mem>>
      %dma_start3A_89 = arith.constant 0 : i32
      %dma_start3A_90 = tpu.memref_slice %arg14[%mul3A_2, %dma_start3A_89] : memref<10240x128xf32, #tpu.memory_space<vmem_shared>> -> memref<640x128xf32, #tpu.memory_space<vmem_shared>>
      tpu.enqueue_dma source(%arg5 : memref<640x128xf32, #tpu.memory_space<hbm>>) target(%dma_start3A_90 : memref<640x128xf32, #tpu.memory_space<vmem_shared>>) target_semaphore(%run_scoped3A : memref<!tpu.dma_semaphore, #tpu.memory_space<semaphore_mem>>)
      %dma_wait3A_91 = arith.constant 0 : i32
      %dma_wait3A_92 = tpu.memref_slice %arg14[%mul3A_2, %dma_wait3A_91] : memref<10240x128xf32, #tpu.memory_space<vmem_shared>> -> memref<640x128xf32, #tpu.memory_space<vmem_shared>>
      tpu.wait_dma2 semaphore(%run_scoped3A : memref<!tpu.dma_semaphore, #tpu.memory_space<semaphore_mem>>) src(%arg5 : memref<640x128xf32, #tpu.memory_space<hbm>>) dst(%dma_wait3A_92 : memref<640x128xf32, #tpu.memory_space<vmem_shared>>)
      tpu.yield
    }) : () -> ()
    "tpu.region"() ({
      %run_scoped3A = tpu.sem_alloc : memref<!tpu.dma_semaphore, #tpu.memory_space<semaphore_mem>>
      tpu.enqueue_dma source(%arg7 : memref<40xf32, #tpu.memory_space<hbm>>) target(%arg13 : memref<40xf32, #tpu.memory_space<vmem>>) target_semaphore(%run_scoped3A : memref<!tpu.dma_semaphore, #tpu.memory_space<semaphore_mem>>)
      tpu.wait_dma2 semaphore(%run_scoped3A : memref<!tpu.dma_semaphore, #tpu.memory_space<semaphore_mem>>) src(%arg7 : memref<40xf32, #tpu.memory_space<hbm>>) dst(%arg13 : memref<40xf32, #tpu.memory_space<vmem>>)
      tpu.yield
    }) : () -> ()
    %mul3A_3 = arith.constant 640 : i32
    %mul3A_4 = arith.muli %arg1, %mul3A_3 : i32
    "tpu.region"() ({
      %run_scoped3A = tpu.sem_alloc : memref<!tpu.dma_semaphore, #tpu.memory_space<semaphore_mem>>
      %dma_start3A_89 = tpu.memref_slice %arg15[%mul3A_4] : memref<10240xf32, #tpu.memory_space<vmem_shared>> -> memref<640xf32, #tpu.memory_space<vmem_shared>>
      tpu.enqueue_dma source(%arg6 : memref<640xf32, #tpu.memory_space<hbm>>) target(%dma_start3A_89 : memref<640xf32, #tpu.memory_space<vmem_shared>>) target_semaphore(%run_scoped3A : memref<!tpu.dma_semaphore, #tpu.memory_space<semaphore_mem>>)
      %dma_wait3A_90 = tpu.memref_slice %arg15[%mul3A_4] : memref<10240xf32, #tpu.memory_space<vmem_shared>> -> memref<640xf32, #tpu.memory_space<vmem_shared>>
      tpu.wait_dma2 semaphore(%run_scoped3A : memref<!tpu.dma_semaphore, #tpu.memory_space<semaphore_mem>>) src(%arg6 : memref<640xf32, #tpu.memory_space<hbm>>) dst(%dma_wait3A_90 : memref<640xf32, #tpu.memory_space<vmem_shared>>)
      tpu.yield
    }) : () -> ()
    %barrier3A = arith.constant 0 : index
    tpu.barrier barrier_id(%barrier3A)
    %dma_start3A = arith.constant 0 : i32
    %dma_start3A_5 = arith.constant 0 : i32
    %dma_start3A_6 = arith.constant 0 : i32
    %dma_start3A_7 = arith.constant 0 : i32
    %dma_start3A_8 = tpu.memref_slice %arg12[%dma_start3A_5, %dma_start3A_6, %dma_start3A_7] : memref<3x40x128xf32, #tpu.memory_space<vmem>> -> memref<1x40x128xf32, #tpu.memory_space<vmem>>
    %dma_start3A_9 = tpu.memref_squeeze %dma_start3A_8 : memref<1x40x128xf32, #tpu.memory_space<vmem>> -> memref<40x128xf32, #tpu.memory_space<vmem>>
    %dma_start3A_10 = arith.constant 0 : i32
    %dma_start3A_11 = tpu.memref_slice %arg10[%dma_start3A, %dma_start3A_10] : memref<126x40xi32, #tpu.memory_space<vmem>> -> memref<1x40xi32, #tpu.memory_space<vmem>>
    %dma_start3A_12 = tpu.memref_squeeze %dma_start3A_11 : memref<1x40xi32, #tpu.memory_space<vmem>> -> memref<40xi32, #tpu.memory_space<vmem>>
    %dma_start3A_13 = arith.constant 0 : i32
    %dma_start3A_14 = arith.constant 0 : i32
    %dma_start3A_15 = tpu.memref_slice %arg2[%dma_start3A_13, %dma_start3A_14] : memref<10240x128xf32, #tpu.memory_space<hbm>> -> memref<10240x128xf32, #tpu.memory_space<hbm>>
    tpu.enqueue_indirect_dma source(%dma_start3A_15 : memref<10240x128xf32, #tpu.memory_space<hbm>>) target(%dma_start3A_9 : memref<40x128xf32, #tpu.memory_space<vmem>>) offsets(%dma_start3A_12 : memref<40xi32, #tpu.memory_space<vmem>>) semaphore(%arg16 : memref<!tpu.dma_semaphore, #tpu.memory_space<semaphore_mem>>)
    %dma_start3A_16 = arith.constant 1 : i32
    %dma_start3A_17 = arith.constant 1 : i32
    %dma_start3A_18 = arith.constant 0 : i32
    %dma_start3A_19 = arith.constant 0 : i32
    %dma_start3A_20 = tpu.memref_slice %arg12[%dma_start3A_17, %dma_start3A_18, %dma_start3A_19] : memref<3x40x128xf32, #tpu.memory_space<vmem>> -> memref<1x40x128xf32, #tpu.memory_space<vmem>>
    %dma_start3A_21 = tpu.memref_squeeze %dma_start3A_20 : memref<1x40x128xf32, #tpu.memory_space<vmem>> -> memref<40x128xf32, #tpu.memory_space<vmem>>
    %dma_start3A_22 = arith.constant 0 : i32
    %dma_start3A_23 = tpu.memref_slice %arg10[%dma_start3A_16, %dma_start3A_22] : memref<126x40xi32, #tpu.memory_space<vmem>> -> memref<1x40xi32, #tpu.memory_space<vmem>>
    %dma_start3A_24 = tpu.memref_squeeze %dma_start3A_23 : memref<1x40xi32, #tpu.memory_space<vmem>> -> memref<40xi32, #tpu.memory_space<vmem>>
    %dma_start3A_25 = arith.constant 0 : i32
    %dma_start3A_26 = arith.constant 0 : i32
    %dma_start3A_27 = tpu.memref_slice %arg2[%dma_start3A_25, %dma_start3A_26] : memref<10240x128xf32, #tpu.memory_space<hbm>> -> memref<10240x128xf32, #tpu.memory_space<hbm>>
    tpu.enqueue_indirect_dma source(%dma_start3A_27 : memref<10240x128xf32, #tpu.memory_space<hbm>>) target(%dma_start3A_21 : memref<40x128xf32, #tpu.memory_space<vmem>>) offsets(%dma_start3A_24 : memref<40xi32, #tpu.memory_space<vmem>>) semaphore(%arg17 : memref<!tpu.dma_semaphore, #tpu.memory_space<semaphore_mem>>)
    %scan3A = arith.constant 0 : i32
    %scan3A_28 = arith.constant 0 : i32
    %scan3A_29 = arith.constant 42 : i32
    %scan3A_30 = arith.addi %scan3A_28, %scan3A_29 : i32
    %scan3A_31 = arith.constant 1 : i32
    scf.for %scan3A_89 = %scan3A_28 to %scan3A_30 step %scan3A_31  : i32 {
      %mul3A_90 = arith.constant 3 : i32
      %mul3A_91 = arith.muli %mul3A_90, %scan3A_89 : i32
      %add3A_92 = arith.constant 0 : i32
      %add3A_93 = arith.addi %mul3A_91, %add3A_92 : i32
      %dma_wait3A_94 = arith.constant 0 : i32
      %dma_wait3A_95 = arith.constant 0 : i32
      %dma_wait3A_96 = arith.constant 0 : i32
      %dma_wait3A_97 = tpu.memref_slice %arg12[%dma_wait3A_94, %dma_wait3A_95, %dma_wait3A_96] : memref<3x40x128xf32, #tpu.memory_space<vmem>> -> memref<1x40x128xf32, #tpu.memory_space<vmem>>
      %dma_wait3A_98 = tpu.memref_squeeze %dma_wait3A_97 : memref<1x40x128xf32, #tpu.memory_space<vmem>> -> memref<40x128xf32, #tpu.memory_space<vmem>>
      %dma_wait3A_99 = arith.constant 0 : i32
      %dma_wait3A_100 = tpu.memref_slice %arg10[%add3A_93, %dma_wait3A_99] : memref<126x40xi32, #tpu.memory_space<vmem>> -> memref<1x40xi32, #tpu.memory_space<vmem>>
      %dma_wait3A_101 = tpu.memref_squeeze %dma_wait3A_100 : memref<1x40xi32, #tpu.memory_space<vmem>> -> memref<40xi32, #tpu.memory_space<vmem>>
      %dma_wait3A_102 = arith.constant 0 : i32
      %dma_wait3A_103 = arith.constant 0 : i32
      %dma_wait3A_104 = tpu.memref_slice %arg2[%dma_wait3A_102, %dma_wait3A_103] : memref<10240x128xf32, #tpu.memory_space<hbm>> -> memref<10240x128xf32, #tpu.memory_space<hbm>>
      tpu.wait_indirect_dma semaphore(%arg16 : memref<!tpu.dma_semaphore, #tpu.memory_space<semaphore_mem>>) src(%dma_wait3A_104 : memref<10240x128xf32, #tpu.memory_space<hbm>>) dst(%dma_wait3A_98 : memref<40x128xf32, #tpu.memory_space<vmem>>)
      %add3A_105 = arith.constant 2 : i32
      %add3A_106 = arith.addi %add3A_93, %add3A_105 : i32
      %lt3A = arith.constant 126 : i32
      %lt3A_107 = arith.cmpi slt, %add3A_106, %lt3A : i32
      %convert_element_type3A = arith.extui %lt3A_107 : i1 to i32
      %cond3A = arith.constant 0 : i32
      %cond3A_108 = arith.cmpi ne, %convert_element_type3A, %cond3A : i32
      scf.if %cond3A_108 {
        %add3A_201 = arith.constant 2 : i32
        %add3A_202 = arith.addi %add3A_93, %add3A_201 : i32
        %ge3A = arith.constant 3 : i32
        %ge3A_203 = arith.cmpi sge, %add3A_202, %ge3A : i32
        %convert_element_type3A_204 = arith.extui %ge3A_203 : i1 to i32
        %cond3A_205 = arith.constant 0 : i32
        %cond3A_206 = arith.cmpi ne, %convert_element_type3A_204, %cond3A_205 : i32
        scf.if %cond3A_206 {
          %dma_wait3A_220 = arith.constant 2 : i32
          %dma_wait3A_221 = arith.constant 0 : i32
          %dma_wait3A_222 = arith.constant 0 : i32
          %dma_wait3A_223 = tpu.memref_slice %arg12[%dma_wait3A_220, %dma_wait3A_221, %dma_wait3A_222] : memref<3x40x128xf32, #tpu.memory_space<vmem>> -> memref<1x40x128xf32, #tpu.memory_space<vmem>>
          %dma_wait3A_224 = tpu.memref_squeeze %dma_wait3A_223 : memref<1x40x128xf32, #tpu.memory_space<vmem>> -> memref<40x128xf32, #tpu.memory_space<vmem>>
          %dma_wait3A_225 = arith.constant 0 : i32
          %dma_wait3A_226 = tpu.memref_slice %arg11[%add3A_93, %dma_wait3A_225] : memref<126x40xi32, #tpu.memory_space<vmem>> -> memref<1x40xi32, #tpu.memory_space<vmem>>
          %dma_wait3A_227 = tpu.memref_squeeze %dma_wait3A_226 : memref<1x40xi32, #tpu.memory_space<vmem>> -> memref<40xi32, #tpu.memory_space<vmem>>
          %dma_wait3A_228 = arith.constant 0 : i32
          %dma_wait3A_229 = arith.constant 0 : i32
          %dma_wait3A_230 = tpu.memref_slice %arg14[%dma_wait3A_228, %dma_wait3A_229] : memref<10240x128xf32, #tpu.memory_space<vmem_shared>> -> memref<10240x128xf32, #tpu.memory_space<vmem_shared>>
          tpu.wait_indirect_dma semaphore(%arg18 : memref<!tpu.dma_semaphore, #tpu.memory_space<semaphore_mem>>) src(%dma_wait3A_224 : memref<40x128xf32, #tpu.memory_space<vmem>>) dst(%dma_wait3A_230 : memref<10240x128xf32, #tpu.memory_space<vmem_shared>>)
          %dma_wait3A_231 = arith.constant 0 : i32
          %dma_wait3A_232 = tpu.memref_slice %arg11[%add3A_93, %dma_wait3A_231] : memref<126x40xi32, #tpu.memory_space<vmem>> -> memref<1x40xi32, #tpu.memory_space<vmem>>
          %dma_wait3A_233 = tpu.memref_squeeze %dma_wait3A_232 : memref<1x40xi32, #tpu.memory_space<vmem>> -> memref<40xi32, #tpu.memory_space<vmem>>
          %dma_wait3A_234 = arith.constant 0 : i32
          %dma_wait3A_235 = tpu.memref_slice %arg15[%dma_wait3A_234] : memref<10240xf32, #tpu.memory_space<vmem_shared>> -> memref<10240xf32, #tpu.memory_space<vmem_shared>>
          tpu.wait_indirect_dma semaphore(%arg18 : memref<!tpu.dma_semaphore, #tpu.memory_space<semaphore_mem>>) src(%arg13 : memref<40xf32, #tpu.memory_space<vmem>>) dst(%dma_wait3A_235 : memref<10240xf32, #tpu.memory_space<vmem_shared>>)
        } else {
        }
        %add3A_207 = arith.constant 2 : i32
        %add3A_208 = arith.addi %add3A_93, %add3A_207 : i32
        %dma_start3A_209 = arith.constant 2 : i32
        %dma_start3A_210 = arith.constant 0 : i32
        %dma_start3A_211 = arith.constant 0 : i32
        %dma_start3A_212 = tpu.memref_slice %arg12[%dma_start3A_209, %dma_start3A_210, %dma_start3A_211] : memref<3x40x128xf32, #tpu.memory_space<vmem>> -> memref<1x40x128xf32, #tpu.memory_space<vmem>>
        %dma_start3A_213 = tpu.memref_squeeze %dma_start3A_212 : memref<1x40x128xf32, #tpu.memory_space<vmem>> -> memref<40x128xf32, #tpu.memory_space<vmem>>
        %dma_start3A_214 = arith.constant 0 : i32
        %dma_start3A_215 = tpu.memref_slice %arg10[%add3A_208, %dma_start3A_214] : memref<126x40xi32, #tpu.memory_space<vmem>> -> memref<1x40xi32, #tpu.memory_space<vmem>>
        %dma_start3A_216 = tpu.memref_squeeze %dma_start3A_215 : memref<1x40xi32, #tpu.memory_space<vmem>> -> memref<40xi32, #tpu.memory_space<vmem>>
        %dma_start3A_217 = arith.constant 0 : i32
        %dma_start3A_218 = arith.constant 0 : i32
        %dma_start3A_219 = tpu.memref_slice %arg2[%dma_start3A_217, %dma_start3A_218] : memref<10240x128xf32, #tpu.memory_space<hbm>> -> memref<10240x128xf32, #tpu.memory_space<hbm>>
        tpu.enqueue_indirect_dma source(%dma_start3A_219 : memref<10240x128xf32, #tpu.memory_space<hbm>>) target(%dma_start3A_213 : memref<40x128xf32, #tpu.memory_space<vmem>>) offsets(%dma_start3A_216 : memref<40xi32, #tpu.memory_space<vmem>>) semaphore(%arg18 : memref<!tpu.dma_semaphore, #tpu.memory_space<semaphore_mem>>)
      } else {
      }
      %dma_start3A_109 = arith.constant 0 : i32
      %dma_start3A_110 = arith.constant 0 : i32
      %dma_start3A_111 = arith.constant 0 : i32
      %dma_start3A_112 = tpu.memref_slice %arg12[%dma_start3A_109, %dma_start3A_110, %dma_start3A_111] : memref<3x40x128xf32, #tpu.memory_space<vmem>> -> memref<1x40x128xf32, #tpu.memory_space<vmem>>
      %dma_start3A_113 = tpu.memref_squeeze %dma_start3A_112 : memref<1x40x128xf32, #tpu.memory_space<vmem>> -> memref<40x128xf32, #tpu.memory_space<vmem>>
      %dma_start3A_114 = arith.constant 0 : i32
      %dma_start3A_115 = tpu.memref_slice %arg11[%add3A_93, %dma_start3A_114] : memref<126x40xi32, #tpu.memory_space<vmem>> -> memref<1x40xi32, #tpu.memory_space<vmem>>
      %dma_start3A_116 = tpu.memref_squeeze %dma_start3A_115 : memref<1x40xi32, #tpu.memory_space<vmem>> -> memref<40xi32, #tpu.memory_space<vmem>>
      %dma_start3A_117 = arith.constant 0 : i32
      %dma_start3A_118 = arith.constant 0 : i32
      %dma_start3A_119 = tpu.memref_slice %arg14[%dma_start3A_117, %dma_start3A_118] : memref<10240x128xf32, #tpu.memory_space<vmem_shared>> -> memref<10240x128xf32, #tpu.memory_space<vmem_shared>>
      tpu.enqueue_indirect_dma source(%dma_start3A_113 : memref<40x128xf32, #tpu.memory_space<vmem>>) target(%dma_start3A_119 : memref<10240x128xf32, #tpu.memory_space<vmem_shared>>) offsets(%dma_start3A_116 : memref<40xi32, #tpu.memory_space<vmem>>) semaphore(%arg16 : memref<!tpu.dma_semaphore, #tpu.memory_space<semaphore_mem>>) {add = true}
      %dma_start3A_120 = arith.constant 0 : i32
      %dma_start3A_121 = tpu.memref_slice %arg11[%add3A_93, %dma_start3A_120] : memref<126x40xi32, #tpu.memory_space<vmem>> -> memref<1x40xi32, #tpu.memory_space<vmem>>
      %dma_start3A_122 = tpu.memref_squeeze %dma_start3A_121 : memref<1x40xi32, #tpu.memory_space<vmem>> -> memref<40xi32, #tpu.memory_space<vmem>>
      %dma_start3A_123 = arith.constant 0 : i32
      %dma_start3A_124 = tpu.memref_slice %arg15[%dma_start3A_123] : memref<10240xf32, #tpu.memory_space<vmem_shared>> -> memref<10240xf32, #tpu.memory_space<vmem_shared>>
      tpu.enqueue_indirect_dma source(%arg13 : memref<40xf32, #tpu.memory_space<vmem>>) target(%dma_start3A_124 : memref<10240xf32, #tpu.memory_space<vmem_shared>>) offsets(%dma_start3A_122 : memref<40xi32, #tpu.memory_space<vmem>>) semaphore(%arg16 : memref<!tpu.dma_semaphore, #tpu.memory_space<semaphore_mem>>) {add = true}
      %mul3A_125 = arith.constant 3 : i32
      %mul3A_126 = arith.muli %mul3A_125, %scan3A_89 : i32
      %add3A_127 = arith.constant 1 : i32
      %add3A_128 = arith.addi %mul3A_126, %add3A_127 : i32
      %dma_wait3A_129 = arith.constant 1 : i32
      %dma_wait3A_130 = arith.constant 0 : i32
      %dma_wait3A_131 = arith.constant 0 : i32
      %dma_wait3A_132 = tpu.memref_slice %arg12[%dma_wait3A_129, %dma_wait3A_130, %dma_wait3A_131] : memref<3x40x128xf32, #tpu.memory_space<vmem>> -> memref<1x40x128xf32, #tpu.memory_space<vmem>>
      %dma_wait3A_133 = tpu.memref_squeeze %dma_wait3A_132 : memref<1x40x128xf32, #tpu.memory_space<vmem>> -> memref<40x128xf32, #tpu.memory_space<vmem>>
      %dma_wait3A_134 = arith.constant 0 : i32
      %dma_wait3A_135 = tpu.memref_slice %arg10[%add3A_128, %dma_wait3A_134] : memref<126x40xi32, #tpu.memory_space<vmem>> -> memref<1x40xi32, #tpu.memory_space<vmem>>
      %dma_wait3A_136 = tpu.memref_squeeze %dma_wait3A_135 : memref<1x40xi32, #tpu.memory_space<vmem>> -> memref<40xi32, #tpu.memory_space<vmem>>
      %dma_wait3A_137 = arith.constant 0 : i32
      %dma_wait3A_138 = arith.constant 0 : i32
      %dma_wait3A_139 = tpu.memref_slice %arg2[%dma_wait3A_137, %dma_wait3A_138] : memref<10240x128xf32, #tpu.memory_space<hbm>> -> memref<10240x128xf32, #tpu.memory_space<hbm>>
      tpu.wait_indirect_dma semaphore(%arg17 : memref<!tpu.dma_semaphore, #tpu.memory_space<semaphore_mem>>) src(%dma_wait3A_139 : memref<10240x128xf32, #tpu.memory_space<hbm>>) dst(%dma_wait3A_133 : memref<40x128xf32, #tpu.memory_space<vmem>>)
      %add3A_140 = arith.constant 2 : i32
      %add3A_141 = arith.addi %add3A_128, %add3A_140 : i32
      %lt3A_142 = arith.constant 126 : i32
      %lt3A_143 = arith.cmpi slt, %add3A_141, %lt3A_142 : i32
      %convert_element_type3A_144 = arith.extui %lt3A_143 : i1 to i32
      %cond3A_145 = arith.constant 0 : i32
      %cond3A_146 = arith.cmpi ne, %convert_element_type3A_144, %cond3A_145 : i32
      scf.if %cond3A_146 {
        %add3A_201 = arith.constant 2 : i32
        %add3A_202 = arith.addi %add3A_128, %add3A_201 : i32
        %ge3A = arith.constant 3 : i32
        %ge3A_203 = arith.cmpi sge, %add3A_202, %ge3A : i32
        %convert_element_type3A_204 = arith.extui %ge3A_203 : i1 to i32
        %cond3A_205 = arith.constant 0 : i32
        %cond3A_206 = arith.cmpi ne, %convert_element_type3A_204, %cond3A_205 : i32
        scf.if %cond3A_206 {
          %dma_wait3A_220 = arith.constant 0 : i32
          %dma_wait3A_221 = arith.constant 0 : i32
          %dma_wait3A_222 = arith.constant 0 : i32
          %dma_wait3A_223 = tpu.memref_slice %arg12[%dma_wait3A_220, %dma_wait3A_221, %dma_wait3A_222] : memref<3x40x128xf32, #tpu.memory_space<vmem>> -> memref<1x40x128xf32, #tpu.memory_space<vmem>>
          %dma_wait3A_224 = tpu.memref_squeeze %dma_wait3A_223 : memref<1x40x128xf32, #tpu.memory_space<vmem>> -> memref<40x128xf32, #tpu.memory_space<vmem>>
          %dma_wait3A_225 = arith.constant 0 : i32
          %dma_wait3A_226 = tpu.memref_slice %arg11[%add3A_128, %dma_wait3A_225] : memref<126x40xi32, #tpu.memory_space<vmem>> -> memref<1x40xi32, #tpu.memory_space<vmem>>
          %dma_wait3A_227 = tpu.memref_squeeze %dma_wait3A_226 : memref<1x40xi32, #tpu.memory_space<vmem>> -> memref<40xi32, #tpu.memory_space<vmem>>
          %dma_wait3A_228 = arith.constant 0 : i32
          %dma_wait3A_229 = arith.constant 0 : i32
          %dma_wait3A_230 = tpu.memref_slice %arg14[%dma_wait3A_228, %dma_wait3A_229] : memref<10240x128xf32, #tpu.memory_space<vmem_shared>> -> memref<10240x128xf32, #tpu.memory_space<vmem_shared>>
          tpu.wait_indirect_dma semaphore(%arg16 : memref<!tpu.dma_semaphore, #tpu.memory_space<semaphore_mem>>) src(%dma_wait3A_224 : memref<40x128xf32, #tpu.memory_space<vmem>>) dst(%dma_wait3A_230 : memref<10240x128xf32, #tpu.memory_space<vmem_shared>>)
          %dma_wait3A_231 = arith.constant 0 : i32
          %dma_wait3A_232 = tpu.memref_slice %arg11[%add3A_128, %dma_wait3A_231] : memref<126x40xi32, #tpu.memory_space<vmem>> -> memref<1x40xi32, #tpu.memory_space<vmem>>
          %dma_wait3A_233 = tpu.memref_squeeze %dma_wait3A_232 : memref<1x40xi32, #tpu.memory_space<vmem>> -> memref<40xi32, #tpu.memory_space<vmem>>
          %dma_wait3A_234 = arith.constant 0 : i32
          %dma_wait3A_235 = tpu.memref_slice %arg15[%dma_wait3A_234] : memref<10240xf32, #tpu.memory_space<vmem_shared>> -> memref<10240xf32, #tpu.memory_space<vmem_shared>>
          tpu.wait_indirect_dma semaphore(%arg16 : memref<!tpu.dma_semaphore, #tpu.memory_space<semaphore_mem>>) src(%arg13 : memref<40xf32, #tpu.memory_space<vmem>>) dst(%dma_wait3A_235 : memref<10240xf32, #tpu.memory_space<vmem_shared>>)
        } else {
        }
        %add3A_207 = arith.constant 2 : i32
        %add3A_208 = arith.addi %add3A_128, %add3A_207 : i32
        %dma_start3A_209 = arith.constant 0 : i32
        %dma_start3A_210 = arith.constant 0 : i32
        %dma_start3A_211 = arith.constant 0 : i32
        %dma_start3A_212 = tpu.memref_slice %arg12[%dma_start3A_209, %dma_start3A_210, %dma_start3A_211] : memref<3x40x128xf32, #tpu.memory_space<vmem>> -> memref<1x40x128xf32, #tpu.memory_space<vmem>>
        %dma_start3A_213 = tpu.memref_squeeze %dma_start3A_212 : memref<1x40x128xf32, #tpu.memory_space<vmem>> -> memref<40x128xf32, #tpu.memory_space<vmem>>
        %dma_start3A_214 = arith.constant 0 : i32
        %dma_start3A_215 = tpu.memref_slice %arg10[%add3A_208, %dma_start3A_214] : memref<126x40xi32, #tpu.memory_space<vmem>> -> memref<1x40xi32, #tpu.memory_space<vmem>>
        %dma_start3A_216 = tpu.memref_squeeze %dma_start3A_215 : memref<1x40xi32, #tpu.memory_space<vmem>> -> memref<40xi32, #tpu.memory_space<vmem>>
        %dma_start3A_217 = arith.constant 0 : i32
        %dma_start3A_218 = arith.constant 0 : i32
        %dma_start3A_219 = tpu.memref_slice %arg2[%dma_start3A_217, %dma_start3A_218] : memref<10240x128xf32, #tpu.memory_space<hbm>> -> memref<10240x128xf32, #tpu.memory_space<hbm>>
        tpu.enqueue_indirect_dma source(%dma_start3A_219 : memref<10240x128xf32, #tpu.memory_space<hbm>>) target(%dma_start3A_213 : memref<40x128xf32, #tpu.memory_space<vmem>>) offsets(%dma_start3A_216 : memref<40xi32, #tpu.memory_space<vmem>>) semaphore(%arg16 : memref<!tpu.dma_semaphore, #tpu.memory_space<semaphore_mem>>)
      } else {
      }
      %dma_start3A_147 = arith.constant 1 : i32
      %dma_start3A_148 = arith.constant 0 : i32
      %dma_start3A_149 = arith.constant 0 : i32
      %dma_start3A_150 = tpu.memref_slice %arg12[%dma_start3A_147, %dma_start3A_148, %dma_start3A_149] : memref<3x40x128xf32, #tpu.memory_space<vmem>> -> memref<1x40x128xf32, #tpu.memory_space<vmem>>
      %dma_start3A_151 = tpu.memref_squeeze %dma_start3A_150 : memref<1x40x128xf32, #tpu.memory_space<vmem>> -> memref<40x128xf32, #tpu.memory_space<vmem>>
      %dma_start3A_152 = arith.constant 0 : i32
      %dma_start3A_153 = tpu.memref_slice %arg11[%add3A_128, %dma_start3A_152] : memref<126x40xi32, #tpu.memory_space<vmem>> -> memref<1x40xi32, #tpu.memory_space<vmem>>
      %dma_start3A_154 = tpu.memref_squeeze %dma_start3A_153 : memref<1x40xi32, #tpu.memory_space<vmem>> -> memref<40xi32, #tpu.memory_space<vmem>>
      %dma_start3A_155 = arith.constant 0 : i32
      %dma_start3A_156 = arith.constant 0 : i32
      %dma_start3A_157 = tpu.memref_slice %arg14[%dma_start3A_155, %dma_start3A_156] : memref<10240x128xf32, #tpu.memory_space<vmem_shared>> -> memref<10240x128xf32, #tpu.memory_space<vmem_shared>>
      tpu.enqueue_indirect_dma source(%dma_start3A_151 : memref<40x128xf32, #tpu.memory_space<vmem>>) target(%dma_start3A_157 : memref<10240x128xf32, #tpu.memory_space<vmem_shared>>) offsets(%dma_start3A_154 : memref<40xi32, #tpu.memory_space<vmem>>) semaphore(%arg17 : memref<!tpu.dma_semaphore, #tpu.memory_space<semaphore_mem>>) {add = true}
      %dma_start3A_158 = arith.constant 0 : i32
      %dma_start3A_159 = tpu.memref_slice %arg11[%add3A_128, %dma_start3A_158] : memref<126x40xi32, #tpu.memory_space<vmem>> -> memref<1x40xi32, #tpu.memory_space<vmem>>
      %dma_start3A_160 = tpu.memref_squeeze %dma_start3A_159 : memref<1x40xi32, #tpu.memory_space<vmem>> -> memref<40xi32, #tpu.memory_space<vmem>>
      %dma_start3A_161 = arith.constant 0 : i32
      %dma_start3A_162 = tpu.memref_slice %arg15[%dma_start3A_161] : memref<10240xf32, #tpu.memory_space<vmem_shared>> -> memref<10240xf32, #tpu.memory_space<vmem_shared>>
      tpu.enqueue_indirect_dma source(%arg13 : memref<40xf32, #tpu.memory_space<vmem>>) target(%dma_start3A_162 : memref<10240xf32, #tpu.memory_space<vmem_shared>>) offsets(%dma_start3A_160 : memref<40xi32, #tpu.memory_space<vmem>>) semaphore(%arg17 : memref<!tpu.dma_semaphore, #tpu.memory_space<semaphore_mem>>) {add = true}
      %mul3A_163 = arith.constant 3 : i32
      %mul3A_164 = arith.muli %mul3A_163, %scan3A_89 : i32
      %add3A_165 = arith.constant 2 : i32
      %add3A_166 = arith.addi %mul3A_164, %add3A_165 : i32
      %dma_wait3A_167 = arith.constant 2 : i32
      %dma_wait3A_168 = arith.constant 0 : i32
      %dma_wait3A_169 = arith.constant 0 : i32
      %dma_wait3A_170 = tpu.memref_slice %arg12[%dma_wait3A_167, %dma_wait3A_168, %dma_wait3A_169] : memref<3x40x128xf32, #tpu.memory_space<vmem>> -> memref<1x40x128xf32, #tpu.memory_space<vmem>>
      %dma_wait3A_171 = tpu.memref_squeeze %dma_wait3A_170 : memref<1x40x128xf32, #tpu.memory_space<vmem>> -> memref<40x128xf32, #tpu.memory_space<vmem>>
      %dma_wait3A_172 = arith.constant 0 : i32
      %dma_wait3A_173 = tpu.memref_slice %arg10[%add3A_166, %dma_wait3A_172] : memref<126x40xi32, #tpu.memory_space<vmem>> -> memref<1x40xi32, #tpu.memory_space<vmem>>
      %dma_wait3A_174 = tpu.memref_squeeze %dma_wait3A_173 : memref<1x40xi32, #tpu.memory_space<vmem>> -> memref<40xi32, #tpu.memory_space<vmem>>
      %dma_wait3A_175 = arith.constant 0 : i32
      %dma_wait3A_176 = arith.constant 0 : i32
      %dma_wait3A_177 = tpu.memref_slice %arg2[%dma_wait3A_175, %dma_wait3A_176] : memref<10240x128xf32, #tpu.memory_space<hbm>> -> memref<10240x128xf32, #tpu.memory_space<hbm>>
      tpu.wait_indirect_dma semaphore(%arg18 : memref<!tpu.dma_semaphore, #tpu.memory_space<semaphore_mem>>) src(%dma_wait3A_177 : memref<10240x128xf32, #tpu.memory_space<hbm>>) dst(%dma_wait3A_171 : memref<40x128xf32, #tpu.memory_space<vmem>>)
      %add3A_178 = arith.constant 2 : i32
      %add3A_179 = arith.addi %add3A_166, %add3A_178 : i32
      %lt3A_180 = arith.constant 126 : i32
      %lt3A_181 = arith.cmpi slt, %add3A_179, %lt3A_180 : i32
      %convert_element_type3A_182 = arith.extui %lt3A_181 : i1 to i32
      %cond3A_183 = arith.constant 0 : i32
      %cond3A_184 = arith.cmpi ne, %convert_element_type3A_182, %cond3A_183 : i32
      scf.if %cond3A_184 {
        %add3A_201 = arith.constant 2 : i32
        %add3A_202 = arith.addi %add3A_166, %add3A_201 : i32
        %ge3A = arith.constant 3 : i32
        %ge3A_203 = arith.cmpi sge, %add3A_202, %ge3A : i32
        %convert_element_type3A_204 = arith.extui %ge3A_203 : i1 to i32
        %cond3A_205 = arith.constant 0 : i32
        %cond3A_206 = arith.cmpi ne, %convert_element_type3A_204, %cond3A_205 : i32
        scf.if %cond3A_206 {
          %dma_wait3A_220 = arith.constant 1 : i32
          %dma_wait3A_221 = arith.constant 0 : i32
          %dma_wait3A_222 = arith.constant 0 : i32
          %dma_wait3A_223 = tpu.memref_slice %arg12[%dma_wait3A_220, %dma_wait3A_221, %dma_wait3A_222] : memref<3x40x128xf32, #tpu.memory_space<vmem>> -> memref<1x40x128xf32, #tpu.memory_space<vmem>>
          %dma_wait3A_224 = tpu.memref_squeeze %dma_wait3A_223 : memref<1x40x128xf32, #tpu.memory_space<vmem>> -> memref<40x128xf32, #tpu.memory_space<vmem>>
          %dma_wait3A_225 = arith.constant 0 : i32
          %dma_wait3A_226 = tpu.memref_slice %arg11[%add3A_166, %dma_wait3A_225] : memref<126x40xi32, #tpu.memory_space<vmem>> -> memref<1x40xi32, #tpu.memory_space<vmem>>
          %dma_wait3A_227 = tpu.memref_squeeze %dma_wait3A_226 : memref<1x40xi32, #tpu.memory_space<vmem>> -> memref<40xi32, #tpu.memory_space<vmem>>
          %dma_wait3A_228 = arith.constant 0 : i32
          %dma_wait3A_229 = arith.constant 0 : i32
          %dma_wait3A_230 = tpu.memref_slice %arg14[%dma_wait3A_228, %dma_wait3A_229] : memref<10240x128xf32, #tpu.memory_space<vmem_shared>> -> memref<10240x128xf32, #tpu.memory_space<vmem_shared>>
          tpu.wait_indirect_dma semaphore(%arg17 : memref<!tpu.dma_semaphore, #tpu.memory_space<semaphore_mem>>) src(%dma_wait3A_224 : memref<40x128xf32, #tpu.memory_space<vmem>>) dst(%dma_wait3A_230 : memref<10240x128xf32, #tpu.memory_space<vmem_shared>>)
          %dma_wait3A_231 = arith.constant 0 : i32
          %dma_wait3A_232 = tpu.memref_slice %arg11[%add3A_166, %dma_wait3A_231] : memref<126x40xi32, #tpu.memory_space<vmem>> -> memref<1x40xi32, #tpu.memory_space<vmem>>
          %dma_wait3A_233 = tpu.memref_squeeze %dma_wait3A_232 : memref<1x40xi32, #tpu.memory_space<vmem>> -> memref<40xi32, #tpu.memory_space<vmem>>
          %dma_wait3A_234 = arith.constant 0 : i32
          %dma_wait3A_235 = tpu.memref_slice %arg15[%dma_wait3A_234] : memref<10240xf32, #tpu.memory_space<vmem_shared>> -> memref<10240xf32, #tpu.memory_space<vmem_shared>>
          tpu.wait_indirect_dma semaphore(%arg17 : memref<!tpu.dma_semaphore, #tpu.memory_space<semaphore_mem>>) src(%arg13 : memref<40xf32, #tpu.memory_space<vmem>>) dst(%dma_wait3A_235 : memref<10240xf32, #tpu.memory_space<vmem_shared>>)
        } else {
        }
        %add3A_207 = arith.constant 2 : i32
        %add3A_208 = arith.addi %add3A_166, %add3A_207 : i32
        %dma_start3A_209 = arith.constant 1 : i32
        %dma_start3A_210 = arith.constant 0 : i32
        %dma_start3A_211 = arith.constant 0 : i32
        %dma_start3A_212 = tpu.memref_slice %arg12[%dma_start3A_209, %dma_start3A_210, %dma_start3A_211] : memref<3x40x128xf32, #tpu.memory_space<vmem>> -> memref<1x40x128xf32, #tpu.memory_space<vmem>>
        %dma_start3A_213 = tpu.memref_squeeze %dma_start3A_212 : memref<1x40x128xf32, #tpu.memory_space<vmem>> -> memref<40x128xf32, #tpu.memory_space<vmem>>
        %dma_start3A_214 = arith.constant 0 : i32
        %dma_start3A_215 = tpu.memref_slice %arg10[%add3A_208, %dma_start3A_214] : memref<126x40xi32, #tpu.memory_space<vmem>> -> memref<1x40xi32, #tpu.memory_space<vmem>>
        %dma_start3A_216 = tpu.memref_squeeze %dma_start3A_215 : memref<1x40xi32, #tpu.memory_space<vmem>> -> memref<40xi32, #tpu.memory_space<vmem>>
        %dma_start3A_217 = arith.constant 0 : i32
        %dma_start3A_218 = arith.constant 0 : i32
        %dma_start3A_219 = tpu.memref_slice %arg2[%dma_start3A_217, %dma_start3A_218] : memref<10240x128xf32, #tpu.memory_space<hbm>> -> memref<10240x128xf32, #tpu.memory_space<hbm>>
        tpu.enqueue_indirect_dma source(%dma_start3A_219 : memref<10240x128xf32, #tpu.memory_space<hbm>>) target(%dma_start3A_213 : memref<40x128xf32, #tpu.memory_space<vmem>>) offsets(%dma_start3A_216 : memref<40xi32, #tpu.memory_space<vmem>>) semaphore(%arg17 : memref<!tpu.dma_semaphore, #tpu.memory_space<semaphore_mem>>)
      } else {
      }
      %dma_start3A_185 = arith.constant 2 : i32
      %dma_start3A_186 = arith.constant 0 : i32
      %dma_start3A_187 = arith.constant 0 : i32
      %dma_start3A_188 = tpu.memref_slice %arg12[%dma_start3A_185, %dma_start3A_186, %dma_start3A_187] : memref<3x40x128xf32, #tpu.memory_space<vmem>> -> memref<1x40x128xf32, #tpu.memory_space<vmem>>
      %dma_start3A_189 = tpu.memref_squeeze %dma_start3A_188 : memref<1x40x128xf32, #tpu.memory_space<vmem>> -> memref<40x128xf32, #tpu.memory_space<vmem>>
      %dma_start3A_190 = arith.constant 0 : i32
      %dma_start3A_191 = tpu.memref_slice %arg11[%add3A_166, %dma_start3A_190] : memref<126x40xi32, #tpu.memory_space<vmem>> -> memref<1x40xi32, #tpu.memory_space<vmem>>
      %dma_start3A_192 = tpu.memref_squeeze %dma_start3A_191 : memref<1x40xi32, #tpu.memory_space<vmem>> -> memref<40xi32, #tpu.memory_space<vmem>>
      %dma_start3A_193 = arith.constant 0 : i32
      %dma_start3A_194 = arith.constant 0 : i32
      %dma_start3A_195 = tpu.memref_slice %arg14[%dma_start3A_193, %dma_start3A_194] : memref<10240x128xf32, #tpu.memory_space<vmem_shared>> -> memref<10240x128xf32, #tpu.memory_space<vmem_shared>>
      tpu.enqueue_indirect_dma source(%dma_start3A_189 : memref<40x128xf32, #tpu.memory_space<vmem>>) target(%dma_start3A_195 : memref<10240x128xf32, #tpu.memory_space<vmem_shared>>) offsets(%dma_start3A_192 : memref<40xi32, #tpu.memory_space<vmem>>) semaphore(%arg18 : memref<!tpu.dma_semaphore, #tpu.memory_space<semaphore_mem>>) {add = true}
      %dma_start3A_196 = arith.constant 0 : i32
      %dma_start3A_197 = tpu.memref_slice %arg11[%add3A_166, %dma_start3A_196] : memref<126x40xi32, #tpu.memory_space<vmem>> -> memref<1x40xi32, #tpu.memory_space<vmem>>
      %dma_start3A_198 = tpu.memref_squeeze %dma_start3A_197 : memref<1x40xi32, #tpu.memory_space<vmem>> -> memref<40xi32, #tpu.memory_space<vmem>>
      %dma_start3A_199 = arith.constant 0 : i32
      %dma_start3A_200 = tpu.memref_slice %arg15[%dma_start3A_199] : memref<10240xf32, #tpu.memory_space<vmem_shared>> -> memref<10240xf32, #tpu.memory_space<vmem_shared>>
      tpu.enqueue_indirect_dma source(%arg13 : memref<40xf32, #tpu.memory_space<vmem>>) target(%dma_start3A_200 : memref<10240xf32, #tpu.memory_space<vmem_shared>>) offsets(%dma_start3A_198 : memref<40xi32, #tpu.memory_space<vmem>>) semaphore(%arg18 : memref<!tpu.dma_semaphore, #tpu.memory_space<semaphore_mem>>) {add = true}
    }
    %scan3A_32 = arith.constant 42 : i32
    %dma_wait3A = arith.constant 0 : i32
    %dma_wait3A_33 = arith.constant 0 : i32
    %dma_wait3A_34 = arith.constant 0 : i32
    %dma_wait3A_35 = arith.constant 0 : i32
    %dma_wait3A_36 = tpu.memref_slice %arg12[%dma_wait3A, %dma_wait3A_34, %dma_wait3A_35] : memref<3x40x128xf32, #tpu.memory_space<vmem>> -> memref<1x40x128xf32, #tpu.memory_space<vmem>>
    %dma_wait3A_37 = tpu.memref_squeeze %dma_wait3A_36 : memref<1x40x128xf32, #tpu.memory_space<vmem>> -> memref<40x128xf32, #tpu.memory_space<vmem>>
    %dma_wait3A_38 = arith.constant 0 : i32
    %dma_wait3A_39 = tpu.memref_slice %arg11[%dma_wait3A_33, %dma_wait3A_38] : memref<126x40xi32, #tpu.memory_space<vmem>> -> memref<1x40xi32, #tpu.memory_space<vmem>>
    %dma_wait3A_40 = tpu.memref_squeeze %dma_wait3A_39 : memref<1x40xi32, #tpu.memory_space<vmem>> -> memref<40xi32, #tpu.memory_space<vmem>>
    %dma_wait3A_41 = arith.constant 0 : i32
    %dma_wait3A_42 = arith.constant 0 : i32
    %dma_wait3A_43 = tpu.memref_slice %arg14[%dma_wait3A_41, %dma_wait3A_42] : memref<10240x128xf32, #tpu.memory_space<vmem_shared>> -> memref<10240x128xf32, #tpu.memory_space<vmem_shared>>
    tpu.wait_indirect_dma semaphore(%arg16 : memref<!tpu.dma_semaphore, #tpu.memory_space<semaphore_mem>>) src(%dma_wait3A_37 : memref<40x128xf32, #tpu.memory_space<vmem>>) dst(%dma_wait3A_43 : memref<10240x128xf32, #tpu.memory_space<vmem_shared>>)
    %dma_wait3A_44 = arith.constant 0 : i32
    %dma_wait3A_45 = arith.constant 0 : i32
    %dma_wait3A_46 = tpu.memref_slice %arg11[%dma_wait3A_44, %dma_wait3A_45] : memref<126x40xi32, #tpu.memory_space<vmem>> -> memref<1x40xi32, #tpu.memory_space<vmem>>
    %dma_wait3A_47 = tpu.memref_squeeze %dma_wait3A_46 : memref<1x40xi32, #tpu.memory_space<vmem>> -> memref<40xi32, #tpu.memory_space<vmem>>
    %dma_wait3A_48 = arith.constant 0 : i32
    %dma_wait3A_49 = tpu.memref_slice %arg15[%dma_wait3A_48] : memref<10240xf32, #tpu.memory_space<vmem_shared>> -> memref<10240xf32, #tpu.memory_space<vmem_shared>>
    tpu.wait_indirect_dma semaphore(%arg16 : memref<!tpu.dma_semaphore, #tpu.memory_space<semaphore_mem>>) src(%arg13 : memref<40xf32, #tpu.memory_space<vmem>>) dst(%dma_wait3A_49 : memref<10240xf32, #tpu.memory_space<vmem_shared>>)
    %dma_wait3A_50 = arith.constant 1 : i32
    %dma_wait3A_51 = arith.constant 0 : i32
    %dma_wait3A_52 = arith.constant 0 : i32
    %dma_wait3A_53 = arith.constant 0 : i32
    %dma_wait3A_54 = tpu.memref_slice %arg12[%dma_wait3A_50, %dma_wait3A_52, %dma_wait3A_53] : memref<3x40x128xf32, #tpu.memory_space<vmem>> -> memref<1x40x128xf32, #tpu.memory_space<vmem>>
    %dma_wait3A_55 = tpu.memref_squeeze %dma_wait3A_54 : memref<1x40x128xf32, #tpu.memory_space<vmem>> -> memref<40x128xf32, #tpu.memory_space<vmem>>
    %dma_wait3A_56 = arith.constant 0 : i32
    %dma_wait3A_57 = tpu.memref_slice %arg11[%dma_wait3A_51, %dma_wait3A_56] : memref<126x40xi32, #tpu.memory_space<vmem>> -> memref<1x40xi32, #tpu.memory_space<vmem>>
    %dma_wait3A_58 = tpu.memref_squeeze %dma_wait3A_57 : memref<1x40xi32, #tpu.memory_space<vmem>> -> memref<40xi32, #tpu.memory_space<vmem>>
    %dma_wait3A_59 = arith.constant 0 : i32
    %dma_wait3A_60 = arith.constant 0 : i32
    %dma_wait3A_61 = tpu.memref_slice %arg14[%dma_wait3A_59, %dma_wait3A_60] : memref<10240x128xf32, #tpu.memory_space<vmem_shared>> -> memref<10240x128xf32, #tpu.memory_space<vmem_shared>>
    tpu.wait_indirect_dma semaphore(%arg17 : memref<!tpu.dma_semaphore, #tpu.memory_space<semaphore_mem>>) src(%dma_wait3A_55 : memref<40x128xf32, #tpu.memory_space<vmem>>) dst(%dma_wait3A_61 : memref<10240x128xf32, #tpu.memory_space<vmem_shared>>)
    %dma_wait3A_62 = arith.constant 0 : i32
    %dma_wait3A_63 = arith.constant 0 : i32
    %dma_wait3A_64 = tpu.memref_slice %arg11[%dma_wait3A_62, %dma_wait3A_63] : memref<126x40xi32, #tpu.memory_space<vmem>> -> memref<1x40xi32, #tpu.memory_space<vmem>>
    %dma_wait3A_65 = tpu.memref_squeeze %dma_wait3A_64 : memref<1x40xi32, #tpu.memory_space<vmem>> -> memref<40xi32, #tpu.memory_space<vmem>>
    %dma_wait3A_66 = arith.constant 0 : i32
    %dma_wait3A_67 = tpu.memref_slice %arg15[%dma_wait3A_66] : memref<10240xf32, #tpu.memory_space<vmem_shared>> -> memref<10240xf32, #tpu.memory_space<vmem_shared>>
    tpu.wait_indirect_dma semaphore(%arg17 : memref<!tpu.dma_semaphore, #tpu.memory_space<semaphore_mem>>) src(%arg13 : memref<40xf32, #tpu.memory_space<vmem>>) dst(%dma_wait3A_67 : memref<10240xf32, #tpu.memory_space<vmem_shared>>)
    %dma_wait3A_68 = arith.constant 2 : i32
    %dma_wait3A_69 = arith.constant 0 : i32
    %dma_wait3A_70 = arith.constant 0 : i32
    %dma_wait3A_71 = arith.constant 0 : i32
    %dma_wait3A_72 = tpu.memref_slice %arg12[%dma_wait3A_68, %dma_wait3A_70, %dma_wait3A_71] : memref<3x40x128xf32, #tpu.memory_space<vmem>> -> memref<1x40x128xf32, #tpu.memory_space<vmem>>
    %dma_wait3A_73 = tpu.memref_squeeze %dma_wait3A_72 : memref<1x40x128xf32, #tpu.memory_space<vmem>> -> memref<40x128xf32, #tpu.memory_space<vmem>>
    %dma_wait3A_74 = arith.constant 0 : i32
    %dma_wait3A_75 = tpu.memref_slice %arg11[%dma_wait3A_69, %dma_wait3A_74] : memref<126x40xi32, #tpu.memory_space<vmem>> -> memref<1x40xi32, #tpu.memory_space<vmem>>
    %dma_wait3A_76 = tpu.memref_squeeze %dma_wait3A_75 : memref<1x40xi32, #tpu.memory_space<vmem>> -> memref<40xi32, #tpu.memory_space<vmem>>
    %dma_wait3A_77 = arith.constant 0 : i32
    %dma_wait3A_78 = arith.constant 0 : i32
    %dma_wait3A_79 = tpu.memref_slice %arg14[%dma_wait3A_77, %dma_wait3A_78] : memref<10240x128xf32, #tpu.memory_space<vmem_shared>> -> memref<10240x128xf32, #tpu.memory_space<vmem_shared>>
    tpu.wait_indirect_dma semaphore(%arg18 : memref<!tpu.dma_semaphore, #tpu.memory_space<semaphore_mem>>) src(%dma_wait3A_73 : memref<40x128xf32, #tpu.memory_space<vmem>>) dst(%dma_wait3A_79 : memref<10240x128xf32, #tpu.memory_space<vmem_shared>>)
    %dma_wait3A_80 = arith.constant 0 : i32
    %dma_wait3A_81 = arith.constant 0 : i32
    %dma_wait3A_82 = tpu.memref_slice %arg11[%dma_wait3A_80, %dma_wait3A_81] : memref<126x40xi32, #tpu.memory_space<vmem>> -> memref<1x40xi32, #tpu.memory_space<vmem>>
    %dma_wait3A_83 = tpu.memref_squeeze %dma_wait3A_82 : memref<1x40xi32, #tpu.memory_space<vmem>> -> memref<40xi32, #tpu.memory_space<vmem>>
    %dma_wait3A_84 = arith.constant 0 : i32
    %dma_wait3A_85 = tpu.memref_slice %arg15[%dma_wait3A_84] : memref<10240xf32, #tpu.memory_space<vmem_shared>> -> memref<10240xf32, #tpu.memory_space<vmem_shared>>
    tpu.wait_indirect_dma semaphore(%arg18 : memref<!tpu.dma_semaphore, #tpu.memory_space<semaphore_mem>>) src(%arg13 : memref<40xf32, #tpu.memory_space<vmem>>) dst(%dma_wait3A_85 : memref<10240xf32, #tpu.memory_space<vmem_shared>>)
    %barrier3A_86 = arith.constant 0 : index
    tpu.barrier barrier_id(%barrier3A_86)
    %mul3A_87 = arith.constant 640 : i32
    %mul3A_88 = arith.muli %arg1, %mul3A_87 : i32
    "tpu.region"() ({
      %run_scoped3A = tpu.sem_alloc : memref<!tpu.dma_semaphore, #tpu.memory_space<semaphore_mem>>
      %dma_start3A_89 = arith.constant 0 : i32
      %dma_start3A_90 = tpu.memref_slice %arg8[%arg0, %mul3A_88, %dma_start3A_89] : memref<2x10240x128xf32, #tpu.memory_space<hbm>> -> memref<1x640x128xf32, #tpu.memory_space<hbm>>
      %dma_start3A_91 = tpu.memref_squeeze %dma_start3A_90 : memref<1x640x128xf32, #tpu.memory_space<hbm>> -> memref<640x128xf32, #tpu.memory_space<hbm>>
      %dma_start3A_92 = arith.constant 0 : i32
      %dma_start3A_93 = tpu.memref_slice %arg14[%mul3A_88, %dma_start3A_92] : memref<10240x128xf32, #tpu.memory_space<vmem_shared>> -> memref<640x128xf32, #tpu.memory_space<vmem_shared>>
      tpu.enqueue_dma source(%dma_start3A_93 : memref<640x128xf32, #tpu.memory_space<vmem_shared>>) target(%dma_start3A_91 : memref<640x128xf32, #tpu.memory_space<hbm>>) target_semaphore(%run_scoped3A : memref<!tpu.dma_semaphore, #tpu.memory_space<semaphore_mem>>)
      %dma_wait3A_94 = arith.constant 0 : i32
      %dma_wait3A_95 = tpu.memref_slice %arg8[%arg0, %mul3A_88, %dma_wait3A_94] : memref<2x10240x128xf32, #tpu.memory_space<hbm>> -> memref<1x640x128xf32, #tpu.memory_space<hbm>>
      %dma_wait3A_96 = tpu.memref_squeeze %dma_wait3A_95 : memref<1x640x128xf32, #tpu.memory_space<hbm>> -> memref<640x128xf32, #tpu.memory_space<hbm>>
      %dma_wait3A_97 = arith.constant 0 : i32
      %dma_wait3A_98 = tpu.memref_slice %arg14[%mul3A_88, %dma_wait3A_97] : memref<10240x128xf32, #tpu.memory_space<vmem_shared>> -> memref<640x128xf32, #tpu.memory_space<vmem_shared>>
      tpu.wait_dma2 semaphore(%run_scoped3A : memref<!tpu.dma_semaphore, #tpu.memory_space<semaphore_mem>>) src(%dma_wait3A_98 : memref<640x128xf32, #tpu.memory_space<vmem_shared>>) dst(%dma_wait3A_96 : memref<640x128xf32, #tpu.memory_space<hbm>>)
      tpu.yield
    }) : () -> ()
    "tpu.region"() ({
      %run_scoped3A = tpu.sem_alloc : memref<!tpu.dma_semaphore, #tpu.memory_space<semaphore_mem>>
      %dma_start3A_89 = tpu.memref_slice %arg9[%arg0, %mul3A_88] : memref<2x10240xf32, #tpu.memory_space<hbm>> -> memref<1x640xf32, #tpu.memory_space<hbm>>
      %dma_start3A_90 = tpu.memref_squeeze %dma_start3A_89 : memref<1x640xf32, #tpu.memory_space<hbm>> -> memref<640xf32, #tpu.memory_space<hbm>>
      %dma_start3A_91 = tpu.memref_slice %arg15[%mul3A_88] : memref<10240xf32, #tpu.memory_space<vmem_shared>> -> memref<640xf32, #tpu.memory_space<vmem_shared>>
      tpu.enqueue_dma source(%dma_start3A_91 : memref<640xf32, #tpu.memory_space<vmem_shared>>) target(%dma_start3A_90 : memref<640xf32, #tpu.memory_space<hbm>>) target_semaphore(%run_scoped3A : memref<!tpu.dma_semaphore, #tpu.memory_space<semaphore_mem>>)
      %dma_wait3A_92 = tpu.memref_slice %arg9[%arg0, %mul3A_88] : memref<2x10240xf32, #tpu.memory_space<hbm>> -> memref<1x640xf32, #tpu.memory_space<hbm>>
      %dma_wait3A_93 = tpu.memref_squeeze %dma_wait3A_92 : memref<1x640xf32, #tpu.memory_space<hbm>> -> memref<640xf32, #tpu.memory_space<hbm>>
      %dma_wait3A_94 = tpu.memref_slice %arg15[%mul3A_88] : memref<10240xf32, #tpu.memory_space<vmem_shared>> -> memref<640xf32, #tpu.memory_space<vmem_shared>>
      tpu.wait_dma2 semaphore(%run_scoped3A : memref<!tpu.dma_semaphore, #tpu.memory_space<semaphore_mem>>) src(%dma_wait3A_94 : memref<640xf32, #tpu.memory_space<vmem_shared>>) dst(%dma_wait3A_93 : memref<640xf32, #tpu.memory_space<hbm>>)
      tpu.yield
    }) : () -> ()
    return
  }
}

#map = affine_map<(d0, d1) -> (0, 0)>
#map1 = affine_map<(d0, d1) -> (0, 0, 0)>
#map2 = affine_map<(d0, d1) -> (0)>
module attributes {stable_mosaic.version = 14 : i64} {
  func.func @_sc_agg_body(%arg0: i32, %arg1: i32, %arg2: memref<10240x128xf32, #tpu.memory_space<hbm>>, %arg3: memref<32x126x40xi32, #tpu.memory_space<hbm>>, %arg4: memref<32x126x40xi32, #tpu.memory_space<hbm>>, %arg5: memref<640x128xf32, #tpu.memory_space<hbm>>, %arg6: memref<640xf32, #tpu.memory_space<hbm>>, %arg7: memref<40xf32, #tpu.memory_space<hbm>>, %arg8: memref<2x10240x128xf32, #tpu.memory_space<hbm>>, %arg9: memref<126x40xi32, #tpu.memory_space<vmem>>, %arg10: memref<126x40xi32, #tpu.memory_space<vmem>>, %arg11: memref<3x40x128xf32, #tpu.memory_space<vmem>>, %arg12: memref<10240x128xf32, #tpu.memory_space<vmem_shared>>, %arg13: memref<!tpu.dma_semaphore, #tpu.memory_space<semaphore_mem>>, %arg14: memref<!tpu.dma_semaphore, #tpu.memory_space<semaphore_mem>>, %arg15: memref<!tpu.dma_semaphore, #tpu.memory_space<semaphore_mem>>) attributes {dimension_semantics = [#tpu.dimension_semantics<core_parallel>, #tpu.dimension_semantics<subcore_parallel>], iteration_bounds = array<i64: 2, 16>, scalar_prefetch = 0 : i64, scratch_operands = 7 : i64, tpu.core_type = #tpu.core_type<sc_vector_subcore>, window_params = [{transform_indices = #map}, {transform_indices = #map1}, {transform_indices = #map1}, {transform_indices = #map}, {transform_indices = #map2}, {transform_indices = #map2}, {transform_indices = #map1}]} {
    %mul3A = arith.constant 16 : i32
    %mul3A_0 = arith.muli %arg0, %mul3A : i32
    %add3A = arith.addi %mul3A_0, %arg1 : i32
    "tpu.region"() ({
      %run_scoped3A = tpu.sem_alloc : memref<!tpu.dma_semaphore, #tpu.memory_space<semaphore_mem>>
      %dma_start3A_69 = arith.constant 0 : i32
      %dma_start3A_70 = arith.constant 0 : i32
      %dma_start3A_71 = tpu.memref_slice %arg3[%add3A, %dma_start3A_69, %dma_start3A_70] : memref<32x126x40xi32, #tpu.memory_space<hbm>> -> memref<1x126x40xi32, #tpu.memory_space<hbm>>
      %dma_start3A_72 = tpu.memref_squeeze %dma_start3A_71 : memref<1x126x40xi32, #tpu.memory_space<hbm>> -> memref<126x40xi32, #tpu.memory_space<hbm>>
      %dma_start3A_73 = arith.constant 0 : i32
      %dma_start3A_74 = arith.constant 0 : i32
      %dma_start3A_75 = tpu.memref_slice %arg3[%add3A, %dma_start3A_73, %dma_start3A_74] : memref<32x126x40xi32, #tpu.memory_space<hbm>> -> memref<1x126x40xi32, #tpu.memory_space<hbm>>
      %dma_start3A_76 = tpu.memref_squeeze %dma_start3A_75 : memref<1x126x40xi32, #tpu.memory_space<hbm>> -> memref<126x40xi32, #tpu.memory_space<hbm>>
      tpu.enqueue_dma source(%dma_start3A_76 : memref<126x40xi32, #tpu.memory_space<hbm>>) target(%arg9 : memref<126x40xi32, #tpu.memory_space<vmem>>) target_semaphore(%run_scoped3A : memref<!tpu.dma_semaphore, #tpu.memory_space<semaphore_mem>>)
      %dma_wait3A_77 = arith.constant 0 : i32
      %dma_wait3A_78 = arith.constant 0 : i32
      %dma_wait3A_79 = tpu.memref_slice %arg3[%add3A, %dma_wait3A_77, %dma_wait3A_78] : memref<32x126x40xi32, #tpu.memory_space<hbm>> -> memref<1x126x40xi32, #tpu.memory_space<hbm>>
      %dma_wait3A_80 = tpu.memref_squeeze %dma_wait3A_79 : memref<1x126x40xi32, #tpu.memory_space<hbm>> -> memref<126x40xi32, #tpu.memory_space<hbm>>
      %dma_wait3A_81 = arith.constant 0 : i32
      %dma_wait3A_82 = arith.constant 0 : i32
      %dma_wait3A_83 = tpu.memref_slice %arg3[%add3A, %dma_wait3A_81, %dma_wait3A_82] : memref<32x126x40xi32, #tpu.memory_space<hbm>> -> memref<1x126x40xi32, #tpu.memory_space<hbm>>
      %dma_wait3A_84 = tpu.memref_squeeze %dma_wait3A_83 : memref<1x126x40xi32, #tpu.memory_space<hbm>> -> memref<126x40xi32, #tpu.memory_space<hbm>>
      tpu.wait_dma2 semaphore(%run_scoped3A : memref<!tpu.dma_semaphore, #tpu.memory_space<semaphore_mem>>) src(%dma_wait3A_84 : memref<126x40xi32, #tpu.memory_space<hbm>>) dst(%arg9 : memref<126x40xi32, #tpu.memory_space<vmem>>)
      tpu.yield
    }) : () -> ()
    "tpu.region"() ({
      %run_scoped3A = tpu.sem_alloc : memref<!tpu.dma_semaphore, #tpu.memory_space<semaphore_mem>>
      %dma_start3A_69 = arith.constant 0 : i32
      %dma_start3A_70 = arith.constant 0 : i32
      %dma_start3A_71 = tpu.memref_slice %arg4[%add3A, %dma_start3A_69, %dma_start3A_70] : memref<32x126x40xi32, #tpu.memory_space<hbm>> -> memref<1x126x40xi32, #tpu.memory_space<hbm>>
      %dma_start3A_72 = tpu.memref_squeeze %dma_start3A_71 : memref<1x126x40xi32, #tpu.memory_space<hbm>> -> memref<126x40xi32, #tpu.memory_space<hbm>>
      %dma_start3A_73 = arith.constant 0 : i32
      %dma_start3A_74 = arith.constant 0 : i32
      %dma_start3A_75 = tpu.memref_slice %arg4[%add3A, %dma_start3A_73, %dma_start3A_74] : memref<32x126x40xi32, #tpu.memory_space<hbm>> -> memref<1x126x40xi32, #tpu.memory_space<hbm>>
      %dma_start3A_76 = tpu.memref_squeeze %dma_start3A_75 : memref<1x126x40xi32, #tpu.memory_space<hbm>> -> memref<126x40xi32, #tpu.memory_space<hbm>>
      tpu.enqueue_dma source(%dma_start3A_76 : memref<126x40xi32, #tpu.memory_space<hbm>>) target(%arg10 : memref<126x40xi32, #tpu.memory_space<vmem>>) target_semaphore(%run_scoped3A : memref<!tpu.dma_semaphore, #tpu.memory_space<semaphore_mem>>)
      %dma_wait3A_77 = arith.constant 0 : i32
      %dma_wait3A_78 = arith.constant 0 : i32
      %dma_wait3A_79 = tpu.memref_slice %arg4[%add3A, %dma_wait3A_77, %dma_wait3A_78] : memref<32x126x40xi32, #tpu.memory_space<hbm>> -> memref<1x126x40xi32, #tpu.memory_space<hbm>>
      %dma_wait3A_80 = tpu.memref_squeeze %dma_wait3A_79 : memref<1x126x40xi32, #tpu.memory_space<hbm>> -> memref<126x40xi32, #tpu.memory_space<hbm>>
      %dma_wait3A_81 = arith.constant 0 : i32
      %dma_wait3A_82 = arith.constant 0 : i32
      %dma_wait3A_83 = tpu.memref_slice %arg4[%add3A, %dma_wait3A_81, %dma_wait3A_82] : memref<32x126x40xi32, #tpu.memory_space<hbm>> -> memref<1x126x40xi32, #tpu.memory_space<hbm>>
      %dma_wait3A_84 = tpu.memref_squeeze %dma_wait3A_83 : memref<1x126x40xi32, #tpu.memory_space<hbm>> -> memref<126x40xi32, #tpu.memory_space<hbm>>
      tpu.wait_dma2 semaphore(%run_scoped3A : memref<!tpu.dma_semaphore, #tpu.memory_space<semaphore_mem>>) src(%dma_wait3A_84 : memref<126x40xi32, #tpu.memory_space<hbm>>) dst(%arg10 : memref<126x40xi32, #tpu.memory_space<vmem>>)
      tpu.yield
    }) : () -> ()
    %mul3A_1 = arith.constant 640 : i32
    %mul3A_2 = arith.muli %arg1, %mul3A_1 : i32
    "tpu.region"() ({
      %run_scoped3A = tpu.sem_alloc : memref<!tpu.dma_semaphore, #tpu.memory_space<semaphore_mem>>
      %dma_start3A_69 = arith.constant 0 : i32
      %dma_start3A_70 = tpu.memref_slice %arg12[%mul3A_2, %dma_start3A_69] : memref<10240x128xf32, #tpu.memory_space<vmem_shared>> -> memref<640x128xf32, #tpu.memory_space<vmem_shared>>
      tpu.enqueue_dma source(%arg5 : memref<640x128xf32, #tpu.memory_space<hbm>>) target(%dma_start3A_70 : memref<640x128xf32, #tpu.memory_space<vmem_shared>>) target_semaphore(%run_scoped3A : memref<!tpu.dma_semaphore, #tpu.memory_space<semaphore_mem>>)
      %dma_wait3A_71 = arith.constant 0 : i32
      %dma_wait3A_72 = tpu.memref_slice %arg12[%mul3A_2, %dma_wait3A_71] : memref<10240x128xf32, #tpu.memory_space<vmem_shared>> -> memref<640x128xf32, #tpu.memory_space<vmem_shared>>
      tpu.wait_dma2 semaphore(%run_scoped3A : memref<!tpu.dma_semaphore, #tpu.memory_space<semaphore_mem>>) src(%arg5 : memref<640x128xf32, #tpu.memory_space<hbm>>) dst(%dma_wait3A_72 : memref<640x128xf32, #tpu.memory_space<vmem_shared>>)
      tpu.yield
    }) : () -> ()
    %barrier3A = arith.constant 0 : index
    tpu.barrier barrier_id(%barrier3A)
    %dma_start3A = arith.constant 0 : i32
    %dma_start3A_3 = arith.constant 0 : i32
    %dma_start3A_4 = arith.constant 0 : i32
    %dma_start3A_5 = arith.constant 0 : i32
    %dma_start3A_6 = tpu.memref_slice %arg11[%dma_start3A_3, %dma_start3A_4, %dma_start3A_5] : memref<3x40x128xf32, #tpu.memory_space<vmem>> -> memref<1x40x128xf32, #tpu.memory_space<vmem>>
    %dma_start3A_7 = tpu.memref_squeeze %dma_start3A_6 : memref<1x40x128xf32, #tpu.memory_space<vmem>> -> memref<40x128xf32, #tpu.memory_space<vmem>>
    %dma_start3A_8 = arith.constant 0 : i32
    %dma_start3A_9 = tpu.memref_slice %arg9[%dma_start3A, %dma_start3A_8] : memref<126x40xi32, #tpu.memory_space<vmem>> -> memref<1x40xi32, #tpu.memory_space<vmem>>
    %dma_start3A_10 = tpu.memref_squeeze %dma_start3A_9 : memref<1x40xi32, #tpu.memory_space<vmem>> -> memref<40xi32, #tpu.memory_space<vmem>>
    %dma_start3A_11 = arith.constant 0 : i32
    %dma_start3A_12 = arith.constant 0 : i32
    %dma_start3A_13 = tpu.memref_slice %arg2[%dma_start3A_11, %dma_start3A_12] : memref<10240x128xf32, #tpu.memory_space<hbm>> -> memref<10240x128xf32, #tpu.memory_space<hbm>>
    tpu.enqueue_indirect_dma source(%dma_start3A_13 : memref<10240x128xf32, #tpu.memory_space<hbm>>) target(%dma_start3A_7 : memref<40x128xf32, #tpu.memory_space<vmem>>) offsets(%dma_start3A_10 : memref<40xi32, #tpu.memory_space<vmem>>) semaphore(%arg13 : memref<!tpu.dma_semaphore, #tpu.memory_space<semaphore_mem>>)
    %dma_start3A_14 = arith.constant 1 : i32
    %dma_start3A_15 = arith.constant 1 : i32
    %dma_start3A_16 = arith.constant 0 : i32
    %dma_start3A_17 = arith.constant 0 : i32
    %dma_start3A_18 = tpu.memref_slice %arg11[%dma_start3A_15, %dma_start3A_16, %dma_start3A_17] : memref<3x40x128xf32, #tpu.memory_space<vmem>> -> memref<1x40x128xf32, #tpu.memory_space<vmem>>
    %dma_start3A_19 = tpu.memref_squeeze %dma_start3A_18 : memref<1x40x128xf32, #tpu.memory_space<vmem>> -> memref<40x128xf32, #tpu.memory_space<vmem>>
    %dma_start3A_20 = arith.constant 0 : i32
    %dma_start3A_21 = tpu.memref_slice %arg9[%dma_start3A_14, %dma_start3A_20] : memref<126x40xi32, #tpu.memory_space<vmem>> -> memref<1x40xi32, #tpu.memory_space<vmem>>
    %dma_start3A_22 = tpu.memref_squeeze %dma_start3A_21 : memref<1x40xi32, #tpu.memory_space<vmem>> -> memref<40xi32, #tpu.memory_space<vmem>>
    %dma_start3A_23 = arith.constant 0 : i32
    %dma_start3A_24 = arith.constant 0 : i32
    %dma_start3A_25 = tpu.memref_slice %arg2[%dma_start3A_23, %dma_start3A_24] : memref<10240x128xf32, #tpu.memory_space<hbm>> -> memref<10240x128xf32, #tpu.memory_space<hbm>>
    tpu.enqueue_indirect_dma source(%dma_start3A_25 : memref<10240x128xf32, #tpu.memory_space<hbm>>) target(%dma_start3A_19 : memref<40x128xf32, #tpu.memory_space<vmem>>) offsets(%dma_start3A_22 : memref<40xi32, #tpu.memory_space<vmem>>) semaphore(%arg14 : memref<!tpu.dma_semaphore, #tpu.memory_space<semaphore_mem>>)
    %scan3A = arith.constant 0 : i32
    %scan3A_26 = arith.constant 0 : i32
    %scan3A_27 = arith.constant 42 : i32
    %scan3A_28 = arith.addi %scan3A_26, %scan3A_27 : i32
    %scan3A_29 = arith.constant 1 : i32
    scf.for %scan3A_69 = %scan3A_26 to %scan3A_28 step %scan3A_29  : i32 {
      %mul3A_70 = arith.constant 3 : i32
      %mul3A_71 = arith.muli %mul3A_70, %scan3A_69 : i32
      %add3A_72 = arith.constant 0 : i32
      %add3A_73 = arith.addi %mul3A_71, %add3A_72 : i32
      %dma_wait3A_74 = arith.constant 0 : i32
      %dma_wait3A_75 = arith.constant 0 : i32
      %dma_wait3A_76 = arith.constant 0 : i32
      %dma_wait3A_77 = tpu.memref_slice %arg11[%dma_wait3A_74, %dma_wait3A_75, %dma_wait3A_76] : memref<3x40x128xf32, #tpu.memory_space<vmem>> -> memref<1x40x128xf32, #tpu.memory_space<vmem>>
      %dma_wait3A_78 = tpu.memref_squeeze %dma_wait3A_77 : memref<1x40x128xf32, #tpu.memory_space<vmem>> -> memref<40x128xf32, #tpu.memory_space<vmem>>
      %dma_wait3A_79 = arith.constant 0 : i32
      %dma_wait3A_80 = tpu.memref_slice %arg9[%add3A_73, %dma_wait3A_79] : memref<126x40xi32, #tpu.memory_space<vmem>> -> memref<1x40xi32, #tpu.memory_space<vmem>>
      %dma_wait3A_81 = tpu.memref_squeeze %dma_wait3A_80 : memref<1x40xi32, #tpu.memory_space<vmem>> -> memref<40xi32, #tpu.memory_space<vmem>>
      %dma_wait3A_82 = arith.constant 0 : i32
      %dma_wait3A_83 = arith.constant 0 : i32
      %dma_wait3A_84 = tpu.memref_slice %arg2[%dma_wait3A_82, %dma_wait3A_83] : memref<10240x128xf32, #tpu.memory_space<hbm>> -> memref<10240x128xf32, #tpu.memory_space<hbm>>
      tpu.wait_indirect_dma semaphore(%arg13 : memref<!tpu.dma_semaphore, #tpu.memory_space<semaphore_mem>>) src(%dma_wait3A_84 : memref<10240x128xf32, #tpu.memory_space<hbm>>) dst(%dma_wait3A_78 : memref<40x128xf32, #tpu.memory_space<vmem>>)
      %add3A_85 = arith.constant 2 : i32
      %add3A_86 = arith.addi %add3A_73, %add3A_85 : i32
      %lt3A = arith.constant 126 : i32
      %lt3A_87 = arith.cmpi slt, %add3A_86, %lt3A : i32
      %convert_element_type3A = arith.extui %lt3A_87 : i1 to i32
      %cond3A = arith.constant 0 : i32
      %cond3A_88 = arith.cmpi ne, %convert_element_type3A, %cond3A : i32
      scf.if %cond3A_88 {
        %add3A_166 = arith.constant 2 : i32
        %add3A_167 = arith.addi %add3A_73, %add3A_166 : i32
        %ge3A = arith.constant 3 : i32
        %ge3A_168 = arith.cmpi sge, %add3A_167, %ge3A : i32
        %convert_element_type3A_169 = arith.extui %ge3A_168 : i1 to i32
        %cond3A_170 = arith.constant 0 : i32
        %cond3A_171 = arith.cmpi ne, %convert_element_type3A_169, %cond3A_170 : i32
        scf.if %cond3A_171 {
          %dma_wait3A_185 = arith.constant 2 : i32
          %dma_wait3A_186 = arith.constant 0 : i32
          %dma_wait3A_187 = arith.constant 0 : i32
          %dma_wait3A_188 = tpu.memref_slice %arg11[%dma_wait3A_185, %dma_wait3A_186, %dma_wait3A_187] : memref<3x40x128xf32, #tpu.memory_space<vmem>> -> memref<1x40x128xf32, #tpu.memory_space<vmem>>
          %dma_wait3A_189 = tpu.memref_squeeze %dma_wait3A_188 : memref<1x40x128xf32, #tpu.memory_space<vmem>> -> memref<40x128xf32, #tpu.memory_space<vmem>>
          %dma_wait3A_190 = arith.constant 0 : i32
          %dma_wait3A_191 = tpu.memref_slice %arg10[%add3A_73, %dma_wait3A_190] : memref<126x40xi32, #tpu.memory_space<vmem>> -> memref<1x40xi32, #tpu.memory_space<vmem>>
          %dma_wait3A_192 = tpu.memref_squeeze %dma_wait3A_191 : memref<1x40xi32, #tpu.memory_space<vmem>> -> memref<40xi32, #tpu.memory_space<vmem>>
          %dma_wait3A_193 = arith.constant 0 : i32
          %dma_wait3A_194 = arith.constant 0 : i32
          %dma_wait3A_195 = tpu.memref_slice %arg12[%dma_wait3A_193, %dma_wait3A_194] : memref<10240x128xf32, #tpu.memory_space<vmem_shared>> -> memref<10240x128xf32, #tpu.memory_space<vmem_shared>>
          tpu.wait_indirect_dma semaphore(%arg15 : memref<!tpu.dma_semaphore, #tpu.memory_space<semaphore_mem>>) src(%dma_wait3A_189 : memref<40x128xf32, #tpu.memory_space<vmem>>) dst(%dma_wait3A_195 : memref<10240x128xf32, #tpu.memory_space<vmem_shared>>)
        } else {
        }
        %add3A_172 = arith.constant 2 : i32
        %add3A_173 = arith.addi %add3A_73, %add3A_172 : i32
        %dma_start3A_174 = arith.constant 2 : i32
        %dma_start3A_175 = arith.constant 0 : i32
        %dma_start3A_176 = arith.constant 0 : i32
        %dma_start3A_177 = tpu.memref_slice %arg11[%dma_start3A_174, %dma_start3A_175, %dma_start3A_176] : memref<3x40x128xf32, #tpu.memory_space<vmem>> -> memref<1x40x128xf32, #tpu.memory_space<vmem>>
        %dma_start3A_178 = tpu.memref_squeeze %dma_start3A_177 : memref<1x40x128xf32, #tpu.memory_space<vmem>> -> memref<40x128xf32, #tpu.memory_space<vmem>>
        %dma_start3A_179 = arith.constant 0 : i32
        %dma_start3A_180 = tpu.memref_slice %arg9[%add3A_173, %dma_start3A_179] : memref<126x40xi32, #tpu.memory_space<vmem>> -> memref<1x40xi32, #tpu.memory_space<vmem>>
        %dma_start3A_181 = tpu.memref_squeeze %dma_start3A_180 : memref<1x40xi32, #tpu.memory_space<vmem>> -> memref<40xi32, #tpu.memory_space<vmem>>
        %dma_start3A_182 = arith.constant 0 : i32
        %dma_start3A_183 = arith.constant 0 : i32
        %dma_start3A_184 = tpu.memref_slice %arg2[%dma_start3A_182, %dma_start3A_183] : memref<10240x128xf32, #tpu.memory_space<hbm>> -> memref<10240x128xf32, #tpu.memory_space<hbm>>
        tpu.enqueue_indirect_dma source(%dma_start3A_184 : memref<10240x128xf32, #tpu.memory_space<hbm>>) target(%dma_start3A_178 : memref<40x128xf32, #tpu.memory_space<vmem>>) offsets(%dma_start3A_181 : memref<40xi32, #tpu.memory_space<vmem>>) semaphore(%arg15 : memref<!tpu.dma_semaphore, #tpu.memory_space<semaphore_mem>>)
      } else {
      }
      %dma_start3A_89 = arith.constant 0 : i32
      %dma_start3A_90 = arith.constant 0 : i32
      %dma_start3A_91 = arith.constant 0 : i32
      %dma_start3A_92 = tpu.memref_slice %arg11[%dma_start3A_89, %dma_start3A_90, %dma_start3A_91] : memref<3x40x128xf32, #tpu.memory_space<vmem>> -> memref<1x40x128xf32, #tpu.memory_space<vmem>>
      %dma_start3A_93 = tpu.memref_squeeze %dma_start3A_92 : memref<1x40x128xf32, #tpu.memory_space<vmem>> -> memref<40x128xf32, #tpu.memory_space<vmem>>
      %dma_start3A_94 = arith.constant 0 : i32
      %dma_start3A_95 = tpu.memref_slice %arg10[%add3A_73, %dma_start3A_94] : memref<126x40xi32, #tpu.memory_space<vmem>> -> memref<1x40xi32, #tpu.memory_space<vmem>>
      %dma_start3A_96 = tpu.memref_squeeze %dma_start3A_95 : memref<1x40xi32, #tpu.memory_space<vmem>> -> memref<40xi32, #tpu.memory_space<vmem>>
      %dma_start3A_97 = arith.constant 0 : i32
      %dma_start3A_98 = arith.constant 0 : i32
      %dma_start3A_99 = tpu.memref_slice %arg12[%dma_start3A_97, %dma_start3A_98] : memref<10240x128xf32, #tpu.memory_space<vmem_shared>> -> memref<10240x128xf32, #tpu.memory_space<vmem_shared>>
      tpu.enqueue_indirect_dma source(%dma_start3A_93 : memref<40x128xf32, #tpu.memory_space<vmem>>) target(%dma_start3A_99 : memref<10240x128xf32, #tpu.memory_space<vmem_shared>>) offsets(%dma_start3A_96 : memref<40xi32, #tpu.memory_space<vmem>>) semaphore(%arg13 : memref<!tpu.dma_semaphore, #tpu.memory_space<semaphore_mem>>) {add = true}
      %mul3A_100 = arith.constant 3 : i32
      %mul3A_101 = arith.muli %mul3A_100, %scan3A_69 : i32
      %add3A_102 = arith.constant 1 : i32
      %add3A_103 = arith.addi %mul3A_101, %add3A_102 : i32
      %dma_wait3A_104 = arith.constant 1 : i32
      %dma_wait3A_105 = arith.constant 0 : i32
      %dma_wait3A_106 = arith.constant 0 : i32
      %dma_wait3A_107 = tpu.memref_slice %arg11[%dma_wait3A_104, %dma_wait3A_105, %dma_wait3A_106] : memref<3x40x128xf32, #tpu.memory_space<vmem>> -> memref<1x40x128xf32, #tpu.memory_space<vmem>>
      %dma_wait3A_108 = tpu.memref_squeeze %dma_wait3A_107 : memref<1x40x128xf32, #tpu.memory_space<vmem>> -> memref<40x128xf32, #tpu.memory_space<vmem>>
      %dma_wait3A_109 = arith.constant 0 : i32
      %dma_wait3A_110 = tpu.memref_slice %arg9[%add3A_103, %dma_wait3A_109] : memref<126x40xi32, #tpu.memory_space<vmem>> -> memref<1x40xi32, #tpu.memory_space<vmem>>
      %dma_wait3A_111 = tpu.memref_squeeze %dma_wait3A_110 : memref<1x40xi32, #tpu.memory_space<vmem>> -> memref<40xi32, #tpu.memory_space<vmem>>
      %dma_wait3A_112 = arith.constant 0 : i32
      %dma_wait3A_113 = arith.constant 0 : i32
      %dma_wait3A_114 = tpu.memref_slice %arg2[%dma_wait3A_112, %dma_wait3A_113] : memref<10240x128xf32, #tpu.memory_space<hbm>> -> memref<10240x128xf32, #tpu.memory_space<hbm>>
      tpu.wait_indirect_dma semaphore(%arg14 : memref<!tpu.dma_semaphore, #tpu.memory_space<semaphore_mem>>) src(%dma_wait3A_114 : memref<10240x128xf32, #tpu.memory_space<hbm>>) dst(%dma_wait3A_108 : memref<40x128xf32, #tpu.memory_space<vmem>>)
      %add3A_115 = arith.constant 2 : i32
      %add3A_116 = arith.addi %add3A_103, %add3A_115 : i32
      %lt3A_117 = arith.constant 126 : i32
      %lt3A_118 = arith.cmpi slt, %add3A_116, %lt3A_117 : i32
      %convert_element_type3A_119 = arith.extui %lt3A_118 : i1 to i32
      %cond3A_120 = arith.constant 0 : i32
      %cond3A_121 = arith.cmpi ne, %convert_element_type3A_119, %cond3A_120 : i32
      scf.if %cond3A_121 {
        %add3A_166 = arith.constant 2 : i32
        %add3A_167 = arith.addi %add3A_103, %add3A_166 : i32
        %ge3A = arith.constant 3 : i32
        %ge3A_168 = arith.cmpi sge, %add3A_167, %ge3A : i32
        %convert_element_type3A_169 = arith.extui %ge3A_168 : i1 to i32
        %cond3A_170 = arith.constant 0 : i32
        %cond3A_171 = arith.cmpi ne, %convert_element_type3A_169, %cond3A_170 : i32
        scf.if %cond3A_171 {
          %dma_wait3A_185 = arith.constant 0 : i32
          %dma_wait3A_186 = arith.constant 0 : i32
          %dma_wait3A_187 = arith.constant 0 : i32
          %dma_wait3A_188 = tpu.memref_slice %arg11[%dma_wait3A_185, %dma_wait3A_186, %dma_wait3A_187] : memref<3x40x128xf32, #tpu.memory_space<vmem>> -> memref<1x40x128xf32, #tpu.memory_space<vmem>>
          %dma_wait3A_189 = tpu.memref_squeeze %dma_wait3A_188 : memref<1x40x128xf32, #tpu.memory_space<vmem>> -> memref<40x128xf32, #tpu.memory_space<vmem>>
          %dma_wait3A_190 = arith.constant 0 : i32
          %dma_wait3A_191 = tpu.memref_slice %arg10[%add3A_103, %dma_wait3A_190] : memref<126x40xi32, #tpu.memory_space<vmem>> -> memref<1x40xi32, #tpu.memory_space<vmem>>
          %dma_wait3A_192 = tpu.memref_squeeze %dma_wait3A_191 : memref<1x40xi32, #tpu.memory_space<vmem>> -> memref<40xi32, #tpu.memory_space<vmem>>
          %dma_wait3A_193 = arith.constant 0 : i32
          %dma_wait3A_194 = arith.constant 0 : i32
          %dma_wait3A_195 = tpu.memref_slice %arg12[%dma_wait3A_193, %dma_wait3A_194] : memref<10240x128xf32, #tpu.memory_space<vmem_shared>> -> memref<10240x128xf32, #tpu.memory_space<vmem_shared>>
          tpu.wait_indirect_dma semaphore(%arg13 : memref<!tpu.dma_semaphore, #tpu.memory_space<semaphore_mem>>) src(%dma_wait3A_189 : memref<40x128xf32, #tpu.memory_space<vmem>>) dst(%dma_wait3A_195 : memref<10240x128xf32, #tpu.memory_space<vmem_shared>>)
        } else {
        }
        %add3A_172 = arith.constant 2 : i32
        %add3A_173 = arith.addi %add3A_103, %add3A_172 : i32
        %dma_start3A_174 = arith.constant 0 : i32
        %dma_start3A_175 = arith.constant 0 : i32
        %dma_start3A_176 = arith.constant 0 : i32
        %dma_start3A_177 = tpu.memref_slice %arg11[%dma_start3A_174, %dma_start3A_175, %dma_start3A_176] : memref<3x40x128xf32, #tpu.memory_space<vmem>> -> memref<1x40x128xf32, #tpu.memory_space<vmem>>
        %dma_start3A_178 = tpu.memref_squeeze %dma_start3A_177 : memref<1x40x128xf32, #tpu.memory_space<vmem>> -> memref<40x128xf32, #tpu.memory_space<vmem>>
        %dma_start3A_179 = arith.constant 0 : i32
        %dma_start3A_180 = tpu.memref_slice %arg9[%add3A_173, %dma_start3A_179] : memref<126x40xi32, #tpu.memory_space<vmem>> -> memref<1x40xi32, #tpu.memory_space<vmem>>
        %dma_start3A_181 = tpu.memref_squeeze %dma_start3A_180 : memref<1x40xi32, #tpu.memory_space<vmem>> -> memref<40xi32, #tpu.memory_space<vmem>>
        %dma_start3A_182 = arith.constant 0 : i32
        %dma_start3A_183 = arith.constant 0 : i32
        %dma_start3A_184 = tpu.memref_slice %arg2[%dma_start3A_182, %dma_start3A_183] : memref<10240x128xf32, #tpu.memory_space<hbm>> -> memref<10240x128xf32, #tpu.memory_space<hbm>>
        tpu.enqueue_indirect_dma source(%dma_start3A_184 : memref<10240x128xf32, #tpu.memory_space<hbm>>) target(%dma_start3A_178 : memref<40x128xf32, #tpu.memory_space<vmem>>) offsets(%dma_start3A_181 : memref<40xi32, #tpu.memory_space<vmem>>) semaphore(%arg13 : memref<!tpu.dma_semaphore, #tpu.memory_space<semaphore_mem>>)
      } else {
      }
      %dma_start3A_122 = arith.constant 1 : i32
      %dma_start3A_123 = arith.constant 0 : i32
      %dma_start3A_124 = arith.constant 0 : i32
      %dma_start3A_125 = tpu.memref_slice %arg11[%dma_start3A_122, %dma_start3A_123, %dma_start3A_124] : memref<3x40x128xf32, #tpu.memory_space<vmem>> -> memref<1x40x128xf32, #tpu.memory_space<vmem>>
      %dma_start3A_126 = tpu.memref_squeeze %dma_start3A_125 : memref<1x40x128xf32, #tpu.memory_space<vmem>> -> memref<40x128xf32, #tpu.memory_space<vmem>>
      %dma_start3A_127 = arith.constant 0 : i32
      %dma_start3A_128 = tpu.memref_slice %arg10[%add3A_103, %dma_start3A_127] : memref<126x40xi32, #tpu.memory_space<vmem>> -> memref<1x40xi32, #tpu.memory_space<vmem>>
      %dma_start3A_129 = tpu.memref_squeeze %dma_start3A_128 : memref<1x40xi32, #tpu.memory_space<vmem>> -> memref<40xi32, #tpu.memory_space<vmem>>
      %dma_start3A_130 = arith.constant 0 : i32
      %dma_start3A_131 = arith.constant 0 : i32
      %dma_start3A_132 = tpu.memref_slice %arg12[%dma_start3A_130, %dma_start3A_131] : memref<10240x128xf32, #tpu.memory_space<vmem_shared>> -> memref<10240x128xf32, #tpu.memory_space<vmem_shared>>
      tpu.enqueue_indirect_dma source(%dma_start3A_126 : memref<40x128xf32, #tpu.memory_space<vmem>>) target(%dma_start3A_132 : memref<10240x128xf32, #tpu.memory_space<vmem_shared>>) offsets(%dma_start3A_129 : memref<40xi32, #tpu.memory_space<vmem>>) semaphore(%arg14 : memref<!tpu.dma_semaphore, #tpu.memory_space<semaphore_mem>>) {add = true}
      %mul3A_133 = arith.constant 3 : i32
      %mul3A_134 = arith.muli %mul3A_133, %scan3A_69 : i32
      %add3A_135 = arith.constant 2 : i32
      %add3A_136 = arith.addi %mul3A_134, %add3A_135 : i32
      %dma_wait3A_137 = arith.constant 2 : i32
      %dma_wait3A_138 = arith.constant 0 : i32
      %dma_wait3A_139 = arith.constant 0 : i32
      %dma_wait3A_140 = tpu.memref_slice %arg11[%dma_wait3A_137, %dma_wait3A_138, %dma_wait3A_139] : memref<3x40x128xf32, #tpu.memory_space<vmem>> -> memref<1x40x128xf32, #tpu.memory_space<vmem>>
      %dma_wait3A_141 = tpu.memref_squeeze %dma_wait3A_140 : memref<1x40x128xf32, #tpu.memory_space<vmem>> -> memref<40x128xf32, #tpu.memory_space<vmem>>
      %dma_wait3A_142 = arith.constant 0 : i32
      %dma_wait3A_143 = tpu.memref_slice %arg9[%add3A_136, %dma_wait3A_142] : memref<126x40xi32, #tpu.memory_space<vmem>> -> memref<1x40xi32, #tpu.memory_space<vmem>>
      %dma_wait3A_144 = tpu.memref_squeeze %dma_wait3A_143 : memref<1x40xi32, #tpu.memory_space<vmem>> -> memref<40xi32, #tpu.memory_space<vmem>>
      %dma_wait3A_145 = arith.constant 0 : i32
      %dma_wait3A_146 = arith.constant 0 : i32
      %dma_wait3A_147 = tpu.memref_slice %arg2[%dma_wait3A_145, %dma_wait3A_146] : memref<10240x128xf32, #tpu.memory_space<hbm>> -> memref<10240x128xf32, #tpu.memory_space<hbm>>
      tpu.wait_indirect_dma semaphore(%arg15 : memref<!tpu.dma_semaphore, #tpu.memory_space<semaphore_mem>>) src(%dma_wait3A_147 : memref<10240x128xf32, #tpu.memory_space<hbm>>) dst(%dma_wait3A_141 : memref<40x128xf32, #tpu.memory_space<vmem>>)
      %add3A_148 = arith.constant 2 : i32
      %add3A_149 = arith.addi %add3A_136, %add3A_148 : i32
      %lt3A_150 = arith.constant 126 : i32
      %lt3A_151 = arith.cmpi slt, %add3A_149, %lt3A_150 : i32
      %convert_element_type3A_152 = arith.extui %lt3A_151 : i1 to i32
      %cond3A_153 = arith.constant 0 : i32
      %cond3A_154 = arith.cmpi ne, %convert_element_type3A_152, %cond3A_153 : i32
      scf.if %cond3A_154 {
        %add3A_166 = arith.constant 2 : i32
        %add3A_167 = arith.addi %add3A_136, %add3A_166 : i32
        %ge3A = arith.constant 3 : i32
        %ge3A_168 = arith.cmpi sge, %add3A_167, %ge3A : i32
        %convert_element_type3A_169 = arith.extui %ge3A_168 : i1 to i32
        %cond3A_170 = arith.constant 0 : i32
        %cond3A_171 = arith.cmpi ne, %convert_element_type3A_169, %cond3A_170 : i32
        scf.if %cond3A_171 {
          %dma_wait3A_185 = arith.constant 1 : i32
          %dma_wait3A_186 = arith.constant 0 : i32
          %dma_wait3A_187 = arith.constant 0 : i32
          %dma_wait3A_188 = tpu.memref_slice %arg11[%dma_wait3A_185, %dma_wait3A_186, %dma_wait3A_187] : memref<3x40x128xf32, #tpu.memory_space<vmem>> -> memref<1x40x128xf32, #tpu.memory_space<vmem>>
          %dma_wait3A_189 = tpu.memref_squeeze %dma_wait3A_188 : memref<1x40x128xf32, #tpu.memory_space<vmem>> -> memref<40x128xf32, #tpu.memory_space<vmem>>
          %dma_wait3A_190 = arith.constant 0 : i32
          %dma_wait3A_191 = tpu.memref_slice %arg10[%add3A_136, %dma_wait3A_190] : memref<126x40xi32, #tpu.memory_space<vmem>> -> memref<1x40xi32, #tpu.memory_space<vmem>>
          %dma_wait3A_192 = tpu.memref_squeeze %dma_wait3A_191 : memref<1x40xi32, #tpu.memory_space<vmem>> -> memref<40xi32, #tpu.memory_space<vmem>>
          %dma_wait3A_193 = arith.constant 0 : i32
          %dma_wait3A_194 = arith.constant 0 : i32
          %dma_wait3A_195 = tpu.memref_slice %arg12[%dma_wait3A_193, %dma_wait3A_194] : memref<10240x128xf32, #tpu.memory_space<vmem_shared>> -> memref<10240x128xf32, #tpu.memory_space<vmem_shared>>
          tpu.wait_indirect_dma semaphore(%arg14 : memref<!tpu.dma_semaphore, #tpu.memory_space<semaphore_mem>>) src(%dma_wait3A_189 : memref<40x128xf32, #tpu.memory_space<vmem>>) dst(%dma_wait3A_195 : memref<10240x128xf32, #tpu.memory_space<vmem_shared>>)
        } else {
        }
        %add3A_172 = arith.constant 2 : i32
        %add3A_173 = arith.addi %add3A_136, %add3A_172 : i32
        %dma_start3A_174 = arith.constant 1 : i32
        %dma_start3A_175 = arith.constant 0 : i32
        %dma_start3A_176 = arith.constant 0 : i32
        %dma_start3A_177 = tpu.memref_slice %arg11[%dma_start3A_174, %dma_start3A_175, %dma_start3A_176] : memref<3x40x128xf32, #tpu.memory_space<vmem>> -> memref<1x40x128xf32, #tpu.memory_space<vmem>>
        %dma_start3A_178 = tpu.memref_squeeze %dma_start3A_177 : memref<1x40x128xf32, #tpu.memory_space<vmem>> -> memref<40x128xf32, #tpu.memory_space<vmem>>
        %dma_start3A_179 = arith.constant 0 : i32
        %dma_start3A_180 = tpu.memref_slice %arg9[%add3A_173, %dma_start3A_179] : memref<126x40xi32, #tpu.memory_space<vmem>> -> memref<1x40xi32, #tpu.memory_space<vmem>>
        %dma_start3A_181 = tpu.memref_squeeze %dma_start3A_180 : memref<1x40xi32, #tpu.memory_space<vmem>> -> memref<40xi32, #tpu.memory_space<vmem>>
        %dma_start3A_182 = arith.constant 0 : i32
        %dma_start3A_183 = arith.constant 0 : i32
        %dma_start3A_184 = tpu.memref_slice %arg2[%dma_start3A_182, %dma_start3A_183] : memref<10240x128xf32, #tpu.memory_space<hbm>> -> memref<10240x128xf32, #tpu.memory_space<hbm>>
        tpu.enqueue_indirect_dma source(%dma_start3A_184 : memref<10240x128xf32, #tpu.memory_space<hbm>>) target(%dma_start3A_178 : memref<40x128xf32, #tpu.memory_space<vmem>>) offsets(%dma_start3A_181 : memref<40xi32, #tpu.memory_space<vmem>>) semaphore(%arg14 : memref<!tpu.dma_semaphore, #tpu.memory_space<semaphore_mem>>)
      } else {
      }
      %dma_start3A_155 = arith.constant 2 : i32
      %dma_start3A_156 = arith.constant 0 : i32
      %dma_start3A_157 = arith.constant 0 : i32
      %dma_start3A_158 = tpu.memref_slice %arg11[%dma_start3A_155, %dma_start3A_156, %dma_start3A_157] : memref<3x40x128xf32, #tpu.memory_space<vmem>> -> memref<1x40x128xf32, #tpu.memory_space<vmem>>
      %dma_start3A_159 = tpu.memref_squeeze %dma_start3A_158 : memref<1x40x128xf32, #tpu.memory_space<vmem>> -> memref<40x128xf32, #tpu.memory_space<vmem>>
      %dma_start3A_160 = arith.constant 0 : i32
      %dma_start3A_161 = tpu.memref_slice %arg10[%add3A_136, %dma_start3A_160] : memref<126x40xi32, #tpu.memory_space<vmem>> -> memref<1x40xi32, #tpu.memory_space<vmem>>
      %dma_start3A_162 = tpu.memref_squeeze %dma_start3A_161 : memref<1x40xi32, #tpu.memory_space<vmem>> -> memref<40xi32, #tpu.memory_space<vmem>>
      %dma_start3A_163 = arith.constant 0 : i32
      %dma_start3A_164 = arith.constant 0 : i32
      %dma_start3A_165 = tpu.memref_slice %arg12[%dma_start3A_163, %dma_start3A_164] : memref<10240x128xf32, #tpu.memory_space<vmem_shared>> -> memref<10240x128xf32, #tpu.memory_space<vmem_shared>>
      tpu.enqueue_indirect_dma source(%dma_start3A_159 : memref<40x128xf32, #tpu.memory_space<vmem>>) target(%dma_start3A_165 : memref<10240x128xf32, #tpu.memory_space<vmem_shared>>) offsets(%dma_start3A_162 : memref<40xi32, #tpu.memory_space<vmem>>) semaphore(%arg15 : memref<!tpu.dma_semaphore, #tpu.memory_space<semaphore_mem>>) {add = true}
    }
    %scan3A_30 = arith.constant 42 : i32
    %dma_wait3A = arith.constant 0 : i32
    %dma_wait3A_31 = arith.constant 0 : i32
    %dma_wait3A_32 = arith.constant 0 : i32
    %dma_wait3A_33 = arith.constant 0 : i32
    %dma_wait3A_34 = tpu.memref_slice %arg11[%dma_wait3A, %dma_wait3A_32, %dma_wait3A_33] : memref<3x40x128xf32, #tpu.memory_space<vmem>> -> memref<1x40x128xf32, #tpu.memory_space<vmem>>
    %dma_wait3A_35 = tpu.memref_squeeze %dma_wait3A_34 : memref<1x40x128xf32, #tpu.memory_space<vmem>> -> memref<40x128xf32, #tpu.memory_space<vmem>>
    %dma_wait3A_36 = arith.constant 0 : i32
    %dma_wait3A_37 = tpu.memref_slice %arg10[%dma_wait3A_31, %dma_wait3A_36] : memref<126x40xi32, #tpu.memory_space<vmem>> -> memref<1x40xi32, #tpu.memory_space<vmem>>
    %dma_wait3A_38 = tpu.memref_squeeze %dma_wait3A_37 : memref<1x40xi32, #tpu.memory_space<vmem>> -> memref<40xi32, #tpu.memory_space<vmem>>
    %dma_wait3A_39 = arith.constant 0 : i32
    %dma_wait3A_40 = arith.constant 0 : i32
    %dma_wait3A_41 = tpu.memref_slice %arg12[%dma_wait3A_39, %dma_wait3A_40] : memref<10240x128xf32, #tpu.memory_space<vmem_shared>> -> memref<10240x128xf32, #tpu.memory_space<vmem_shared>>
    tpu.wait_indirect_dma semaphore(%arg13 : memref<!tpu.dma_semaphore, #tpu.memory_space<semaphore_mem>>) src(%dma_wait3A_35 : memref<40x128xf32, #tpu.memory_space<vmem>>) dst(%dma_wait3A_41 : memref<10240x128xf32, #tpu.memory_space<vmem_shared>>)
    %dma_wait3A_42 = arith.constant 1 : i32
    %dma_wait3A_43 = arith.constant 0 : i32
    %dma_wait3A_44 = arith.constant 0 : i32
    %dma_wait3A_45 = arith.constant 0 : i32
    %dma_wait3A_46 = tpu.memref_slice %arg11[%dma_wait3A_42, %dma_wait3A_44, %dma_wait3A_45] : memref<3x40x128xf32, #tpu.memory_space<vmem>> -> memref<1x40x128xf32, #tpu.memory_space<vmem>>
    %dma_wait3A_47 = tpu.memref_squeeze %dma_wait3A_46 : memref<1x40x128xf32, #tpu.memory_space<vmem>> -> memref<40x128xf32, #tpu.memory_space<vmem>>
    %dma_wait3A_48 = arith.constant 0 : i32
    %dma_wait3A_49 = tpu.memref_slice %arg10[%dma_wait3A_43, %dma_wait3A_48] : memref<126x40xi32, #tpu.memory_space<vmem>> -> memref<1x40xi32, #tpu.memory_space<vmem>>
    %dma_wait3A_50 = tpu.memref_squeeze %dma_wait3A_49 : memref<1x40xi32, #tpu.memory_space<vmem>> -> memref<40xi32, #tpu.memory_space<vmem>>
    %dma_wait3A_51 = arith.constant 0 : i32
    %dma_wait3A_52 = arith.constant 0 : i32
    %dma_wait3A_53 = tpu.memref_slice %arg12[%dma_wait3A_51, %dma_wait3A_52] : memref<10240x128xf32, #tpu.memory_space<vmem_shared>> -> memref<10240x128xf32, #tpu.memory_space<vmem_shared>>
    tpu.wait_indirect_dma semaphore(%arg14 : memref<!tpu.dma_semaphore, #tpu.memory_space<semaphore_mem>>) src(%dma_wait3A_47 : memref<40x128xf32, #tpu.memory_space<vmem>>) dst(%dma_wait3A_53 : memref<10240x128xf32, #tpu.memory_space<vmem_shared>>)
    %dma_wait3A_54 = arith.constant 2 : i32
    %dma_wait3A_55 = arith.constant 0 : i32
    %dma_wait3A_56 = arith.constant 0 : i32
    %dma_wait3A_57 = arith.constant 0 : i32
    %dma_wait3A_58 = tpu.memref_slice %arg11[%dma_wait3A_54, %dma_wait3A_56, %dma_wait3A_57] : memref<3x40x128xf32, #tpu.memory_space<vmem>> -> memref<1x40x128xf32, #tpu.memory_space<vmem>>
    %dma_wait3A_59 = tpu.memref_squeeze %dma_wait3A_58 : memref<1x40x128xf32, #tpu.memory_space<vmem>> -> memref<40x128xf32, #tpu.memory_space<vmem>>
    %dma_wait3A_60 = arith.constant 0 : i32
    %dma_wait3A_61 = tpu.memref_slice %arg10[%dma_wait3A_55, %dma_wait3A_60] : memref<126x40xi32, #tpu.memory_space<vmem>> -> memref<1x40xi32, #tpu.memory_space<vmem>>
    %dma_wait3A_62 = tpu.memref_squeeze %dma_wait3A_61 : memref<1x40xi32, #tpu.memory_space<vmem>> -> memref<40xi32, #tpu.memory_space<vmem>>
    %dma_wait3A_63 = arith.constant 0 : i32
    %dma_wait3A_64 = arith.constant 0 : i32
    %dma_wait3A_65 = tpu.memref_slice %arg12[%dma_wait3A_63, %dma_wait3A_64] : memref<10240x128xf32, #tpu.memory_space<vmem_shared>> -> memref<10240x128xf32, #tpu.memory_space<vmem_shared>>
    tpu.wait_indirect_dma semaphore(%arg15 : memref<!tpu.dma_semaphore, #tpu.memory_space<semaphore_mem>>) src(%dma_wait3A_59 : memref<40x128xf32, #tpu.memory_space<vmem>>) dst(%dma_wait3A_65 : memref<10240x128xf32, #tpu.memory_space<vmem_shared>>)
    %barrier3A_66 = arith.constant 0 : index
    tpu.barrier barrier_id(%barrier3A_66)
    %mul3A_67 = arith.constant 640 : i32
    %mul3A_68 = arith.muli %arg1, %mul3A_67 : i32
    "tpu.region"() ({
      %run_scoped3A = tpu.sem_alloc : memref<!tpu.dma_semaphore, #tpu.memory_space<semaphore_mem>>
      %dma_start3A_69 = arith.constant 0 : i32
      %dma_start3A_70 = tpu.memref_slice %arg8[%arg0, %mul3A_68, %dma_start3A_69] : memref<2x10240x128xf32, #tpu.memory_space<hbm>> -> memref<1x640x128xf32, #tpu.memory_space<hbm>>
      %dma_start3A_71 = tpu.memref_squeeze %dma_start3A_70 : memref<1x640x128xf32, #tpu.memory_space<hbm>> -> memref<640x128xf32, #tpu.memory_space<hbm>>
      %dma_start3A_72 = arith.constant 0 : i32
      %dma_start3A_73 = tpu.memref_slice %arg12[%mul3A_68, %dma_start3A_72] : memref<10240x128xf32, #tpu.memory_space<vmem_shared>> -> memref<640x128xf32, #tpu.memory_space<vmem_shared>>
      tpu.enqueue_dma source(%dma_start3A_73 : memref<640x128xf32, #tpu.memory_space<vmem_shared>>) target(%dma_start3A_71 : memref<640x128xf32, #tpu.memory_space<hbm>>) target_semaphore(%run_scoped3A : memref<!tpu.dma_semaphore, #tpu.memory_space<semaphore_mem>>)
      %dma_wait3A_74 = arith.constant 0 : i32
      %dma_wait3A_75 = tpu.memref_slice %arg8[%arg0, %mul3A_68, %dma_wait3A_74] : memref<2x10240x128xf32, #tpu.memory_space<hbm>> -> memref<1x640x128xf32, #tpu.memory_space<hbm>>
      %dma_wait3A_76 = tpu.memref_squeeze %dma_wait3A_75 : memref<1x640x128xf32, #tpu.memory_space<hbm>> -> memref<640x128xf32, #tpu.memory_space<hbm>>
      %dma_wait3A_77 = arith.constant 0 : i32
      %dma_wait3A_78 = tpu.memref_slice %arg12[%mul3A_68, %dma_wait3A_77] : memref<10240x128xf32, #tpu.memory_space<vmem_shared>> -> memref<640x128xf32, #tpu.memory_space<vmem_shared>>
      tpu.wait_dma2 semaphore(%run_scoped3A : memref<!tpu.dma_semaphore, #tpu.memory_space<semaphore_mem>>) src(%dma_wait3A_78 : memref<640x128xf32, #tpu.memory_space<vmem_shared>>) dst(%dma_wait3A_76 : memref<640x128xf32, #tpu.memory_space<hbm>>)
      tpu.yield
    }) : () -> ()
    return
  }
}

module attributes {stable_mosaic.version = 14 : i64} {
  func.func @_proj_first_body(%arg0: i32, %arg1: memref<1024x128xf32, #tpu.memory_space<vmem>>, %arg2: memref<128x128xf32, #tpu.memory_space<vmem>>, %arg3: memref<128x128xf32, #tpu.memory_space<vmem>>, %arg4: memref<1x128xf32, #tpu.memory_space<vmem>>, %arg5: memref<1024x128xf32, #tpu.memory_space<vmem>>, %arg6: memref<1024x128xf32, #tpu.memory_space<vmem>>) attributes {dimension_semantics = [#tpu.dimension_semantics<arbitrary>], iteration_bounds = array<i64: 10>, scalar_prefetch = 0 : i64, scratch_operands = 0 : i64, tpu.core_type = #tpu.core_type<tc>, window_params = [{transform_indices = @transform_0, window_bounds = array<i64: 1024, 128>}, {pipeline_mode = #tpu.pipeline_mode<synchronous>, transform_indices = @transform_1, window_bounds = array<i64: 128, 128>}, {pipeline_mode = #tpu.pipeline_mode<synchronous>, transform_indices = @transform_2, window_bounds = array<i64: 128, 128>}, {pipeline_mode = #tpu.pipeline_mode<synchronous>, transform_indices = @transform_3, window_bounds = array<i64: 1, 128>}, {transform_indices = @transform_4, window_bounds = array<i64: 1024, 128>}, {transform_indices = @transform_5, window_bounds = array<i64: 1024, 128>}]} {
    %get3A = arith.constant 0 : index
    %get3A_0 = arith.constant 0 : index
    %get3A_1 = vector.load %arg1[%get3A, %get3A_0] : memref<1024x128xf32, #tpu.memory_space<vmem>>, vector<1024x128xf32>
    %get3A_2 = arith.constant 0 : index
    %get3A_3 = arith.constant 0 : index
    %get3A_4 = vector.load %arg2[%get3A_2, %get3A_3] : memref<128x128xf32, #tpu.memory_space<vmem>>, vector<128x128xf32>
    %dot_general3A = arith.constant dense<0.000000e+00> : vector<1024x128xf32>
    %dot_general3A_5 = tpu.matmul %get3A_1, %get3A_4, %dot_general3A {dimension_numbers = #tpu.dot_dimension_numbers<[1], [0], [0], [1], [0, 0, 1, 1], [], []>, transpose_lhs_hint = false} : vector<1024x128xf32>, vector<128x128xf32>, vector<1024x128xf32> -> vector<1024x128xf32>
    %swap3A = arith.constant 0 : index
    %swap3A_6 = arith.constant 0 : index
    %swap3A_7 = vector.load %arg5[%swap3A, %swap3A_6] : memref<1024x128xf32, #tpu.memory_space<vmem>>, vector<1024x128xf32>
    tpu.vector_store %arg5[%swap3A, %swap3A_6], %dot_general3A_5 {strides = array<i32>} : memref<1024x128xf32, #tpu.memory_space<vmem>>, vector<1024x128xf32>,
    %get3A_8 = arith.constant 0 : index
    %get3A_9 = arith.constant 0 : index
    %get3A_10 = vector.load %arg3[%get3A_8, %get3A_9] : memref<128x128xf32, #tpu.memory_space<vmem>>, vector<128x128xf32>
    %dot_general3A_11 = arith.constant dense<0.000000e+00> : vector<1024x128xf32>
    %dot_general3A_12 = tpu.matmul %get3A_1, %get3A_10, %dot_general3A_11 {dimension_numbers = #tpu.dot_dimension_numbers<[1], [0], [0], [1], [0, 0, 1, 1], [], []>, transpose_lhs_hint = false} : vector<1024x128xf32>, vector<128x128xf32>, vector<1024x128xf32> -> vector<1024x128xf32>
    %get3A_13 = arith.constant 0 : index
    %get3A_14 = arith.constant 0 : index
    %get3A_15 = vector.load %arg4[%get3A_13, %get3A_14] : memref<1x128xf32, #tpu.memory_space<vmem>>, vector<1x128xf32>
    %add3A = vector.broadcast %get3A_15 : vector<1x128xf32> to vector<1024x128xf32>
    %add3A_16 = arith.addf %dot_general3A_12, %add3A : vector<1024x128xf32>
    %swap3A_17 = arith.constant 0 : index
    %swap3A_18 = arith.constant 0 : index
    %swap3A_19 = vector.load %arg6[%swap3A_17, %swap3A_18] : memref<1024x128xf32, #tpu.memory_space<vmem>>, vector<1024x128xf32>
    tpu.vector_store %arg6[%swap3A_17, %swap3A_18], %add3A_16 {strides = array<i32>} : memref<1024x128xf32, #tpu.memory_space<vmem>>, vector<1024x128xf32>,
    return
  }
  func.func @transform_0(%arg0: i32) -> (i32, i32) {
    %c0_i32 = arith.constant 0 : i32
    %c0_i32_0 = arith.constant 0 : i32
    return %arg0, %c0_i32 : i32, i32
  }
  func.func @transform_1(%arg0: i32) -> (i32, i32) {
    %c0_i32 = arith.constant 0 : i32
    %c0_i32_0 = arith.constant 0 : i32
    %c0_i32_1 = arith.constant 0 : i32
    return %c0_i32, %c0_i32_0 : i32, i32
  }
  func.func @transform_2(%arg0: i32) -> (i32, i32) {
    %c0_i32 = arith.constant 0 : i32
    %c0_i32_0 = arith.constant 0 : i32
    %c0_i32_1 = arith.constant 0 : i32
    return %c0_i32, %c0_i32_0 : i32, i32
  }
  func.func @transform_3(%arg0: i32) -> (i32, i32) {
    %c0_i32 = arith.constant 0 : i32
    %c0_i32_0 = arith.constant 0 : i32
    %c0_i32_1 = arith.constant 0 : i32
    return %c0_i32, %c0_i32_0 : i32, i32
  }
  func.func @transform_4(%arg0: i32) -> (i32, i32) {
    %c0_i32 = arith.constant 0 : i32
    %c0_i32_0 = arith.constant 0 : i32
    return %arg0, %c0_i32 : i32, i32
  }
  func.func @transform_5(%arg0: i32) -> (i32, i32) {
    %c0_i32 = arith.constant 0 : i32
    %c0_i32_0 = arith.constant 0 : i32
    return %arg0, %c0_i32 : i32, i32
  }
}

module attributes {stable_mosaic.version = 14 : i64} {
  func.func @_proj_mid_body(%arg0: i32, %arg1: memref<2x1024x128xf32, #tpu.memory_space<vmem>>, %arg2: memref<2x10240xf32, #tpu.memory_space<vmem>>, %arg3: memref<1024x128xf32, #tpu.memory_space<vmem>>, %arg4: memref<128x128xf32, #tpu.memory_space<vmem>>, %arg5: memref<128x128xf32, #tpu.memory_space<vmem>>, %arg6: memref<1x128xf32, #tpu.memory_space<vmem>>, %arg7: memref<1024x128xf32, #tpu.memory_space<vmem>>, %arg8: memref<1024x128xf32, #tpu.memory_space<vmem>>) attributes {dimension_semantics = [#tpu.dimension_semantics<arbitrary>], iteration_bounds = array<i64: 10>, scalar_prefetch = 0 : i64, scratch_operands = 0 : i64, tpu.core_type = #tpu.core_type<tc>, window_params = [{transform_indices = @transform_0, window_bounds = array<i64: 2, 1024, 128>}, {pipeline_mode = #tpu.pipeline_mode<synchronous>, transform_indices = @transform_1, window_bounds = array<i64: 2, 10240>}, {transform_indices = @transform_2, window_bounds = array<i64: 1024, 128>}, {pipeline_mode = #tpu.pipeline_mode<synchronous>, transform_indices = @transform_3, window_bounds = array<i64: 128, 128>}, {pipeline_mode = #tpu.pipeline_mode<synchronous>, transform_indices = @transform_4, window_bounds = array<i64: 128, 128>}, {pipeline_mode = #tpu.pipeline_mode<synchronous>, transform_indices = @transform_5, window_bounds = array<i64: 1, 128>}, {transform_indices = @transform_6, window_bounds = array<i64: 1024, 128>}, {transform_indices = @transform_7, window_bounds = array<i64: 1024, 128>}]} {
    %mul3A = arith.constant 1024 : i32
    %mul3A_0 = arith.muli %arg0, %mul3A : i32
    %get3A = arith.constant 0 : index
    %get3A_1 = arith.index_cast %mul3A_0 : i32 to index
    %get3A_2 = vector.load %arg2[%get3A, %get3A_1] : memref<2x10240xf32, #tpu.memory_space<vmem>>, vector<1x1024xf32>
    %get3A_3 = vector.shape_cast %get3A_2 : vector<1x1024xf32> to vector<1024xf32>
    %mul3A_4 = arith.constant 1024 : i32
    %mul3A_5 = arith.muli %arg0, %mul3A_4 : i32
    %get3A_6 = arith.constant 1 : index
    %get3A_7 = arith.index_cast %mul3A_5 : i32 to index
    %get3A_8 = vector.load %arg2[%get3A_6, %get3A_7] : memref<2x10240xf32, #tpu.memory_space<vmem>>, vector<1x1024xf32>
    %get3A_9 = vector.shape_cast %get3A_8 : vector<1x1024xf32> to vector<1024xf32>
    %add3A = arith.addf %get3A_3, %get3A_9 : vector<1024xf32>
    %max3A = arith.constant 1.000000e+00 : f32
    %max3A_10 = vector.broadcast %max3A : f32 to vector<1024xf32>
    %max3A_11 = arith.maximumf %add3A, %max3A_10 : vector<1024xf32>
    %div3A = arith.constant 1.000000e+00 : f32
    %div3A_12 = vector.broadcast %div3A : f32 to vector<1024xf32>
    %div3A_13 = arith.divf %div3A_12, %max3A_11 : vector<1024xf32>
    %get3A_14 = arith.constant 0 : index
    %get3A_15 = arith.constant 0 : index
    %get3A_16 = arith.constant 0 : index
    %get3A_17 = vector.load %arg1[%get3A_14, %get3A_15, %get3A_16] : memref<2x1024x128xf32, #tpu.memory_space<vmem>>, vector<1x1024x128xf32>
    %get3A_18 = vector.shape_cast %get3A_17 : vector<1x1024x128xf32> to vector<1024x128xf32>
    %get3A_19 = arith.constant 1 : index
    %get3A_20 = arith.constant 0 : index
    %get3A_21 = arith.constant 0 : index
    %get3A_22 = vector.load %arg1[%get3A_19, %get3A_20, %get3A_21] : memref<2x1024x128xf32, #tpu.memory_space<vmem>>, vector<1x1024x128xf32>
    %get3A_23 = vector.shape_cast %get3A_22 : vector<1x1024x128xf32> to vector<1024x128xf32>
    %add3A_24 = arith.addf %get3A_18, %get3A_23 : vector<1024x128xf32>
    %broadcast_in_dim3A = vector.shape_cast %div3A_13 : vector<1024xf32> to vector<1024x1xf32>
    %mul3A_25 = vector.broadcast %broadcast_in_dim3A : vector<1024x1xf32> to vector<1024x128xf32>
    %mul3A_26 = arith.mulf %add3A_24, %mul3A_25 : vector<1024x128xf32>
    %get3A_27 = arith.constant 0 : index
    %get3A_28 = arith.constant 0 : index
    %get3A_29 = vector.load %arg3[%get3A_27, %get3A_28] : memref<1024x128xf32, #tpu.memory_space<vmem>>, vector<1024x128xf32>
    %add3A_30 = arith.addf %mul3A_26, %get3A_29 : vector<1024x128xf32>
    %max3A_31 = arith.constant 0.000000e+00 : f32
    %max3A_32 = vector.broadcast %max3A_31 : f32 to vector<1024x128xf32>
    %max3A_33 = arith.maximumf %add3A_30, %max3A_32 : vector<1024x128xf32>
    %get3A_34 = arith.constant 0 : index
    %get3A_35 = arith.constant 0 : index
    %get3A_36 = vector.load %arg4[%get3A_34, %get3A_35] : memref<128x128xf32, #tpu.memory_space<vmem>>, vector<128x128xf32>
    %dot_general3A = arith.constant dense<0.000000e+00> : vector<1024x128xf32>
    %dot_general3A_37 = tpu.matmul %max3A_33, %get3A_36, %dot_general3A {dimension_numbers = #tpu.dot_dimension_numbers<[1], [0], [0], [1], [0, 0, 1, 1], [], []>, transpose_lhs_hint = false} : vector<1024x128xf32>, vector<128x128xf32>, vector<1024x128xf32> -> vector<1024x128xf32>
    %swap3A = arith.constant 0 : index
    %swap3A_38 = arith.constant 0 : index
    %swap3A_39 = vector.load %arg7[%swap3A, %swap3A_38] : memref<1024x128xf32, #tpu.memory_space<vmem>>, vector<1024x128xf32>
    tpu.vector_store %arg7[%swap3A, %swap3A_38], %dot_general3A_37 {strides = array<i32>} : memref<1024x128xf32, #tpu.memory_space<vmem>>, vector<1024x128xf32>,
    %get3A_40 = arith.constant 0 : index
    %get3A_41 = arith.constant 0 : index
    %get3A_42 = vector.load %arg5[%get3A_40, %get3A_41] : memref<128x128xf32, #tpu.memory_space<vmem>>, vector<128x128xf32>
    %dot_general3A_43 = arith.constant dense<0.000000e+00> : vector<1024x128xf32>
    %dot_general3A_44 = tpu.matmul %max3A_33, %get3A_42, %dot_general3A_43 {dimension_numbers = #tpu.dot_dimension_numbers<[1], [0], [0], [1], [0, 0, 1, 1], [], []>, transpose_lhs_hint = false} : vector<1024x128xf32>, vector<128x128xf32>, vector<1024x128xf32> -> vector<1024x128xf32>
    %get3A_45 = arith.constant 0 : index
    %get3A_46 = arith.constant 0 : index
    %get3A_47 = vector.load %arg6[%get3A_45, %get3A_46] : memref<1x128xf32, #tpu.memory_space<vmem>>, vector<1x128xf32>
    %add3A_48 = vector.broadcast %get3A_47 : vector<1x128xf32> to vector<1024x128xf32>
    %add3A_49 = arith.addf %dot_general3A_44, %add3A_48 : vector<1024x128xf32>
    %swap3A_50 = arith.constant 0 : index
    %swap3A_51 = arith.constant 0 : index
    %swap3A_52 = vector.load %arg8[%swap3A_50, %swap3A_51] : memref<1024x128xf32, #tpu.memory_space<vmem>>, vector<1024x128xf32>
    tpu.vector_store %arg8[%swap3A_50, %swap3A_51], %add3A_49 {strides = array<i32>} : memref<1024x128xf32, #tpu.memory_space<vmem>>, vector<1024x128xf32>,
    return
  }
  func.func @transform_0(%arg0: i32) -> (i32, i32, i32) {
    %c0_i32 = arith.constant 0 : i32
    %c0_i32_0 = arith.constant 0 : i32
    %c0_i32_1 = arith.constant 0 : i32
    return %c0_i32, %arg0, %c0_i32_0 : i32, i32, i32
  }
  func.func @transform_1(%arg0: i32) -> (i32, i32) {
    %c0_i32 = arith.constant 0 : i32
    %c0_i32_0 = arith.constant 0 : i32
    %c0_i32_1 = arith.constant 0 : i32
    return %c0_i32, %c0_i32_0 : i32, i32
  }
  func.func @transform_2(%arg0: i32) -> (i32, i32) {
    %c0_i32 = arith.constant 0 : i32
    %c0_i32_0 = arith.constant 0 : i32
    return %arg0, %c0_i32 : i32, i32
  }
  func.func @transform_3(%arg0: i32) -> (i32, i32) {
    %c0_i32 = arith.constant 0 : i32
    %c0_i32_0 = arith.constant 0 : i32
    %c0_i32_1 = arith.constant 0 : i32
    return %c0_i32, %c0_i32_0 : i32, i32
  }
  func.func @transform_4(%arg0: i32) -> (i32, i32) {
    %c0_i32 = arith.constant 0 : i32
    %c0_i32_0 = arith.constant 0 : i32
    %c0_i32_1 = arith.constant 0 : i32
    return %c0_i32, %c0_i32_0 : i32, i32
  }
  func.func @transform_5(%arg0: i32) -> (i32, i32) {
    %c0_i32 = arith.constant 0 : i32
    %c0_i32_0 = arith.constant 0 : i32
    %c0_i32_1 = arith.constant 0 : i32
    return %c0_i32, %c0_i32_0 : i32, i32
  }
  func.func @transform_6(%arg0: i32) -> (i32, i32) {
    %c0_i32 = arith.constant 0 : i32
    %c0_i32_0 = arith.constant 0 : i32
    return %arg0, %c0_i32 : i32, i32
  }
  func.func @transform_7(%arg0: i32) -> (i32, i32) {
    %c0_i32 = arith.constant 0 : i32
    %c0_i32_0 = arith.constant 0 : i32
    return %arg0, %c0_i32 : i32, i32
  }
}

module attributes {stable_mosaic.version = 14 : i64} {
  func.func @_proj_mid_body(%arg0: i32, %arg1: memref<2x1024x128xf32, #tpu.memory_space<vmem>>, %arg2: memref<2x10240xf32, #tpu.memory_space<vmem>>, %arg3: memref<1024x128xf32, #tpu.memory_space<vmem>>, %arg4: memref<128x32xf32, #tpu.memory_space<vmem>>, %arg5: memref<128x32xf32, #tpu.memory_space<vmem>>, %arg6: memref<1x32xf32, #tpu.memory_space<vmem>>, %arg7: memref<1024x32xf32, #tpu.memory_space<vmem>>, %arg8: memref<1024x32xf32, #tpu.memory_space<vmem>>) attributes {dimension_semantics = [#tpu.dimension_semantics<arbitrary>], iteration_bounds = array<i64: 10>, scalar_prefetch = 0 : i64, scratch_operands = 0 : i64, tpu.core_type = #tpu.core_type<tc>, window_params = [{transform_indices = @transform_0, window_bounds = array<i64: 2, 1024, 128>}, {pipeline_mode = #tpu.pipeline_mode<synchronous>, transform_indices = @transform_1, window_bounds = array<i64: 2, 10240>}, {transform_indices = @transform_2, window_bounds = array<i64: 1024, 128>}, {pipeline_mode = #tpu.pipeline_mode<synchronous>, transform_indices = @transform_3, window_bounds = array<i64: 128, 32>}, {pipeline_mode = #tpu.pipeline_mode<synchronous>, transform_indices = @transform_4, window_bounds = array<i64: 128, 32>}, {pipeline_mode = #tpu.pipeline_mode<synchronous>, transform_indices = @transform_5, window_bounds = array<i64: 1, 32>}, {transform_indices = @transform_6, window_bounds = array<i64: 1024, 32>}, {transform_indices = @transform_7, window_bounds = array<i64: 1024, 32>}]} {
    %mul3A = arith.constant 1024 : i32
    %mul3A_0 = arith.muli %arg0, %mul3A : i32
    %get3A = arith.constant 0 : index
    %get3A_1 = arith.index_cast %mul3A_0 : i32 to index
    %get3A_2 = vector.load %arg2[%get3A, %get3A_1] : memref<2x10240xf32, #tpu.memory_space<vmem>>, vector<1x1024xf32>
    %get3A_3 = vector.shape_cast %get3A_2 : vector<1x1024xf32> to vector<1024xf32>
    %mul3A_4 = arith.constant 1024 : i32
    %mul3A_5 = arith.muli %arg0, %mul3A_4 : i32
    %get3A_6 = arith.constant 1 : index
    %get3A_7 = arith.index_cast %mul3A_5 : i32 to index
    %get3A_8 = vector.load %arg2[%get3A_6, %get3A_7] : memref<2x10240xf32, #tpu.memory_space<vmem>>, vector<1x1024xf32>
    %get3A_9 = vector.shape_cast %get3A_8 : vector<1x1024xf32> to vector<1024xf32>
    %add3A = arith.addf %get3A_3, %get3A_9 : vector<1024xf32>
    %max3A = arith.constant 1.000000e+00 : f32
    %max3A_10 = vector.broadcast %max3A : f32 to vector<1024xf32>
    %max3A_11 = arith.maximumf %add3A, %max3A_10 : vector<1024xf32>
    %div3A = arith.constant 1.000000e+00 : f32
    %div3A_12 = vector.broadcast %div3A : f32 to vector<1024xf32>
    %div3A_13 = arith.divf %div3A_12, %max3A_11 : vector<1024xf32>
    %get3A_14 = arith.constant 0 : index
    %get3A_15 = arith.constant 0 : index
    %get3A_16 = arith.constant 0 : index
    %get3A_17 = vector.load %arg1[%get3A_14, %get3A_15, %get3A_16] : memref<2x1024x128xf32, #tpu.memory_space<vmem>>, vector<1x1024x128xf32>
    %get3A_18 = vector.shape_cast %get3A_17 : vector<1x1024x128xf32> to vector<1024x128xf32>
    %get3A_19 = arith.constant 1 : index
    %get3A_20 = arith.constant 0 : index
    %get3A_21 = arith.constant 0 : index
    %get3A_22 = vector.load %arg1[%get3A_19, %get3A_20, %get3A_21] : memref<2x1024x128xf32, #tpu.memory_space<vmem>>, vector<1x1024x128xf32>
    %get3A_23 = vector.shape_cast %get3A_22 : vector<1x1024x128xf32> to vector<1024x128xf32>
    %add3A_24 = arith.addf %get3A_18, %get3A_23 : vector<1024x128xf32>
    %broadcast_in_dim3A = vector.shape_cast %div3A_13 : vector<1024xf32> to vector<1024x1xf32>
    %mul3A_25 = vector.broadcast %broadcast_in_dim3A : vector<1024x1xf32> to vector<1024x128xf32>
    %mul3A_26 = arith.mulf %add3A_24, %mul3A_25 : vector<1024x128xf32>
    %get3A_27 = arith.constant 0 : index
    %get3A_28 = arith.constant 0 : index
    %get3A_29 = vector.load %arg3[%get3A_27, %get3A_28] : memref<1024x128xf32, #tpu.memory_space<vmem>>, vector<1024x128xf32>
    %add3A_30 = arith.addf %mul3A_26, %get3A_29 : vector<1024x128xf32>
    %max3A_31 = arith.constant 0.000000e+00 : f32
    %max3A_32 = vector.broadcast %max3A_31 : f32 to vector<1024x128xf32>
    %max3A_33 = arith.maximumf %add3A_30, %max3A_32 : vector<1024x128xf32>
    %get3A_34 = arith.constant 0 : index
    %get3A_35 = arith.constant 0 : index
    %get3A_36 = vector.load %arg4[%get3A_34, %get3A_35] : memref<128x32xf32, #tpu.memory_space<vmem>>, vector<128x32xf32>
    %dot_general3A = arith.constant dense<0.000000e+00> : vector<1024x32xf32>
    %dot_general3A_37 = tpu.matmul %max3A_33, %get3A_36, %dot_general3A {dimension_numbers = #tpu.dot_dimension_numbers<[1], [0], [0], [1], [0, 0, 1, 1], [], []>, transpose_lhs_hint = false} : vector<1024x128xf32>, vector<128x32xf32>, vector<1024x32xf32> -> vector<1024x32xf32>
    %swap3A = arith.constant 0 : index
    %swap3A_38 = arith.constant 0 : index
    %swap3A_39 = vector.load %arg7[%swap3A, %swap3A_38] : memref<1024x32xf32, #tpu.memory_space<vmem>>, vector<1024x32xf32>
    tpu.vector_store %arg7[%swap3A, %swap3A_38], %dot_general3A_37 {strides = array<i32>} : memref<1024x32xf32, #tpu.memory_space<vmem>>, vector<1024x32xf32>,
    %get3A_40 = arith.constant 0 : index
    %get3A_41 = arith.constant 0 : index
    %get3A_42 = vector.load %arg5[%get3A_40, %get3A_41] : memref<128x32xf32, #tpu.memory_space<vmem>>, vector<128x32xf32>
    %dot_general3A_43 = arith.constant dense<0.000000e+00> : vector<1024x32xf32>
    %dot_general3A_44 = tpu.matmul %max3A_33, %get3A_42, %dot_general3A_43 {dimension_numbers = #tpu.dot_dimension_numbers<[1], [0], [0], [1], [0, 0, 1, 1], [], []>, transpose_lhs_hint = false} : vector<1024x128xf32>, vector<128x32xf32>, vector<1024x32xf32> -> vector<1024x32xf32>
    %get3A_45 = arith.constant 0 : index
    %get3A_46 = arith.constant 0 : index
    %get3A_47 = vector.load %arg6[%get3A_45, %get3A_46] : memref<1x32xf32, #tpu.memory_space<vmem>>, vector<1x32xf32>
    %add3A_48 = vector.broadcast %get3A_47 : vector<1x32xf32> to vector<1024x32xf32>
    %add3A_49 = arith.addf %dot_general3A_44, %add3A_48 : vector<1024x32xf32>
    %swap3A_50 = arith.constant 0 : index
    %swap3A_51 = arith.constant 0 : index
    %swap3A_52 = vector.load %arg8[%swap3A_50, %swap3A_51] : memref<1024x32xf32, #tpu.memory_space<vmem>>, vector<1024x32xf32>
    tpu.vector_store %arg8[%swap3A_50, %swap3A_51], %add3A_49 {strides = array<i32>} : memref<1024x32xf32, #tpu.memory_space<vmem>>, vector<1024x32xf32>,
    return
  }
  func.func @transform_0(%arg0: i32) -> (i32, i32, i32) {
    %c0_i32 = arith.constant 0 : i32
    %c0_i32_0 = arith.constant 0 : i32
    %c0_i32_1 = arith.constant 0 : i32
    return %c0_i32, %arg0, %c0_i32_0 : i32, i32, i32
  }
  func.func @transform_1(%arg0: i32) -> (i32, i32) {
    %c0_i32 = arith.constant 0 : i32
    %c0_i32_0 = arith.constant 0 : i32
    %c0_i32_1 = arith.constant 0 : i32
    return %c0_i32, %c0_i32_0 : i32, i32
  }
  func.func @transform_2(%arg0: i32) -> (i32, i32) {
    %c0_i32 = arith.constant 0 : i32
    %c0_i32_0 = arith.constant 0 : i32
    return %arg0, %c0_i32 : i32, i32
  }
  func.func @transform_3(%arg0: i32) -> (i32, i32) {
    %c0_i32 = arith.constant 0 : i32
    %c0_i32_0 = arith.constant 0 : i32
    %c0_i32_1 = arith.constant 0 : i32
    return %c0_i32, %c0_i32_0 : i32, i32
  }
  func.func @transform_4(%arg0: i32) -> (i32, i32) {
    %c0_i32 = arith.constant 0 : i32
    %c0_i32_0 = arith.constant 0 : i32
    %c0_i32_1 = arith.constant 0 : i32
    return %c0_i32, %c0_i32_0 : i32, i32
  }
  func.func @transform_5(%arg0: i32) -> (i32, i32) {
    %c0_i32 = arith.constant 0 : i32
    %c0_i32_0 = arith.constant 0 : i32
    %c0_i32_1 = arith.constant 0 : i32
    return %c0_i32, %c0_i32_0 : i32, i32
  }
  func.func @transform_6(%arg0: i32) -> (i32, i32) {
    %c0_i32 = arith.constant 0 : i32
    %c0_i32_0 = arith.constant 0 : i32
    return %arg0, %c0_i32 : i32, i32
  }
  func.func @transform_7(%arg0: i32) -> (i32, i32) {
    %c0_i32 = arith.constant 0 : i32
    %c0_i32_0 = arith.constant 0 : i32
    return %arg0, %c0_i32 : i32, i32
  }
}

module attributes {stable_mosaic.version = 14 : i64} {
  func.func @_final_body(%arg0: i32, %arg1: memref<2x1024x32xf32, #tpu.memory_space<vmem>>, %arg2: memref<2x10240xf32, #tpu.memory_space<vmem>>, %arg3: memref<1024x32xf32, #tpu.memory_space<vmem>>, %arg4: memref<1024x32xf32, #tpu.memory_space<vmem>>) attributes {dimension_semantics = [#tpu.dimension_semantics<arbitrary>], iteration_bounds = array<i64: 10>, scalar_prefetch = 0 : i64, scratch_operands = 0 : i64, tpu.core_type = #tpu.core_type<tc>, window_params = [{transform_indices = @transform_0, window_bounds = array<i64: 2, 1024, 32>}, {pipeline_mode = #tpu.pipeline_mode<synchronous>, transform_indices = @transform_1, window_bounds = array<i64: 2, 10240>}, {transform_indices = @transform_2, window_bounds = array<i64: 1024, 32>}, {transform_indices = @transform_3, window_bounds = array<i64: 1024, 32>}]} {
    %mul3A = arith.constant 1024 : i32
    %mul3A_0 = arith.muli %arg0, %mul3A : i32
    %get3A = arith.constant 0 : index
    %get3A_1 = arith.index_cast %mul3A_0 : i32 to index
    %get3A_2 = vector.load %arg2[%get3A, %get3A_1] : memref<2x10240xf32, #tpu.memory_space<vmem>>, vector<1x1024xf32>
    %get3A_3 = vector.shape_cast %get3A_2 : vector<1x1024xf32> to vector<1024xf32>
    %mul3A_4 = arith.constant 1024 : i32
    %mul3A_5 = arith.muli %arg0, %mul3A_4 : i32
    %get3A_6 = arith.constant 1 : index
    %get3A_7 = arith.index_cast %mul3A_5 : i32 to index
    %get3A_8 = vector.load %arg2[%get3A_6, %get3A_7] : memref<2x10240xf32, #tpu.memory_space<vmem>>, vector<1x1024xf32>
    %get3A_9 = vector.shape_cast %get3A_8 : vector<1x1024xf32> to vector<1024xf32>
    %add3A = arith.addf %get3A_3, %get3A_9 : vector<1024xf32>
    %max3A = arith.constant 1.000000e+00 : f32
    %max3A_10 = vector.broadcast %max3A : f32 to vector<1024xf32>
    %max3A_11 = arith.maximumf %add3A, %max3A_10 : vector<1024xf32>
    %div3A = arith.constant 1.000000e+00 : f32
    %div3A_12 = vector.broadcast %div3A : f32 to vector<1024xf32>
    %div3A_13 = arith.divf %div3A_12, %max3A_11 : vector<1024xf32>
    %get3A_14 = arith.constant 0 : index
    %get3A_15 = arith.constant 0 : index
    %get3A_16 = arith.constant 0 : index
    %get3A_17 = vector.load %arg1[%get3A_14, %get3A_15, %get3A_16] : memref<2x1024x32xf32, #tpu.memory_space<vmem>>, vector<1x1024x32xf32>
    %get3A_18 = vector.shape_cast %get3A_17 : vector<1x1024x32xf32> to vector<1024x32xf32>
    %get3A_19 = arith.constant 1 : index
    %get3A_20 = arith.constant 0 : index
    %get3A_21 = arith.constant 0 : index
    %get3A_22 = vector.load %arg1[%get3A_19, %get3A_20, %get3A_21] : memref<2x1024x32xf32, #tpu.memory_space<vmem>>, vector<1x1024x32xf32>
    %get3A_23 = vector.shape_cast %get3A_22 : vector<1x1024x32xf32> to vector<1024x32xf32>
    %add3A_24 = arith.addf %get3A_18, %get3A_23 : vector<1024x32xf32>
    %broadcast_in_dim3A = vector.shape_cast %div3A_13 : vector<1024xf32> to vector<1024x1xf32>
    %mul3A_25 = vector.broadcast %broadcast_in_dim3A : vector<1024x1xf32> to vector<1024x32xf32>
    %mul3A_26 = arith.mulf %add3A_24, %mul3A_25 : vector<1024x32xf32>
    %get3A_27 = arith.constant 0 : index
    %get3A_28 = arith.constant 0 : index
    %get3A_29 = vector.load %arg3[%get3A_27, %get3A_28] : memref<1024x32xf32, #tpu.memory_space<vmem>>, vector<1024x32xf32>
    %add3A_30 = arith.addf %mul3A_26, %get3A_29 : vector<1024x32xf32>
    %max3A_31 = arith.constant 0.000000e+00 : f32
    %max3A_32 = vector.broadcast %max3A_31 : f32 to vector<1024x32xf32>
    %max3A_33 = arith.maximumf %add3A_30, %max3A_32 : vector<1024x32xf32>
    %swap3A = arith.constant 0 : index
    %swap3A_34 = arith.constant 0 : index
    %swap3A_35 = vector.load %arg4[%swap3A, %swap3A_34] : memref<1024x32xf32, #tpu.memory_space<vmem>>, vector<1024x32xf32>
    tpu.vector_store %arg4[%swap3A, %swap3A_34], %max3A_33 {strides = array<i32>} : memref<1024x32xf32, #tpu.memory_space<vmem>>, vector<1024x32xf32>,
    return
  }
  func.func @transform_0(%arg0: i32) -> (i32, i32, i32) {
    %c0_i32 = arith.constant 0 : i32
    %c0_i32_0 = arith.constant 0 : i32
    %c0_i32_1 = arith.constant 0 : i32
    return %c0_i32, %arg0, %c0_i32_0 : i32, i32, i32
  }
  func.func @transform_1(%arg0: i32) -> (i32, i32) {
    %c0_i32 = arith.constant 0 : i32
    %c0_i32_0 = arith.constant 0 : i32
    %c0_i32_1 = arith.constant 0 : i32
    return %c0_i32, %c0_i32_0 : i32, i32
  }
  func.func @transform_2(%arg0: i32) -> (i32, i32) {
    %c0_i32 = arith.constant 0 : i32
    %c0_i32_0 = arith.constant 0 : i32
    return %arg0, %c0_i32 : i32, i32
  }
  func.func @transform_3(%arg0: i32) -> (i32, i32) {
    %c0_i32 = arith.constant 0 : i32
    %c0_i32_0 = arith.constant 0 : i32
    return %arg0, %c0_i32 : i32, i32
  }
}

</mosaic_0001>

<sc_bundles>
// kernel: kernel.12.cloned.1.call-start
scs
__scs_entry_jumppad:
0x0: {  	(pc) =	sbr.rel $0x88, $3  }
0x1: {  	(tag) =	ssettag $0x0;
	lr =	simm.s32 $0x1  }
0x2: {  	[smem:$0x3F96] =	sst lr;
	_ =	strace $0xD0000000  }
0x3: {  	_ = 	snop  }
0x4: {  	_ = 	snop  }
0x5: {  	_ = 	snop  }
0x6: {  	_ = 	snop  }
0x7: {  	_ = 	snop  }
__scs_overlays_trampoline_lowered:
0x8: {  	[smem:$0x3FA5] =	sst s0  }
0x9: {  	[smem:$0x3FA6] =	sst s1  }
0xa: {  	[smem:$0x3FA7] =	sst s2  }
0xb: {  	[smem:$0x3FA8] =	sst s3  }
0xc: {  	[smem:$0x3FA9] =	sst s4  }
0xd: {  	[smem:$0x3FAA] =	sst s5  }
0xe: {  	[smem:$0x3FAB] =	sst s6  }
0xf: {  	[smem:$0x3FAC] =	sst s7  }
0x10: {  	[smem:$0x3FAD] =	sst s8  }
0x11: {  	[smem:$0x3FAE] =	sst s9;
	s0 =	simm.s32 @!p0 $0x0  }
0x12: {  	s1 =	sld [smem:$0x3F94];
	s0 =	simm.s32 @p0 $0x1  }
0x13: {  	[smem:$0x3FAF] =	sst s0;
	s0 =	simm.s32 @!p1 $0x0  }
0x14: {  	s2 =	sld [smem:$0x3F93];
	s0 =	simm.s32 @p1 $0x1  }
0x15: {  	[smem:$0x3FB0] =	sst s0;
	s0 =	simm.s32 @!p2 $0x0  }
0x16: {  	s3 =	sld [smem:$0x3FDB];
	s0 =	simm.s32 @p2 $0x1  }
0x17: {  	s4 =	simm.s32 $0x1BF5;
	[smem:$0x3FB2] =	sst s0  }
0x18: {  	s0 =	sld [smem:$0x3F95];
	_ =	swait.ge [sflag:s4], $0x0  }
0x19: {  	s7 =	sld [smem:$0x3F96]  }
0x1a: {  	s8 =	sadd.s32 $0xFFFFE003, lr  }
0x1b: {  	s9 =	sadd.s32 $0xFFFFFEF7, lr;
	s5 =	simm.s32 $0xFFFFFFFF;
	p2 =	slt.u32 s8, $0xFFFFF086  }
0x1c: {  	p1 =	slt.u32 s9, $0xF7A;
	s5 =	simm.s32 @!p2 $0x0  }
0x1d: {  	s5 =	simm.s32 @p1 $0x1;
	p0 =	seq.s32 s7, s2  }
0x1e: {  	s7 =	smul.u32 @!p0 $0xF7A, s2;
	p2 =	seq.s32 @!p0 s5, $0x0  }
0x1f: {  	s9 =	smul.u32 $0xF7A, s1;
	s8 =	simm.s32 @!p0 $0x1BF5;
	p2 =	por !p2, p0  }
0x20: {  	[sflag:s8] =	ssyncset.s32 @!p0 $0xFFFFF086;
	s6 =	sadd.s32 @!p0 s3, s7;
	s7 =	simm.s32 @!p0 $0x108  }
0x21: {  	s3 =	sadd.s32 s3, s9;
	s6 =	sadd.s32 @!p0 $0x88, s6;
	s7 =	simm.s32 @p2 $0x1082  }
0x22: {  	[simem:s7], [sflag:s8] =	dma.local @!p0 [hbm:s6], $0xF7A  }
0x23: {  	s9 =	sor.u32 $0xD0000000, s2;
	s6 =	simm.s32 $0x108;
	_ =	swait.ge @!p0 [sflag:s8], $0x0  }
0x24: {  	s3 =	sadd.s32 $0x88, s3;
	s6 =	simm.s32 @!p1 $0x1082;
	[sflag:s4] =	ssyncset.s32 $0xFFFFF086  }
0x25: {  	[simem:s6], [sflag:s4] =	dma.local [hbm:s3], $0xF7A  }
0x26: {  	[smem:$0x3F96] =	sst s1;
	(tag) =	ssettag s2;
	_ =	strace s9  }
0x27: {  	s1 =	sld [smem:$0x3FA6]  }
0x28: {  	s2 =	sld [smem:$0x3FA7]  }
0x29: {  	s4 =	sld [smem:$0x3FA9]  }
0x2a: {  	p0 =	seq.s32 s5, $0x0;
	s5 =	sld [smem:$0x3FAA]  }
0x2b: {  	s6 =	sld [smem:$0x3FAB]  }
0x2c: {  	s7 =	sld [smem:$0x3FAC]  }
0x2d: {  	s3 =	simm.s32 $0x108;
	s8 =	sld [smem:$0x3FAD]  }
0x2e: {  	s3 =	simm.s32 @!p0 $0x1082;
	s9 =	sld [smem:$0x3FAE]  }
0x2f: {  	lr =	sadd.s32 s0, s3;
	s0 =	sld [smem:$0x3FA5]  }
0x30: {  	s3 =	sld [smem:$0x3FA8]  }
0x31: {  	[smem:$0x3FB1] =	sst s10  }
0x32: {  	s10 =	sld [smem:$0x3FAF];
	_ =	sdelay $0x3  }
0x33: {  	p0 =	seq.s32 s10, $0x1;
	s10 =	sld [smem:$0x3FB1];
	_ =	sdelay $0x3  }
0x34: {  	[smem:$0x3FB1] =	sst s10  }
0x35: {  	s10 =	sld [smem:$0x3FB0];
	_ =	sdelay $0x3  }
0x36: {  	p1 =	seq.s32 s10, $0x1;
	s10 =	sld [smem:$0x3FB1];
	_ =	sdelay $0x3  }
0x37: {  	[smem:$0x3FB1] =	sst s10  }
0x38: {  	s10 =	sld [smem:$0x3FB2]  }
0x39: {  	_ = 	snop;
	(pc) =	sbr.ind lr, $3  }
0x3a: {  	_ = 	snop  }
0x3b: {  	_ = 	snop  }
0x3c: {  	p2 =	seq.s32 s10, $0x1;
	s10 =	sld [smem:$0x3FB1]  }
0x3d: {  	_ =	shalt  }
0x3e: {  	_ =	shalt  }
0x3f: {  	_ =	shalt  }
0x40: {  	_ =	shalt  }
0x41: {  	_ =	shalt  }
0x42: {  	_ =	shalt  }
0x43: {  	_ =	shalt  }
0x44: {  	_ =	shalt  }
0x45: {  	_ =	shalt  }
0x46: {  	_ =	shalt  }
0x47: {  	_ =	shalt  }
0x48: {  	_ =	shalt  }
0x49: {  	_ =	shalt  }
0x4a: {  	_ =	shalt  }
0x4b: {  	_ =	shalt  }
0x4c: {  	_ =	shalt  }
0x4d: {  	_ =	shalt  }
0x4e: {  	_ =	shalt  }
0x4f: {  	_ =	shalt  }
0x50: {  	_ =	shalt  }
0x51: {  	_ =	shalt  }
0x52: {  	_ =	shalt  }
0x53: {  	_ =	shalt  }
0x54: {  	_ =	shalt  }
0x55: {  	_ =	shalt  }
0x56: {  	_ =	shalt  }
0x57: {  	_ =	shalt  }
0x58: {  	_ =	shalt  }
0x59: {  	_ =	shalt  }
0x5a: {  	_ =	shalt  }
0x5b: {  	_ =	shalt  }
0x5c: {  	_ =	shalt  }
0x5d: {  	_ =	shalt  }
0x5e: {  	_ =	shalt  }
0x5f: {  	_ =	shalt  }
0x60: {  	_ =	shalt  }
0x61: {  	_ =	shalt  }
0x62: {  	_ =	shalt  }
0x63: {  	_ =	shalt  }
0x64: {  	_ =	shalt  }
0x65: {  	_ =	shalt  }
0x66: {  	_ =	shalt  }
0x67: {  	_ =	shalt  }
0x68: {  	_ =	shalt  }
0x69: {  	_ =	shalt  }
0x6a: {  	_ =	shalt  }
0x6b: {  	_ =	shalt  }
0x6c: {  	_ =	shalt  }
0x6d: {  	_ =	shalt  }
0x6e: {  	_ =	shalt  }
0x6f: {  	_ =	shalt  }
0x70: {  	_ =	shalt  }
0x71: {  	_ =	shalt  }
0x72: {  	_ =	shalt  }
0x73: {  	_ =	shalt  }
0x74: {  	_ =	shalt  }
0x75: {  	_ =	shalt  }
0x76: {  	_ =	shalt  }
0x77: {  	_ =	shalt  }
0x78: {  	_ =	shalt  }
0x79: {  	_ =	shalt  }
0x7a: {  	_ =	shalt  }
0x7b: {  	_ =	shalt  }
0x7c: {  	_ =	shalt  }
0x7d: {  	_ =	shalt  }
0x7e: {  	_ =	shalt  }
0x7f: {  	_ =	shalt  }
0x80: {  	_ =	shalt  }
0x81: {  	_ =	shalt  }
0x82: {  	_ =	shalt  }
0x83: {  	_ =	shalt  }
0x84: {  	_ =	shalt  }
0x85: {  	_ =	shalt  }
0x86: {  	_ =	shalt  }
0x87: {  	_ =	shalt  }
.Lfunc_end0:
.L_simem_size_0:
called_computation.1_lowered:
.L_overlay_start_0:
0x88: {  	s2 =	sld [smem:$0x3FD9]  }
0x89: {  	s3 =	sld [smem:$0x3FFE];
	_ =	sdelay $0x1  }
0x8a: {  	s1 =	srdreg.scid  }
0x8b: {  	s0 =	sand.u32 $0x1, s1  }
0x8c: {  	s16 =	sshll.u32 s0, $0xA;
	s2 =	sadd.s32 s3, s2  }
0x8d: {  	s2 =	sadd.s32 s2, s16  }
0x8e: {  	[smem:$0x3FBD] =	sst s2  }
0x8f: {  	_ = 	snop  }
0x90: {  	(tm) =	ssettm $0x1  }
0x91: {  	s17 =	sld [smem:$0x3FFB];
	_ =	sdelay $0x3  }
0x92: {  	_ =	strace s17  }
0x93: {  	s2 =	sld [smem:$0x3FFC];
	_ =	sdelay $0x3  }
0x94: {  	_ =	strace s2  }
0x95: {  	s2 =	sld [smem:$0x3FFD];
	_ =	sdelay $0x3  }
0x96: {  	_ =	strace s2  }
0x97: {  	_ =	strace $0x8FFFFFFF  }
0x98: {  	s18 =	sld [smem:$0x3FDB];
	_ =	sdelay $0x1  }
0x99: {  	s19 =	simm.s32 $_scs_section_size  }
0x9a: {  	s4 =	simm.s32 $_size__tile_overlayer_lowered;
	s5 =	simm.s32 $_tile_overlayer_lowered  }
0x9b: {  	s22 =	simm.s32 $0x1BFF;
	s21 =	sshll.u32 s5, $0x1;
	s2 =	sadd.s32 s19, s18  }
0x9c: {  	s6 =	simm.s32 $0x0;
	s20 =	sshll.u32 s4, $0x1;
	s4 =	sadd.s32 s21, s2  }
0x9d: {  	[timem:s6], [sflag:s22] =	dma.local [hbm:s4], s20  }
0x9e: {  	_ =	swait.ge [sflag:s22], s20  }
0x9f: {  	s3 =	ssub.s32 $0x0, s20;
	[sflag:s22] =	ssyncset.done $0x0  }
0xa0: {  	[sflag:s22] =	ssyncadd.s32 s3;
	_ =	sdelay $0x1  }
0xa1: {  	s23 =	simm.s32 $0x1B8B  }
0xa2: {  	_ =	swait.ge [sflag:s23], $0x1  }
0xa3: {  	[sflag:s23] =	ssyncset.done $0x0  }
0xa4: {  	s25 =	simm.s32 $0x1B8E;
	s24 =	sld [smem:$0x3FFE];
	[sflag:s23] =	ssyncadd.s32 $0xFFFFFFFF  }
0xa5: {  	s26 =	simm.s32 $execute0_lowered;
	[smem:$0x3FD2] =	sst s25  }
0xa6: {  	s4 =	sshll.u32 s26, $0x1;
	_ =	strace $0x80000049;
	[dreg:$0x1] =	wrdreg $0xFFFFFFFF  }
0xa7: {  	s28 =	simm.s32 $_size_execute0_lowered;
	s2 =	sadd.s32 s2, s4;
	[dreg:$0x0] =	wrdreg $0x0  }
0xa8: {  	s4 =	sshll.u32 s28, $0x1;
	[dreg:$0x2] =	wrdreg s2  }
0xa9: {  	[dreg:$0x3] =	wrdreg s4  }
0xaa: {  	[dreg:$0x4] =	wrdreg $0xC0  }
0xab: {  	_ =	task [dreg:s6], $0x5FFFF  }
0xac: {  	[dreg:$0x1] =	wrdreg $0xFFFFFFFF  }
0xad: {  	[dreg:$0x0] =	wrdreg $0x60  }
0xae: {  	[dreg:$0x2] =	wrdreg s24  }
0xaf: {  	[dreg:$0x3] =	wrdreg $0xBC000  }
0xb0: {  	[dreg:$0x4] =	wrdreg $0x9  }
0xb1: {  	_ =	task.clear_ibuf [dreg:s6], $0x5FFFF;
	_ =	strace $0x90000049  }
0xb2: {  	s29 =	simm.s32 $0x9;
	_ =	strace $0x8000004B  }
0xb3: {  	_ =	swait.ge [sflag:s29], $0x1  }
0xb4: {  	[sflag:s29] =	ssyncadd.s32 $0xFFFFFFFF  }
0xb5: {  	_ =	strace $0x9000004B  }
0xb6: {  	_ =	sfence  }
0xb7: {  	s30 =	sld [smem:$0x0];
	_ =	sdelay $0x2  }
0xb8: {  	s31 =	sshll.u32 s1, $0xD;
	s1 =	sshrl.u32 s1, $0x2  }
0xb9: {  	s3 =	sand.u32 $0x4000, s31;
	s1 =	sadd.s32 s1, s30  }
0xba: {  	s0 =	sor.u32 s3, s0;
	s1 =	sshll.u32 s1, $0x11  }
0xbb: {  	s0 =	sor.u32 s1, s0  }
0xbc: {  	s0 =	sadd.s32 $0x8F2B, s0  }
0xbd: {  	[sflag:s0] =	ssyncadd.remote.s32 $0x1  }
0xbe: {  	_ =	sfence.sel $0xFFFF  }
0xbf: {  	[dreg:$0x0] =	wrdreg $0xFFFFFFFF;
	(pc) =	sbr.abs _section_cstart, $3  }
0xc0: {  	[dreg:$0x1] =	wrdreg $0xFFFFFFFF  }
0xc1: {  	_ =	task.clear_ibuf [dreg:s6], $0x2FFFF;
	_ =	strace $0x9FFFFFFF  }
0xc2: {  	(tm) =	ssettm $0x7FFFFFFF  }
0xc3: {  	_ =	shalt  }
tec
execute0_lowered:
.L_overlay_start_1:
0x0: {  	(tag) =	ssettag $0x1  }
0x1: {  	s6 =	rddreg [dreg:$0x0]  }
0x2: {  	s1 =	rddreg [dreg:$0x1]  }
0x3: {  	s3 =	simm.s32 $0x0;
	s2 =	srdreg.scid;
	s0 =	stileid.u32  }
0x4: {  	s14 =	simm.s32 $0x28;
	s15 =	simm.s32 $0x8000;
	s16 =	simm.s32 $0x80  }
0x5: {  	s17 =	simm.s32 $0x9400;
	s18 =	simm.s32 $0x1;
	s19 =	simm.s32 $0x100  }
0x6: {  	s20 =	simm.s32 $0xA800;
	s21 =	simm.s32 $0x2;
	s22 =	simm.s32 $0x180  }
0x7: {  	s23 =	simm.s32 $0x4080;
	s28 =	simm.s32 $0x280;
	s29 =	simm.s32 $0x4180  }
0x8: {  	s30 =	simm.s32 $0x0;
	[smem:$0x7FF] =	sst s3;
	s10 =	smul.u32 $0x14000, s0  }
0x9: {  	s5 =	sand.u32 $0x1, s2;
	s9 =	sshll.u32 s0, $0xB;
	s11 =	smul.u32 $0x50000, s0  }
0xa: {  	s4 =	sadd.s32 $0x27E00, s6;
	s31 =	sshll.u32 s0, $0x6;
	s7 =	smul.u32 $0x140000, s5  }
0xb: {  	s8 =	sshll.u32 s5, $0xF;
	_ =	strace $0x8000004A;
	s24 =	ssub.s32 $0x2, s5  }
0xc: {  	s5 =	sadd.s32 $0x50200, s6;
	s8 =	sor.u32 s9, s8;
	s25 =	sshrl.u32 s24, $0x1  }
0xd: {  	s26 =	sshrl.u32 s11, $0x2;
	s11 =	simm.s32 $0x4000;
	s8 =	sadd.s32 s8, s6  }
0xe: {  	s7 =	sadd.s32 s10, s7;
	s9 =	ssub.s32 s24, s25;
	s13 =	sadd.s32 s26, s1  }
0xf: {  	s10 =	simm.s32 $0x4;
	s24 =	simm.s32 $0x3;
	s25 =	simm.s32 $0x200  }
0x10: {  	s26 =	simm.s32 $0x4100;
	s7 =	sshrl.u32 s7, $0x3;
	s9 =	smax.u32 s9, $0x1  }
0x11: {  	s13 =	sshrl.u32 s13, $0x3;
	s12 =	sadd.s32 s7, s6;
	s6 =	sadd.s32 $0x7E00, s8  }
0x12: {  	s7 =	sadd.s32 $0x17E00, s8;
	s8 =	sadd.s32 $0x52A00, s12;
	s12 =	sor.u32 $0x1C04, s31  }
.LBB2_1:
0x13: {  	[tilespmem:s3], [sflag:$0x4] =	stream.linear.gather [hbm4b:s6+s3], $0x3F00, $0x38;
	[tilespmem:$0x1FC00] =	vst v63  }
0x14: {  	_ =	swait.ge [sflag:s10], $0x3F00  }
0x15: {  	[sflag:s10] =	ssyncset.done $0x0  }
0x16: {  	[sflag:s10] =	ssyncadd.s32 $0xFFFFC100  }
0x17: {  	[tilespmem:s11], [sflag:$0x4] =	stream.linear.gather [hbm4b:s7+s3], $0x3F00, $0x38;
	[tilespmem:$0x1FC00] =	vst v63  }
0x18: {  	_ =	swait.ge [sflag:s10], $0x3F00  }
0x19: {  	[sflag:s10] =	ssyncset.done $0x0  }
0x1a: {  	[sflag:s10] =	ssyncadd.s32 $0xFFFFC100  }
0x1b: {  	[spmem:s13], [sflag:s12] =	dma.local [hbm:s5], $0x2800  }
0x1c: {  	_ =	swait.ge [sflag:s10], $0x2800  }
0x1d: {  	[sflag:s10] =	ssyncset.done $0x0  }
0x1e: {  	[sflag:s10] =	ssyncadd.s32 $0xFFFFD800  }
0x1f: {  	[bflag:$0x0] =	sbarrier.arrive $0xFFFF  }
0x20: {  	[tilespmem:s15], [sflag:$0x1] =	stream.indirect.gather [hbm4b:s4+s14], $0x80, s3, s14, $0xb8;
	[tilespmem:$0x1FC00] =	vst v63  }
0x21: {  	_ = 	snop  }
0x22: {  	[tilespmem:s17], [sflag:$0x2] =	stream.indirect.gather [hbm4b:s4+s14], $0x80, s16, s14, $0xb8;
	[tilespmem:$0x1FC00] =	vst v63  }
0x23: {  	_ =	swait.ge [sflag:s18], $0x1400  }
0x24: {  	[sflag:s18] =	ssyncset.done $0x0  }
0x25: {  	[sflag:s18] =	ssyncadd.s32 $0xFFFFEC00  }
0x26: {  	[tilespmem:s20], [sflag:$0x3] =	stream.indirect.gather [hbm4b:s4+s14], $0x80, s19, s14, $0xb8;
	[tilespmem:$0x1FC00] =	vst v63  }
0x27: {  	_ = 	snop  }
0x28: {  	[spmem:s1] =	stream.indirect.scatter.add.f32 [tilespmem:s15], [sflag:$0x1], $0x80, s11, s14, $0xb8;
	[tilespmem:$0x1FC00] =	vst v63  }
0x29: {  	_ =	swait.ge [sflag:s21], $0x1400  }
0x2a: {  	[sflag:s21] =	ssyncset.done $0x0  }
0x2b: {  	[sflag:s21] =	ssyncadd.s32 $0xFFFFEC00  }
0x2c: {  	_ =	swait.ge [sflag:s18], $0x1400  }
0x2d: {  	[sflag:s18] =	ssyncset.done $0x0  }
0x2e: {  	[sflag:s18] =	ssyncadd.s32 $0xFFFFEC00  }
0x2f: {  	[tilespmem:s15], [sflag:$0x1] =	stream.indirect.gather [hbm4b:s4+s14], $0x80, s22, s14, $0xb8;
	[tilespmem:$0x1FC00] =	vst v63  }
0x30: {  	_ = 	snop  }
0x31: {  	[spmem:s1] =	stream.indirect.scatter.add.f32 [tilespmem:s17], [sflag:$0x2], $0x80, s23, s14, $0xb8;
	[tilespmem:$0x1FC00] =	vst v63  }
0x32: {  	_ =	swait.ge [sflag:s24], $0x1400  }
0x33: {  	[sflag:s24] =	ssyncset.done $0x0  }
0x34: {  	[sflag:s24] =	ssyncadd.s32 $0xFFFFEC00  }
0x35: {  	_ =	swait.ge [sflag:s21], $0x1400  }
0x36: {  	[sflag:s21] =	ssyncset.done $0x0  }
0x37: {  	[sflag:s21] =	ssyncadd.s32 $0xFFFFEC00  }
0x38: {  	[tilespmem:s17], [sflag:$0x2] =	stream.indirect.gather [hbm4b:s4+s14], $0x80, s25, s14, $0xb8;
	[tilespmem:$0x1FC00] =	vst v63  }
0x39: {  	_ = 	snop  }
0x3a: {  	[spmem:s1] =	stream.indirect.scatter.add.f32 [tilespmem:s20], [sflag:$0x3], $0x80, s26, s14, $0xb8;
	[tilespmem:$0x1FC00] =	vst v63  }
0x3b: {  	_ =	swait.ge [sflag:s18], $0x1400  }
0x3c: {  	[sflag:s18] =	ssyncset.done $0x0  }
0x3d: {  	[sflag:s18] =	ssyncadd.s32 $0xFFFFEC00  }
0x3e: {  	_ =	swait.ge [sflag:s24], $0x1400  }
0x3f: {  	[sflag:s24] =	ssyncset.done $0x0  }
0x40: {  	[sflag:s24] =	ssyncadd.s32 $0xFFFFEC00  }
0x41: {  	[tilespmem:s20], [sflag:$0x3] =	stream.indirect.gather [hbm4b:s4+s14], $0x80, s28, s14, $0xb8;
	[tilespmem:$0x1FC00] =	vst v63  }
0x42: {  	_ = 	snop  }
0x43: {  	[spmem:s1] =	stream.indirect.scatter.add.f32 [tilespmem:s15], [sflag:$0x1], $0x80, s29, s14, $0xb8;
	[tilespmem:$0x1FC00] =	vst v63  }
0x44: {  	_ =	swait.ge [sflag:s21], $0x1400  }
0x45: {  	[sflag:s21] =	ssyncset.done $0x0  }
0x46: {  	[sflag:s21] =	ssyncadd.s32 $0xFFFFEC00  }
0x47: {  	_ =	swait.ge [sflag:s18], $0x1400  }
0x48: {  	[sflag:s18] =	ssyncset.done $0x0  }
0x49: {  	s31 =	simm.s32 $0x300;
	[sflag:s18] =	ssyncadd.s32 $0xFFFFEC00  }
0x4a: {  	[tilespmem:s15], [sflag:$0x1] =	stream.indirect.gather [hbm4b:s4+s14], $0x80, s31, s14, $0xb8;
	[tilespmem:$0x1FC00] =	vst v63  }
0x4b: {  	s31 =	simm.s32 $0x4200  }
0x4c: {  	[spmem:s1] =	stream.indirect.scatter.add.f32 [tilespmem:s17], [sflag:$0x2], $0x80, s31, s14, $0xb8;
	[tilespmem:$0x1FC00] =	vst v63  }
0x4d: {  	_ =	swait.ge [sflag:s24], $0x1400  }
0x4e: {  	[sflag:s24] =	ssyncset.done $0x0  }
0x4f: {  	[sflag:s24] =	ssyncadd.s32 $0xFFFFEC00  }
0x50: {  	_ =	swait.ge [sflag:s21], $0x1400  }
0x51: {  	[sflag:s21] =	ssyncset.done $0x0  }
0x52: {  	s31 =	simm.s32 $0x380;
	[sflag:s21] =	ssyncadd.s32 $0xFFFFEC00  }
0x53: {  	[tilespmem:s17], [sflag:$0x2] =	stream.indirect.gather [hbm4b:s4+s14], $0x80, s31, s14, $0xb8;
	[tilespmem:$0x1FC00] =	vst v63  }
0x54: {  	s31 =	simm.s32 $0x4280  }
0x55: {  	[spmem:s1] =	stream.indirect.scatter.add.f32 [tilespmem:s20], [sflag:$0x3], $0x80, s31, s14, $0xb8;
	[tilespmem:$0x1FC00] =	vst v63  }
0x56: {  	_ =	swait.ge [sflag:s18], $0x1400  }
0x57: {  	[sflag:s18] =	ssyncset.done $0x0  }
0x58: {  	[sflag:s18] =	ssyncadd.s32 $0xFFFFEC00  }
0x59: {  	_ =	swait.ge [sflag:s24], $0x1400  }
0x5a: {  	[sflag:s24] =	ssyncset.done $0x0  }
0x5b: {  	s31 =	simm.s32 $0x400;
	[sflag:s24] =	ssyncadd.s32 $0xFFFFEC00  }
0x5c: {  	[tilespmem:s20], [sflag:$0x3] =	stream.indirect.gather [hbm4b:s4+s14], $0x80, s31, s14, $0xb8;
	[tilespmem:$0x1FC00] =	vst v63  }
0x5d: {  	s31 =	simm.s32 $0x4300  }
0x5e: {  	[spmem:s1] =	stream.indirect.scatter.add.f32 [tilespmem:s15], [sflag:$0x1], $0x80, s31, s14, $0xb8;
	[tilespmem:$0x1FC00] =	vst v63  }
0x5f: {  	_ =	swait.ge [sflag:s21], $0x1400  }
0x60: {  	s31 =	simm.s32 $0x600;
	[sflag:s21] =	ssyncset.done $0x0  }
.LBB2_2:
0x61: {  	[sflag:s21] =	ssyncadd.s32 $0xFFFFEC00;
	s0 =	smov.u32 s31;
	s31 =	sadd.s32 $0x600, s31  }
0x62: {  	p0 =	sne.s32 s31, $0xF000  }
0x63: {  	_ =	swait.ge [sflag:s18], $0x1400  }
0x64: {  	s0 =	sshra.s32 s0, $0x2;
	[sflag:s18] =	ssyncset.done $0x0  }
0x65: {  	s2 =	sadd.s32 $0x300, s0;
	[sflag:s18] =	ssyncadd.s32 $0xFFFFEC00  }
0x66: {  	[tilespmem:s15], [sflag:$0x1] =	stream.indirect.gather [hbm4b:s4+s14], $0x80, s2, s14, $0xb8;
	[tilespmem:$0x1FC00] =	vst v63  }
0x67: {  	s2 =	sadd.s32 $0x4200, s0  }
0x68: {  	[spmem:s1] =	stream.indirect.scatter.add.f32 [tilespmem:s17], [sflag:$0x2], $0x80, s2, s14, $0xb8;
	[tilespmem:$0x1FC00] =	vst v63  }
0x69: {  	_ =	swait.ge [sflag:s24], $0x1400  }
0x6a: {  	[sflag:s24] =	ssyncset.done $0x0  }
0x6b: {  	[sflag:s24] =	ssyncadd.s32 $0xFFFFEC00  }
0x6c: {  	_ =	swait.ge [sflag:s21], $0x1400  }
0x6d: {  	[sflag:s21] =	ssyncset.done $0x0  }
0x6e: {  	s2 =	sadd.s32 $0x380, s0;
	[sflag:s21] =	ssyncadd.s32 $0xFFFFEC00  }
0x6f: {  	[tilespmem:s17], [sflag:$0x2] =	stream.indirect.gather [hbm4b:s4+s14], $0x80, s2, s14, $0xb8;
	[tilespmem:$0x1FC00] =	vst v63  }
0x70: {  	s2 =	sadd.s32 $0x4280, s0  }
0x71: {  	[spmem:s1] =	stream.indirect.scatter.add.f32 [tilespmem:s20], [sflag:$0x3], $0x80, s2, s14, $0xb8;
	[tilespmem:$0x1FC00] =	vst v63  }
0x72: {  	_ =	swait.ge [sflag:s18], $0x1400  }
0x73: {  	[sflag:s18] =	ssyncset.done $0x0  }
0x74: {  	[sflag:s18] =	ssyncadd.s32 $0xFFFFEC00  }
0x75: {  	_ =	swait.ge [sflag:s24], $0x1400  }
0x76: {  	[sflag:s24] =	ssyncset.done $0x0  }
0x77: {  	s2 =	sadd.s32 $0x400, s0;
	[sflag:s24] =	ssyncadd.s32 $0xFFFFEC00  }
0x78: {  	[tilespmem:s20], [sflag:$0x3] =	stream.indirect.gather [hbm4b:s4+s14], $0x80, s2, s14, $0xb8;
	[tilespmem:$0x1FC00] =	vst v63  }
.Ltmp0:
0x79: {  	_ = 	snop;
	(pc) =	sbr.rel @p0 .LBB2_2-.Ltmp0, $4  }
0x7a: {  	s0 =	sadd.s32 $0x4300, s0  }
0x7b: {  	[spmem:s1] =	stream.indirect.scatter.add.f32 [tilespmem:s15], [sflag:$0x1], $0x80, s0, s14, $0xb8;
	[tilespmem:$0x1FC00] =	vst v63  }
0x7c: {  	_ =	swait.ge [sflag:s21], $0x1400  }
0x7d: {  	[sflag:s21] =	ssyncset.done $0x0  }
0x7e: {  	s0 =	sshra.s32 s31, $0x2  }
0x7f: {  	[sflag:s21] =	ssyncadd.s32 $0xFFFFEC00;
	s2 =	sadd.s32 $0x4200, s0  }
0x80: {  	[spmem:s1] =	stream.indirect.scatter.add.f32 [tilespmem:s17], [sflag:$0x2], $0x80, s2, s14, $0xb8;
	[tilespmem:$0x1FC00] =	vst v63  }
0x81: {  	_ =	swait.ge [sflag:s24], $0x1400  }
0x82: {  	[sflag:s24] =	ssyncset.done $0x0  }
0x83: {  	s0 =	sadd.s32 $0x4280, s0;
	[sflag:s24] =	ssyncadd.s32 $0xFFFFEC00  }
0x84: {  	[spmem:s1] =	stream.indirect.scatter.add.f32 [tilespmem:s20], [sflag:$0x3], $0x80, s0, s14, $0xb8;
	[tilespmem:$0x1FC00] =	vst v63  }
0x85: {  	_ =	swait.ge [sflag:s18], $0x1400  }
0x86: {  	[sflag:s18] =	ssyncset.done $0x0  }
0x87: {  	[sflag:s18] =	ssyncadd.s32 $0xFFFFEC00  }
0x88: {  	_ =	swait.ge [sflag:s21], $0x1400  }
0x89: {  	[sflag:s21] =	ssyncset.done $0x0  }
0x8a: {  	[sflag:s21] =	ssyncadd.s32 $0xFFFFEC00  }
0x8b: {  	_ =	swait.ge [sflag:s24], $0x1400  }
0x8c: {  	s30 =	sadd.s32 $0x1, s30;
	[sflag:s24] =	ssyncset.done $0x0  }
0x8d: {  	p0 =	sne.s32 s30, s9;
	[sflag:s24] =	ssyncadd.s32 $0xFFFFEC00  }
.Ltmp1:
0x8e: {  	[bflag:$0x0] =	sbarrier.arrive $0xFFFF;
	(pc) =	sbr.rel @p0 .LBB2_1-.Ltmp1, $4  }
0x8f: {  	[hbm:s8], [sflag:s12] =	dma.local [spmem:s13], $0x2800  }
0x90: {  	_ =	swait.ge [sflag:s10], $0x2800  }
0x91: {  	[sflag:s10] =	ssyncset.done $0x0  }
0x92: {  	[sflag:s10] =	ssyncadd.s32 $0xFFFFD800  }
0x93: {  	_ =	sfence.sel $0x180000  }
0x94: {  	[bflag:$0x0] =	sbarrier.arrive $0xFFFF  }
0x95: {  	_ =	strace $0x9000004A  }
0x96: {  	s0 =	stileid.u32;
	[bflag:$0x2] =	sbarrier.arrive $0xFFFF  }
0x97: {  	p0 =	sne.s32 s0, $0x0;
	s0 =	rddreg [dreg:$0x2]  }
0x98: {  	s0 =	sadd.s32 @!p0 $0x100000, s0  }
0x99: {  	[sflag:s0] =	ssyncadd.tile.s32 @!p0 $0x1;
	_ =	shalt  }
.Lfunc_end2:
_tile_overlayer_lowered:
.L_overlay_start_2:
0x9a: {  	(tag) =	ssettag $0x2  }
0x9b: {  	s0 =	rddreg [dreg:$0x0];
	s2 =	stileid.u32  }
0x9c: {  	s1 =	rddreg [dreg:$0x1];
	p0 =	sne.s32 s2, $0x0  }
0x9d: {  	s3 =	rddreg [dreg:$0x2];
	[bflag:$0x3] =	sbarrier.arrive $0xFFFF;
	s2 =	simm.s32 @!p0 $0x1C04  }
0x9e: {  	[timem:s3], [sflag:s2] =	dma.local @!p0 [hbm:s0], s1  }
0x9f: {  	s0 =	simm.s32 @!p0 $0x4  }
0xa0: {  	_ =	swait.ge @!p0 [sflag:s0], s1  }
0xa1: {  	s1 =	ssub.s32 @!p0 $0x0, s1;
	[sflag:s0] =	ssyncset.done @!p0 $0x0  }
0xa2: {  	[sflag:s0] =	ssyncadd.s32 @!p0 s1  }
0xa3: {  	[bflag:$0x3] =	sbarrier.arrive $0xFFFF  }
0xa4: {  	_ =	shalt  }

// kernel: kernel.15.cloned.1.call-start
scs
__scs_entry_jumppad:
0x0: {  	(pc) =	sbr.rel $0x88, $3  }
0x1: {  	(tag) =	ssettag $0x0;
	lr =	simm.s32 $0x1  }
0x2: {  	[smem:$0x3F96] =	sst lr;
	_ =	strace $0xD0000000  }
0x3: {  	_ = 	snop  }
0x4: {  	_ = 	snop  }
0x5: {  	_ = 	snop  }
0x6: {  	_ = 	snop  }
0x7: {  	_ = 	snop  }
__scs_overlays_trampoline_lowered:
0x8: {  	[smem:$0x3FA5] =	sst s0  }
0x9: {  	[smem:$0x3FA6] =	sst s1  }
0xa: {  	[smem:$0x3FA7] =	sst s2  }
0xb: {  	[smem:$0x3FA8] =	sst s3  }
0xc: {  	[smem:$0x3FA9] =	sst s4  }
0xd: {  	[smem:$0x3FAA] =	sst s5  }
0xe: {  	[smem:$0x3FAB] =	sst s6  }
0xf: {  	[smem:$0x3FAC] =	sst s7  }
0x10: {  	[smem:$0x3FAD] =	sst s8  }
0x11: {  	[smem:$0x3FAE] =	sst s9;
	s0 =	simm.s32 @!p0 $0x0  }
0x12: {  	s1 =	sld [smem:$0x3F94];
	s0 =	simm.s32 @p0 $0x1  }
0x13: {  	[smem:$0x3FAF] =	sst s0;
	s0 =	simm.s32 @!p1 $0x0  }
0x14: {  	s2 =	sld [smem:$0x3F93];
	s0 =	simm.s32 @p1 $0x1  }
0x15: {  	[smem:$0x3FB0] =	sst s0;
	s0 =	simm.s32 @!p2 $0x0  }
0x16: {  	s3 =	sld [smem:$0x3FDB];
	s0 =	simm.s32 @p2 $0x1  }
0x17: {  	s4 =	simm.s32 $0x1BF5;
	[smem:$0x3FB2] =	sst s0  }
0x18: {  	s0 =	sld [smem:$0x3F95];
	_ =	swait.ge [sflag:s4], $0x0  }
0x19: {  	s7 =	sld [smem:$0x3F96]  }
0x1a: {  	s8 =	sadd.s32 $0xFFFFE003, lr  }
0x1b: {  	s9 =	sadd.s32 $0xFFFFFEF7, lr;
	s5 =	simm.s32 $0xFFFFFFFF;
	p2 =	slt.u32 s8, $0xFFFFF086  }
0x1c: {  	p1 =	slt.u32 s9, $0xF7A;
	s5 =	simm.s32 @!p2 $0x0  }
0x1d: {  	s5 =	simm.s32 @p1 $0x1;
	p0 =	seq.s32 s7, s2  }
0x1e: {  	s7 =	smul.u32 @!p0 $0xF7A, s2;
	p2 =	seq.s32 @!p0 s5, $0x0  }
0x1f: {  	s9 =	smul.u32 $0xF7A, s1;
	s8 =	simm.s32 @!p0 $0x1BF5;
	p2 =	por !p2, p0  }
0x20: {  	[sflag:s8] =	ssyncset.s32 @!p0 $0xFFFFF086;
	s6 =	sadd.s32 @!p0 s3, s7;
	s7 =	simm.s32 @!p0 $0x108  }
0x21: {  	s3 =	sadd.s32 s3, s9;
	s6 =	sadd.s32 @!p0 $0x88, s6;
	s7 =	simm.s32 @p2 $0x1082  }
0x22: {  	[simem:s7], [sflag:s8] =	dma.local @!p0 [hbm:s6], $0xF7A  }
0x23: {  	s9 =	sor.u32 $0xD0000000, s2;
	s6 =	simm.s32 $0x108;
	_ =	swait.ge @!p0 [sflag:s8], $0x0  }
0x24: {  	s3 =	sadd.s32 $0x88, s3;
	s6 =	simm.s32 @!p1 $0x1082;
	[sflag:s4] =	ssyncset.s32 $0xFFFFF086  }
0x25: {  	[simem:s6], [sflag:s4] =	dma.local [hbm:s3], $0xF7A  }
0x26: {  	[smem:$0x3F96] =	sst s1;
	(tag) =	ssettag s2;
	_ =	strace s9  }
0x27: {  	s1 =	sld [smem:$0x3FA6]  }
0x28: {  	s2 =	sld [smem:$0x3FA7]  }
0x29: {  	s4 =	sld [smem:$0x3FA9]  }
0x2a: {  	p0 =	seq.s32 s5, $0x0;
	s5 =	sld [smem:$0x3FAA]  }
0x2b: {  	s6 =	sld [smem:$0x3FAB]  }
0x2c: {  	s7 =	sld [smem:$0x3FAC]  }
0x2d: {  	s3 =	simm.s32 $0x108;
	s8 =	sld [smem:$0x3FAD]  }
0x2e: {  	s3 =	simm.s32 @!p0 $0x1082;
	s9 =	sld [smem:$0x3FAE]  }
0x2f: {  	lr =	sadd.s32 s0, s3;
	s0 =	sld [smem:$0x3FA5]  }
0x30: {  	s3 =	sld [smem:$0x3FA8]  }
0x31: {  	[smem:$0x3FB1] =	sst s10  }
0x32: {  	s10 =	sld [smem:$0x3FAF];
	_ =	sdelay $0x3  }
0x33: {  	p0 =	seq.s32 s10, $0x1;
	s10 =	sld [smem:$0x3FB1];
	_ =	sdelay $0x3  }
0x34: {  	[smem:$0x3FB1] =	sst s10  }
0x35: {  	s10 =	sld [smem:$0x3FB0];
	_ =	sdelay $0x3  }
0x36: {  	p1 =	seq.s32 s10, $0x1;
	s10 =	sld [smem:$0x3FB1];
	_ =	sdelay $0x3  }
0x37: {  	[smem:$0x3FB1] =	sst s10  }
0x38: {  	s10 =	sld [smem:$0x3FB2]  }
0x39: {  	_ = 	snop;
	(pc) =	sbr.ind lr, $3  }
0x3a: {  	_ = 	snop  }
0x3b: {  	_ = 	snop  }
0x3c: {  	p2 =	seq.s32 s10, $0x1;
	s10 =	sld [smem:$0x3FB1]  }
0x3d: {  	_ =	shalt  }
0x3e: {  	_ =	shalt  }
0x3f: {  	_ =	shalt  }
0x40: {  	_ =	shalt  }
0x41: {  	_ =	shalt  }
0x42: {  	_ =	shalt  }
0x43: {  	_ =	shalt  }
0x44: {  	_ =	shalt  }
0x45: {  	_ =	shalt  }
0x46: {  	_ =	shalt  }
0x47: {  	_ =	shalt  }
0x48: {  	_ =	shalt  }
0x49: {  	_ =	shalt  }
0x4a: {  	_ =	shalt  }
0x4b: {  	_ =	shalt  }
0x4c: {  	_ =	shalt  }
0x4d: {  	_ =	shalt  }
0x4e: {  	_ =	shalt  }
0x4f: {  	_ =	shalt  }
0x50: {  	_ =	shalt  }
0x51: {  	_ =	shalt  }
0x52: {  	_ =	shalt  }
0x53: {  	_ =	shalt  }
0x54: {  	_ =	shalt  }
0x55: {  	_ =	shalt  }
0x56: {  	_ =	shalt  }
0x57: {  	_ =	shalt  }
0x58: {  	_ =	shalt  }
0x59: {  	_ =	shalt  }
0x5a: {  	_ =	shalt  }
0x5b: {  	_ =	shalt  }
0x5c: {  	_ =	shalt  }
0x5d: {  	_ =	shalt  }
0x5e: {  	_ =	shalt  }
0x5f: {  	_ =	shalt  }
0x60: {  	_ =	shalt  }
0x61: {  	_ =	shalt  }
0x62: {  	_ =	shalt  }
0x63: {  	_ =	shalt  }
0x64: {  	_ =	shalt  }
0x65: {  	_ =	shalt  }
0x66: {  	_ =	shalt  }
0x67: {  	_ =	shalt  }
0x68: {  	_ =	shalt  }
0x69: {  	_ =	shalt  }
0x6a: {  	_ =	shalt  }
0x6b: {  	_ =	shalt  }
0x6c: {  	_ =	shalt  }
0x6d: {  	_ =	shalt  }
0x6e: {  	_ =	shalt  }
0x6f: {  	_ =	shalt  }
0x70: {  	_ =	shalt  }
0x71: {  	_ =	shalt  }
0x72: {  	_ =	shalt  }
0x73: {  	_ =	shalt  }
0x74: {  	_ =	shalt  }
0x75: {  	_ =	shalt  }
0x76: {  	_ =	shalt  }
0x77: {  	_ =	shalt  }
0x78: {  	_ =	shalt  }
0x79: {  	_ =	shalt  }
0x7a: {  	_ =	shalt  }
0x7b: {  	_ =	shalt  }
0x7c: {  	_ =	shalt  }
0x7d: {  	_ =	shalt  }
0x7e: {  	_ =	shalt  }
0x7f: {  	_ =	shalt  }
0x80: {  	_ =	shalt  }
0x81: {  	_ =	shalt  }
0x82: {  	_ =	shalt  }
0x83: {  	_ =	shalt  }
0x84: {  	_ =	shalt  }
0x85: {  	_ =	shalt  }
0x86: {  	_ =	shalt  }
0x87: {  	_ =	shalt  }
.Lfunc_end0:
.L_simem_size_0:
called_computation.2_lowered:
.L_overlay_start_0:
0x88: {  	s2 =	sld [smem:$0x3FD9]  }
0x89: {  	s3 =	sld [smem:$0x3FFE];
	_ =	sdelay $0x1  }
0x8a: {  	s1 =	srdreg.scid  }
0x8b: {  	s0 =	sand.u32 $0x1, s1  }
0x8c: {  	s17 =	sshll.u32 s0, $0xA;
	s2 =	sadd.s32 s3, s2  }
0x8d: {  	s2 =	sadd.s32 s2, s17  }
0x8e: {  	[smem:$0x3FBD] =	sst s2  }
0x8f: {  	_ = 	snop  }
0x90: {  	s2 =	sld [smem:$0x3FD0];
	(tm) =	ssettm $0x1  }
0x91: {  	s18 =	sld [smem:$0x3FFB];
	_ =	sdelay $0x3  }
0x92: {  	_ =	strace s18  }
0x93: {  	s3 =	sld [smem:$0x3FFC];
	_ =	sdelay $0x3  }
0x94: {  	_ =	strace s3  }
0x95: {  	s3 =	sld [smem:$0x3FFD];
	_ =	sdelay $0x3  }
0x96: {  	_ =	strace s3  }
0x97: {  	_ =	strace $0x8FFFFFFF  }
0x98: {  	s19 =	sld [smem:$0x3FDB];
	_ =	sdelay $0x1  }
0x99: {  	s4 =	simm.s32 $_scs_section_size  }
0x9a: {  	s5 =	simm.s32 $_size__tile_overlayer_lowered;
	s6 =	simm.s32 $_tile_overlayer_lowered  }
0x9b: {  	s22 =	simm.s32 $0x1BFF;
	s21 =	sshll.u32 s6, $0x1;
	s3 =	sadd.s32 s4, s19  }
0x9c: {  	s7 =	simm.s32 $0x0;
	s20 =	sshll.u32 s5, $0x1;
	s5 =	sadd.s32 s21, s3  }
0x9d: {  	[timem:s7], [sflag:s22] =	dma.local [hbm:s5], s20  }
0x9e: {  	_ =	swait.ge [sflag:s22], s20  }
0x9f: {  	s4 =	ssub.s32 $0x0, s20;
	[sflag:s22] =	ssyncset.done $0x0  }
0xa0: {  	[sflag:s22] =	ssyncadd.s32 s4;
	_ =	sdelay $0x1  }
0xa1: {  	s23 =	simm.s32 $0x1B8B  }
0xa2: {  	_ =	swait.ge [sflag:s23], $0x1  }
0xa3: {  	[sflag:s23] =	ssyncset.done $0x0  }
0xa4: {  	s25 =	simm.s32 $0x1B8E;
	s24 =	sld [smem:$0x3FFE];
	[sflag:s23] =	ssyncadd.s32 $0xFFFFFFFF  }
0xa5: {  	s26 =	simm.s32 $execute0_lowered;
	[smem:$0x3FD2] =	sst s25  }
0xa6: {  	s5 =	sshll.u32 s26, $0x1;
	_ =	strace $0x8000004C;
	[dreg:$0x1] =	wrdreg $0xFFFFFFFF  }
0xa7: {  	s28 =	simm.s32 $_size_execute0_lowered;
	s3 =	sadd.s32 s3, s5;
	[dreg:$0x0] =	wrdreg $0x0  }
0xa8: {  	s5 =	sshll.u32 s28, $0x1;
	[dreg:$0x2] =	wrdreg s3  }
0xa9: {  	[dreg:$0x3] =	wrdreg s5  }
0xaa: {  	[dreg:$0x4] =	wrdreg $0xC0  }
0xab: {  	_ =	task [dreg:s7], $0x5FFFF  }
0xac: {  	[dreg:$0x1] =	wrdreg $0xFFFFFFFF  }
0xad: {  	[dreg:$0x0] =	wrdreg $0x60  }
0xae: {  	[dreg:$0x2] =	wrdreg s24  }
0xaf: {  	[dreg:$0x3] =	wrdreg s2  }
0xb0: {  	[dreg:$0x4] =	wrdreg $0x45600  }
0xb1: {  	[dreg:$0x5] =	wrdreg $0x9  }
0xb2: {  	_ =	task.clear_ibuf [dreg:s7], $0x6FFFF;
	_ =	strace $0x9000004C  }
0xb3: {  	s29 =	simm.s32 $0x9;
	_ =	strace $0x8000004E  }
0xb4: {  	_ =	swait.ge [sflag:s29], $0x1  }
0xb5: {  	[sflag:s29] =	ssyncadd.s32 $0xFFFFFFFF  }
0xb6: {  	_ =	strace $0x9000004E  }
0xb7: {  	_ =	sfence  }
0xb8: {  	s30 =	sld [smem:$0x0];
	_ =	sdelay $0x2  }
0xb9: {  	s31 =	sshll.u32 s1, $0xD;
	s1 =	sshrl.u32 s1, $0x2  }
0xba: {  	s3 =	sand.u32 $0x4000, s31;
	s1 =	sadd.s32 s1, s30  }
0xbb: {  	s0 =	sor.u32 s3, s0;
	s1 =	sshll.u32 s1, $0x11  }
0xbc: {  	s0 =	sor.u32 s1, s0  }
0xbd: {  	s0 =	sadd.s32 $0x8F2B, s0  }
0xbe: {  	[sflag:s0] =	ssyncadd.remote.s32 $0x1  }
0xbf: {  	_ =	sfence.sel $0xFFFF  }
0xc0: {  	[dreg:$0x0] =	wrdreg $0xFFFFFFFF;
	(pc) =	sbr.abs _section_cstart, $3  }
0xc1: {  	[dreg:$0x1] =	wrdreg $0xFFFFFFFF  }
0xc2: {  	_ =	task.clear_ibuf [dreg:s7], $0x2FFFF;
	_ =	strace $0x9FFFFFFF  }
0xc3: {  	(tm) =	ssettm $0x7FFFFFFF  }
tec
execute0_lowered:
.L_overlay_start_1:
0x0: {  	(tag) =	ssettag $0x1  }
0x1: {  	s0 =	srdreg.scid;
	s1 =	rddreg [dreg:$0x0]  }
0x2: {  	s12 =	stileid.u32;
	s6 =	rddreg [dreg:$0x1]  }
0x3: {  	s14 =	simm.s32 $0x28;
	s15 =	simm.s32 $0x2760;
	s16 =	simm.s32 $0x2C60  }
0x4: {  	s18 =	simm.s32 $0x3160;
	s20 =	simm.s32 $0x3660;
	s21 =	simm.s32 $0x1  }
0x5: {  	s23 =	simm.s32 $0x3B60;
	s24 =	simm.s32 $0x2;
	s26 =	simm.s32 $0x4060  }
0x6: {  	s29 =	simm.s32 $0x3;
	s19 =	simm.s32 $0x5;
	s28 =	simm.s32 $0x6  }
0x7: {  	s0 =	sand.u32 $0x1, s0;
	s8 =	smul.u32 $0x5000, s12;
	s4 =	sadd.s32 $0x7E00, s1  }
0x8: {  	s30 =	sadd.s32 $0x11E00, s1;
	s31 =	sshll.u32 s12, $0x6;
	s2 =	sshll.u32 s0, $0x4  }
0x9: {  	s5 =	smul.u32 $0x50000, s0;
	s0 =	ssub.s32 $0x2, s0;
	s3 =	sor.u32 s12, s2  }
0xa: {  	s2 =	rddreg [dreg:$0x2];
	s11 =	sshrl.u32 s0, $0x1;
	s12 =	sor.u32 $0x1C07, s31  }
0xb: {  	s7 =	smul.u32 $0x276, s3;
	s3 =	simm.s32 $0x0;
	s10 =	sadd.s32 s8, s5  }
0xc: {  	s0 =	ssub.s32 s0, s11;
	s13 =	sadd.s32 s8, s2;
	s11 =	simm.s32 $0x13B0  }
.Ltmp0:
0xd: {  	[smem:$0x7FF] =	sst s3;
	s10 =	sshrl.u32 s10, $0x3;
	(pc) =	sbr.rel .LBB2_1-.Ltmp0, $4  }
0xe: {  	s13 =	sshrl.u32 s13, $0x3;
	_ =	strace $0x8000004D;
	s9 =	sadd.s32 s7, s1  }
0xf: {  	[dreg:$0x4] =	wrdreg s30;
	s1 =	sadd.s32 s10, s1;
	s6 =	sadd.s32 s6, s7  }
0x10: {  	s10 =	simm.s32 $0x7;
	s7 =	sadd.s32 $0x2E00, s9;
	s8 =	sadd.s32 $0x12800, s1  }
0x11: {  	s9 =	smax.u32 s0, $0x1;
	s1 =	simm.s32 $0x4;
	s0 =	simm.s32 $0x0  }
.LBB2_4:
0x12: {  	[spmem:s2] =	stream.indirect.scatter.add.f32 [tilespmem:s23], [sflag:$0x5], $0x20, s25, s14, $0xb8;
	[tilespmem:$0x9560] =	vst v63  }
0x13: {  	_ =	swait.ge [sflag:s28], $0x500  }
0x14: {  	[sflag:s28] =	ssyncset.done $0x0  }
0x15: {  	s5 =	sadd.s32 $0x1568, s22;
	[sflag:s28] =	ssyncadd.s32 $0xFFFFFB00  }
0x16: {  	[spmem:s2] =	stream.indirect.scatter.add.f32 [tilespmem:s26], [sflag:$0x6], $0x20, s5, s14, $0xb8;
	[tilespmem:$0x9560] =	vst v63  }
0x17: {  	_ =	swait.ge [sflag:s21], $0x500  }
0x18: {  	[sflag:s21] =	ssyncset.done $0x0  }
0x19: {  	[sflag:s21] =	ssyncadd.s32 $0xFFFFFB00  }
0x1a: {  	_ =	swait.ge [sflag:s24], $0x500  }
0x1b: {  	[sflag:s24] =	ssyncset.done $0x0  }
0x1c: {  	[sflag:s24] =	ssyncadd.s32 $0xFFFFFB00  }
0x1d: {  	_ =	swait.ge [sflag:s29], $0x500  }
0x1e: {  	[sflag:s29] =	ssyncset.done $0x0  }
0x1f: {  	[sflag:s29] =	ssyncadd.s32 $0xFFFFFB00  }
0x20: {  	_ =	swait.ge [sflag:s1], $0x500  }
0x21: {  	[sflag:s1] =	ssyncset.done $0x0  }
0x22: {  	[sflag:s1] =	ssyncadd.s32 $0xFFFFFB00  }
0x23: {  	_ =	swait.ge [sflag:s19], $0x500  }
0x24: {  	[sflag:s19] =	ssyncset.done $0x0  }
0x25: {  	[sflag:s19] =	ssyncadd.s32 $0xFFFFFB00  }
0x26: {  	_ =	swait.ge [sflag:s28], $0x500  }
0x27: {  	s0 =	sadd.s32 $0x1, s0;
	[sflag:s28] =	ssyncset.done $0x0  }
0x28: {  	p0 =	sne.s32 s0, s9;
	[sflag:s28] =	ssyncadd.s32 $0xFFFFFB00  }
.Ltmp1:
0x29: {  	[bflag:$0x0] =	sbarrier.arrive $0xFFFF;
	(pc) =	sbr.rel @!p0 .LBB2_5-.Ltmp1, $4  }
0x2a: {  	[hbm:s8], [sflag:s12] =	dma.local [spmem:s13], $0xA00  }
0x2b: {  	_ =	swait.ge [sflag:s10], $0xA00  }
0x2c: {  	[sflag:s10] =	ssyncset.done $0x0  }
0x2d: {  	[sflag:s10] =	ssyncadd.s32 $0xFFFFF600  }
.LBB2_1:
0x2e: {  	[tilespmem:s3], [sflag:$0x7] =	stream.linear.gather [hbm4b:s6+s3], $0x13B0, $0x38;
	[tilespmem:$0x9560] =	vst v63  }
0x2f: {  	_ =	swait.ge [sflag:s10], $0x13B0  }
0x30: {  	[sflag:s10] =	ssyncset.done $0x0  }
0x31: {  	[sflag:s10] =	ssyncadd.s32 $0xFFFFEC50  }
0x32: {  	[tilespmem:s11], [sflag:$0x7] =	stream.linear.gather [hbm4b:s7+s3], $0x13B0, $0x38;
	[tilespmem:$0x9560] =	vst v63  }
0x33: {  	_ =	swait.ge [sflag:s10], $0x13B0  }
0x34: {  	[sflag:s10] =	ssyncset.done $0x0  }
0x35: {  	s5 =	rddreg [dreg:$0x4];
	[sflag:s10] =	ssyncadd.s32 $0xFFFFEC50  }
0x36: {  	[spmem:s13], [sflag:s12] =	dma.local [hbm:s5], $0xA00  }
0x37: {  	_ =	swait.ge [sflag:s10], $0xA00  }
0x38: {  	[sflag:s10] =	ssyncset.done $0x0  }
0x39: {  	[sflag:s10] =	ssyncadd.s32 $0xFFFFF600  }
0x3a: {  	[bflag:$0x0] =	sbarrier.arrive $0xFFFF  }
0x3b: {  	[tilespmem:s15], [sflag:$0x1] =	stream.indirect.gather [hbm4b:s4+s14], $0x20, s3, s14, $0xb8;
	[tilespmem:$0x9560] =	vst v63  }
0x3c: {  	_ = 	snop  }
0x3d: {  	[tilespmem:s16], [sflag:$0x2] =	stream.indirect.gather [hbm4b:s4+s14], $0x20, s14, s14, $0xb8;
	[tilespmem:$0x9560] =	vst v63  }
0x3e: {  	s25 =	simm.s32 $0x50  }
0x3f: {  	[tilespmem:s18], [sflag:$0x3] =	stream.indirect.gather [hbm4b:s4+s14], $0x20, s25, s14, $0xb8;
	[tilespmem:$0x9560] =	vst v63  }
0x40: {  	s30 =	simm.s32 $0x78  }
0x41: {  	[tilespmem:s20], [sflag:$0x4] =	stream.indirect.gather [hbm4b:s4+s14], $0x20, s30, s14, $0xb8;
	[tilespmem:$0x9560] =	vst v63  }
0x42: {  	_ =	swait.ge [sflag:s21], $0x500  }
0x43: {  	[sflag:s21] =	ssyncset.done $0x0  }
0x44: {  	s31 =	simm.s32 $0xA0;
	[sflag:s21] =	ssyncadd.s32 $0xFFFFFB00  }
0x45: {  	[tilespmem:s23], [sflag:$0x5] =	stream.indirect.gather [hbm4b:s4+s14], $0x20, s31, s14, $0xb8;
	[tilespmem:$0x9560] =	vst v63  }
0x46: {  	_ = 	snop  }
0x47: {  	[spmem:s2] =	stream.indirect.scatter.add.f32 [tilespmem:s15], [sflag:$0x1], $0x20, s11, s14, $0xb8;
	[tilespmem:$0x9560] =	vst v63  }
0x48: {  	_ =	swait.ge [sflag:s24], $0x500  }
0x49: {  	[sflag:s24] =	ssyncset.done $0x0  }
0x4a: {  	s17 =	simm.s32 $0xC8;
	[sflag:s24] =	ssyncadd.s32 $0xFFFFFB00  }
0x4b: {  	[tilespmem:s26], [sflag:$0x6] =	stream.indirect.gather [hbm4b:s4+s14], $0x20, s17, s14, $0xb8;
	[tilespmem:$0x9560] =	vst v63  }
0x4c: {  	s22 =	simm.s32 $0x13D8  }
0x4d: {  	[spmem:s2] =	stream.indirect.scatter.add.f32 [tilespmem:s16], [sflag:$0x2], $0x20, s22, s14, $0xb8;
	[tilespmem:$0x9560] =	vst v63  }
0x4e: {  	_ =	swait.ge [sflag:s29], $0x500  }
0x4f: {  	[sflag:s29] =	ssyncset.done $0x0  }
0x50: {  	[sflag:s29] =	ssyncadd.s32 $0xFFFFFB00  }
0x51: {  	_ =	swait.ge [sflag:s21], $0x500  }
0x52: {  	[sflag:s21] =	ssyncset.done $0x0  }
0x53: {  	s25 =	simm.s32 $0xF0;
	[sflag:s21] =	ssyncadd.s32 $0xFFFFFB00  }
0x54: {  	[tilespmem:s15], [sflag:$0x1] =	stream.indirect.gather [hbm4b:s4+s14], $0x20, s25, s14, $0xb8;
	[tilespmem:$0x9560] =	vst v63  }
0x55: {  	s30 =	simm.s32 $0x1400  }
0x56: {  	[spmem:s2] =	stream.indirect.scatter.add.f32 [tilespmem:s18], [sflag:$0x3], $0x20, s30, s14, $0xb8;
	[tilespmem:$0x9560] =	vst v63  }
0x57: {  	_ =	swait.ge [sflag:s1], $0x500  }
0x58: {  	[sflag:s1] =	ssyncset.done $0x0  }
0x59: {  	[sflag:s1] =	ssyncadd.s32 $0xFFFFFB00  }
0x5a: {  	_ =	swait.ge [sflag:s24], $0x500  }
0x5b: {  	[sflag:s24] =	ssyncset.done $0x0  }
0x5c: {  	s31 =	simm.s32 $0x118;
	[sflag:s24] =	ssyncadd.s32 $0xFFFFFB00  }
0x5d: {  	[tilespmem:s16], [sflag:$0x2] =	stream.indirect.gather [hbm4b:s4+s14], $0x20, s31, s14, $0xb8;
	[tilespmem:$0x9560] =	vst v63  }
0x5e: {  	s17 =	simm.s32 $0x1428  }
0x5f: {  	[spmem:s2] =	stream.indirect.scatter.add.f32 [tilespmem:s20], [sflag:$0x4], $0x20, s17, s14, $0xb8;
	[tilespmem:$0x9560] =	vst v63  }
0x60: {  	_ =	swait.ge [sflag:s19], $0x500  }
0x61: {  	[sflag:s19] =	ssyncset.done $0x0  }
0x62: {  	[sflag:s19] =	ssyncadd.s32 $0xFFFFFB00  }
0x63: {  	_ =	swait.ge [sflag:s29], $0x500  }
0x64: {  	[sflag:s29] =	ssyncset.done $0x0  }
0x65: {  	s22 =	simm.s32 $0x140;
	[sflag:s29] =	ssyncadd.s32 $0xFFFFFB00  }
0x66: {  	[tilespmem:s18], [sflag:$0x3] =	stream.indirect.gather [hbm4b:s4+s14], $0x20, s22, s14, $0xb8;
	[tilespmem:$0x9560] =	vst v63  }
0x67: {  	s25 =	simm.s32 $0x1450  }
0x68: {  	[spmem:s2] =	stream.indirect.scatter.add.f32 [tilespmem:s23], [sflag:$0x5], $0x20, s25, s14, $0xb8;
	[tilespmem:$0x9560] =	vst v63  }
0x69: {  	_ =	swait.ge [sflag:s28], $0x500  }
0x6a: {  	[sflag:s28] =	ssyncset.done $0x0  }
0x6b: {  	[sflag:s28] =	ssyncadd.s32 $0xFFFFFB00  }
0x6c: {  	_ =	swait.ge [sflag:s1], $0x500  }
0x6d: {  	[sflag:s1] =	ssyncset.done $0x0  }
0x6e: {  	s30 =	simm.s32 $0x168;
	[sflag:s1] =	ssyncadd.s32 $0xFFFFFB00  }
0x6f: {  	[tilespmem:s20], [sflag:$0x4] =	stream.indirect.gather [hbm4b:s4+s14], $0x20, s30, s14, $0xb8;
	[tilespmem:$0x9560] =	vst v63  }
0x70: {  	s31 =	simm.s32 $0x1478;
	s17 =	simm.s32 $0x0  }
0x71: {  	[spmem:s2] =	stream.indirect.scatter.add.f32 [tilespmem:s26], [sflag:$0x6], $0x20, s31, s14, $0xb8;
	[tilespmem:$0x9560] =	vst v63  }
.LBB2_2:
0x72: {  	_ =	swait.ge [sflag:s21], $0x500  }
0x73: {  	[sflag:s21] =	ssyncset.done $0x0  }
0x74: {  	[sflag:s21] =	ssyncadd.s32 $0xFFFFFB00  }
0x75: {  	_ =	swait.ge [sflag:s19], $0x500  }
0x76: {  	s22 =	sshra.s32 s17, $0x2;
	[sflag:s19] =	ssyncset.done $0x0  }
0x77: {  	s25 =	sadd.s32 $0x190, s22;
	[sflag:s19] =	ssyncadd.s32 $0xFFFFFB00  }
0x78: {  	[tilespmem:s23], [sflag:$0x5] =	stream.indirect.gather [hbm4b:s4+s14], $0x20, s25, s14, $0xb8;
	[tilespmem:$0x9560] =	vst v63  }
0x79: {  	s31 =	sadd.s32 $0x14A0, s22  }
0x7a: {  	[spmem:s2] =	stream.indirect.scatter.add.f32 [tilespmem:s15], [sflag:$0x1], $0x20, s31, s14, $0xb8;
	[tilespmem:$0x9560] =	vst v63  }
0x7b: {  	_ =	swait.ge [sflag:s24], $0x500  }
0x7c: {  	[sflag:s24] =	ssyncset.done $0x0  }
0x7d: {  	[sflag:s24] =	ssyncadd.s32 $0xFFFFFB00  }
0x7e: {  	_ =	swait.ge [sflag:s28], $0x500  }
0x7f: {  	[sflag:s28] =	ssyncset.done $0x0  }
0x80: {  	s5 =	sadd.s32 $0x1B8, s22;
	[sflag:s28] =	ssyncadd.s32 $0xFFFFFB00  }
0x81: {  	[tilespmem:s26], [sflag:$0x6] =	stream.indirect.gather [hbm4b:s4+s14], $0x20, s5, s14, $0xb8;
	[tilespmem:$0x9560] =	vst v63  }
0x82: {  	p0 =	seq.s32 s17, $0x4740;
	s30 =	sadd.s32 $0x14C8, s22  }
0x83: {  	[spmem:s2] =	stream.indirect.scatter.add.f32 [tilespmem:s16], [sflag:$0x2], $0x20, s30, s14, $0xb8;
	[tilespmem:$0x9560] =	vst v63  }
0x84: {  	s25 =	sshra.s32 @p0 s17, $0x2;
	_ =	swait.ge [sflag:s29], $0x500  }
0x85: {  	s25 =	sadd.s32 @p0 $0x14F0, s25;
	[sflag:s29] =	ssyncset.done $0x0  }
0x86: {  	s31 =	simm.s32 @p0 $0x3160;
	s30 =	simm.s32 @p0 $0x28;
	[sflag:s29] =	ssyncadd.s32 $0xFFFFFB00  }
0x87: {  	[spmem:s2] =	stream.indirect.scatter.add.f32 @p0 [tilespmem:s31], [sflag:$0x3], $0x20, s25, s30, $0xb8;
	[tilespmem:$0x9560] =	vst v63  }
0x88: {  	s25 =	simm.s32 @p0 $0x4  }
0x89: {  	_ =	swait.ge @p0 [sflag:s25], $0x500  }
0x8a: {  	[sflag:s25] =	ssyncset.done @p0 $0x0  }
0x8b: {  	[sflag:s25] =	ssyncadd.s32 @p0 $0xFFFFFB00;
	s25 =	simm.s32 @!p0 $0x1  }
0x8c: {  	_ =	swait.ge @!p0 [sflag:s25], $0x500  }
0x8d: {  	[sflag:s25] =	ssyncset.done @!p0 $0x0  }
0x8e: {  	[sflag:s25] =	ssyncadd.s32 @!p0 $0xFFFFFB00;
	s25 =	sshra.s32 @!p0 s17, $0x2  }
0x8f: {  	s5 =	simm.s32 @!p0 $0x2760;
	s31 =	simm.s32 @!p0 $0x28;
	s30 =	sadd.s32 @!p0 $0x1E0, s25  }
0x90: {  	[tilespmem:s5], [sflag:$0x1] =	stream.indirect.gather @!p0 [hbm4b:s4+s31], $0x20, s30, s31, $0xb8;
	[tilespmem:$0x9560] =	vst v63  }
0x91: {  	s5 =	sadd.s32 @!p0 $0x14F0, s25;
	s30 =	simm.s32 @!p0 $0x3160  }
0x92: {  	[spmem:s2] =	stream.indirect.scatter.add.f32 @!p0 [tilespmem:s30], [sflag:$0x3], $0x20, s5, s31, $0xb8;
	[tilespmem:$0x9560] =	vst v63  }
0x93: {  	s5 =	simm.s32 @!p0 $0x4  }
0x94: {  	_ =	swait.ge @!p0 [sflag:s5], $0x500  }
0x95: {  	[sflag:s5] =	ssyncset.done @!p0 $0x0  }
0x96: {  	[sflag:s5] =	ssyncadd.s32 @!p0 $0xFFFFFB00;
	s5 =	simm.s32 @!p0 $0x2  }
0x97: {  	_ =	swait.ge @!p0 [sflag:s5], $0x500  }
0x98: {  	[sflag:s5] =	ssyncset.done @!p0 $0x0  }
0x99: {  	[sflag:s5] =	ssyncadd.s32 @!p0 $0xFFFFFB00;
	s5 =	sadd.s32 @!p0 $0x208, s25;
	s25 =	simm.s32 @!p0 $0x2C60  }
0x9a: {  	[tilespmem:s25], [sflag:$0x2] =	stream.indirect.gather @!p0 [hbm4b:s4+s31], $0x20, s5, s31, $0xb8;
	[tilespmem:$0x9560] =	vst v63  }
.Ltmp2:
0x9b: {  	s31 =	sadd.s32 $0x1518, s22;
	(pc) =	sbr.rel @p0 .LBB2_4-.Ltmp2, $4  }
0x9c: {  	[spmem:s2] =	stream.indirect.scatter.add.f32 [tilespmem:s20], [sflag:$0x4], $0x20, s31, s14, $0xb8;
	[tilespmem:$0x9560] =	vst v63  }
0x9d: {  	_ =	swait.ge [sflag:s19], $0x500  }
0x9e: {  	[sflag:s19] =	ssyncset.done $0x0  }
0x9f: {  	s25 =	sadd.s32 $0x1540, s22;
	[sflag:s19] =	ssyncadd.s32 $0xFFFFFB00  }
0xa0: {  	_ =	swait.ge [sflag:s29], $0x500  }
0xa1: {  	[sflag:s29] =	ssyncset.done $0x0  }
0xa2: {  	s5 =	sadd.s32 $0x230, s22;
	[sflag:s29] =	ssyncadd.s32 $0xFFFFFB00  }
0xa3: {  	[tilespmem:s18], [sflag:$0x3] =	stream.indirect.gather [hbm4b:s4+s14], $0x20, s5, s14, $0xb8;
	[tilespmem:$0x9560] =	vst v63  }
0xa4: {  	_ = 	snop  }
0xa5: {  	[spmem:s2] =	stream.indirect.scatter.add.f32 [tilespmem:s23], [sflag:$0x5], $0x20, s25, s14, $0xb8;
	[tilespmem:$0x9560] =	vst v63  }
0xa6: {  	_ =	swait.ge [sflag:s28], $0x500  }
0xa7: {  	[sflag:s28] =	ssyncset.done $0x0  }
0xa8: {  	[sflag:s28] =	ssyncadd.s32 $0xFFFFFB00  }
0xa9: {  	_ =	swait.ge [sflag:s1], $0x500  }
.Ltmp3:
0xaa: {  	[sflag:s1] =	ssyncset.done $0x0;
	(pc) =	sbr.rel .LBB2_2-.Ltmp3, $4  }
0xab: {  	s30 =	sadd.s32 $0x258, s22;
	[sflag:s1] =	ssyncadd.s32 $0xFFFFFB00  }
0xac: {  	[tilespmem:s20], [sflag:$0x4] =	stream.indirect.gather [hbm4b:s4+s14], $0x20, s30, s14, $0xb8;
	[tilespmem:$0x9560] =	vst v63  }
0xad: {  	s31 =	sadd.s32 $0x1568, s22;
	s17 =	sadd.s32 $0x3C0, s17  }
0xae: {  	[spmem:s2] =	stream.indirect.scatter.add.f32 [tilespmem:s26], [sflag:$0x6], $0x20, s31, s14, $0xb8;
	[tilespmem:$0x9560] =	vst v63  }
.LBB2_5:
0xaf: {  	_ =	sfence.sel $0x180000  }
0xb0: {  	[bflag:$0x0] =	sbarrier.arrive $0xFFFF  }
0xb1: {  	_ =	strace $0x9000004D  }
0xb2: {  	s0 =	stileid.u32;
	[bflag:$0x2] =	sbarrier.arrive $0xFFFF  }
0xb3: {  	p0 =	sne.s32 s0, $0x0;
	s0 =	rddreg [dreg:$0x3]  }
0xb4: {  	s0 =	sadd.s32 @!p0 $0x100000, s0  }
0xb5: {  	[sflag:s0] =	ssyncadd.tile.s32 @!p0 $0x1;
	_ =	shalt  }
.Lfunc_end2:
_tile_overlayer_lowered:
.L_overlay_start_2:
0xb6: {  	(tag) =	ssettag $0x2  }
0xb7: {  	s0 =	rddreg [dreg:$0x0];
	s2 =	stileid.u32  }
0xb8: {  	s1 =	rddreg [dreg:$0x1];
	p0 =	sne.s32 s2, $0x0  }
0xb9: {  	s3 =	rddreg [dreg:$0x2];
	[bflag:$0x3] =	sbarrier.arrive $0xFFFF;
	s2 =	simm.s32 @!p0 $0x1C07  }
0xba: {  	[timem:s3], [sflag:s2] =	dma.local @!p0 [hbm:s0], s1  }
0xbb: {  	s0 =	simm.s32 @!p0 $0x7  }
0xbc: {  	_ =	swait.ge @!p0 [sflag:s0], s1  }
0xbd: {  	s1 =	ssub.s32 @!p0 $0x0, s1;
	[sflag:s0] =	ssyncset.done @!p0 $0x0  }
0xbe: {  	[sflag:s0] =	ssyncadd.s32 @!p0 s1  }
0xbf: {  	[bflag:$0x3] =	sbarrier.arrive $0xFFFF  }
0xc0: {  	_ =	shalt  }

// kernel: kernel.9.cloned.1.call-start
scs
__scs_entry_jumppad:
0x0: {  	(pc) =	sbr.rel $0x88, $3  }
0x1: {  	(tag) =	ssettag $0x0;
	lr =	simm.s32 $0x1  }
0x2: {  	[smem:$0x3F96] =	sst lr;
	_ =	strace $0xD0000000  }
0x3: {  	_ = 	snop  }
0x4: {  	_ = 	snop  }
0x5: {  	_ = 	snop  }
0x6: {  	_ = 	snop  }
0x7: {  	_ = 	snop  }
__scs_overlays_trampoline_lowered:
0x8: {  	[smem:$0x3FA5] =	sst s0  }
0x9: {  	[smem:$0x3FA6] =	sst s1  }
0xa: {  	[smem:$0x3FA7] =	sst s2  }
0xb: {  	[smem:$0x3FA8] =	sst s3  }
0xc: {  	[smem:$0x3FA9] =	sst s4  }
0xd: {  	[smem:$0x3FAA] =	sst s5  }
0xe: {  	[smem:$0x3FAB] =	sst s6  }
0xf: {  	[smem:$0x3FAC] =	sst s7  }
0x10: {  	[smem:$0x3FAD] =	sst s8  }
0x11: {  	[smem:$0x3FAE] =	sst s9;
	s0 =	simm.s32 @!p0 $0x0  }
0x12: {  	s1 =	sld [smem:$0x3F94];
	s0 =	simm.s32 @p0 $0x1  }
0x13: {  	[smem:$0x3FAF] =	sst s0;
	s0 =	simm.s32 @!p1 $0x0  }
0x14: {  	s2 =	sld [smem:$0x3F93];
	s0 =	simm.s32 @p1 $0x1  }
0x15: {  	[smem:$0x3FB0] =	sst s0;
	s0 =	simm.s32 @!p2 $0x0  }
0x16: {  	s3 =	sld [smem:$0x3FDB];
	s0 =	simm.s32 @p2 $0x1  }
0x17: {  	s4 =	simm.s32 $0x1BF5;
	[smem:$0x3FB2] =	sst s0  }
0x18: {  	s0 =	sld [smem:$0x3F95];
	_ =	swait.ge [sflag:s4], $0x0  }
0x19: {  	s7 =	sld [smem:$0x3F96]  }
0x1a: {  	s8 =	sadd.s32 $0xFFFFE003, lr  }
0x1b: {  	s9 =	sadd.s32 $0xFFFFFEF7, lr;
	s5 =	simm.s32 $0xFFFFFFFF;
	p2 =	slt.u32 s8, $0xFFFFF086  }
0x1c: {  	p1 =	slt.u32 s9, $0xF7A;
	s5 =	simm.s32 @!p2 $0x0  }
0x1d: {  	s5 =	simm.s32 @p1 $0x1;
	p0 =	seq.s32 s7, s2  }
0x1e: {  	s7 =	smul.u32 @!p0 $0xF7A, s2;
	p2 =	seq.s32 @!p0 s5, $0x0  }
0x1f: {  	s9 =	smul.u32 $0xF7A, s1;
	s8 =	simm.s32 @!p0 $0x1BF5;
	p2 =	por !p2, p0  }
0x20: {  	[sflag:s8] =	ssyncset.s32 @!p0 $0xFFFFF086;
	s6 =	sadd.s32 @!p0 s3, s7;
	s7 =	simm.s32 @!p0 $0x108  }
0x21: {  	s3 =	sadd.s32 s3, s9;
	s6 =	sadd.s32 @!p0 $0x88, s6;
	s7 =	simm.s32 @p2 $0x1082  }
0x22: {  	[simem:s7], [sflag:s8] =	dma.local @!p0 [hbm:s6], $0xF7A  }
0x23: {  	s9 =	sor.u32 $0xD0000000, s2;
	s6 =	simm.s32 $0x108;
	_ =	swait.ge @!p0 [sflag:s8], $0x0  }
0x24: {  	s3 =	sadd.s32 $0x88, s3;
	s6 =	simm.s32 @!p1 $0x1082;
	[sflag:s4] =	ssyncset.s32 $0xFFFFF086  }
0x25: {  	[simem:s6], [sflag:s4] =	dma.local [hbm:s3], $0xF7A  }
0x26: {  	[smem:$0x3F96] =	sst s1;
	(tag) =	ssettag s2;
	_ =	strace s9  }
0x27: {  	s1 =	sld [smem:$0x3FA6]  }
0x28: {  	s2 =	sld [smem:$0x3FA7]  }
0x29: {  	s4 =	sld [smem:$0x3FA9]  }
0x2a: {  	p0 =	seq.s32 s5, $0x0;
	s5 =	sld [smem:$0x3FAA]  }
0x2b: {  	s6 =	sld [smem:$0x3FAB]  }
0x2c: {  	s7 =	sld [smem:$0x3FAC]  }
0x2d: {  	s3 =	simm.s32 $0x108;
	s8 =	sld [smem:$0x3FAD]  }
0x2e: {  	s3 =	simm.s32 @!p0 $0x1082;
	s9 =	sld [smem:$0x3FAE]  }
0x2f: {  	lr =	sadd.s32 s0, s3;
	s0 =	sld [smem:$0x3FA5]  }
0x30: {  	s3 =	sld [smem:$0x3FA8]  }
0x31: {  	[smem:$0x3FB1] =	sst s10  }
0x32: {  	s10 =	sld [smem:$0x3FAF];
	_ =	sdelay $0x3  }
0x33: {  	p0 =	seq.s32 s10, $0x1;
	s10 =	sld [smem:$0x3FB1];
	_ =	sdelay $0x3  }
0x34: {  	[smem:$0x3FB1] =	sst s10  }
0x35: {  	s10 =	sld [smem:$0x3FB0];
	_ =	sdelay $0x3  }
0x36: {  	p1 =	seq.s32 s10, $0x1;
	s10 =	sld [smem:$0x3FB1];
	_ =	sdelay $0x3  }
0x37: {  	[smem:$0x3FB1] =	sst s10  }
0x38: {  	s10 =	sld [smem:$0x3FB2]  }
0x39: {  	_ = 	snop;
	(pc) =	sbr.ind lr, $3  }
0x3a: {  	_ = 	snop  }
0x3b: {  	_ = 	snop  }
0x3c: {  	p2 =	seq.s32 s10, $0x1;
	s10 =	sld [smem:$0x3FB1]  }
0x3d: {  	_ =	shalt  }
0x3e: {  	_ =	shalt  }
0x3f: {  	_ =	shalt  }
0x40: {  	_ =	shalt  }
0x41: {  	_ =	shalt  }
0x42: {  	_ =	shalt  }
0x43: {  	_ =	shalt  }
0x44: {  	_ =	shalt  }
0x45: {  	_ =	shalt  }
0x46: {  	_ =	shalt  }
0x47: {  	_ =	shalt  }
0x48: {  	_ =	shalt  }
0x49: {  	_ =	shalt  }
0x4a: {  	_ =	shalt  }
0x4b: {  	_ =	shalt  }
0x4c: {  	_ =	shalt  }
0x4d: {  	_ =	shalt  }
0x4e: {  	_ =	shalt  }
0x4f: {  	_ =	shalt  }
0x50: {  	_ =	shalt  }
0x51: {  	_ =	shalt  }
0x52: {  	_ =	shalt  }
0x53: {  	_ =	shalt  }
0x54: {  	_ =	shalt  }
0x55: {  	_ =	shalt  }
0x56: {  	_ =	shalt  }
0x57: {  	_ =	shalt  }
0x58: {  	_ =	shalt  }
0x59: {  	_ =	shalt  }
0x5a: {  	_ =	shalt  }
0x5b: {  	_ =	shalt  }
0x5c: {  	_ =	shalt  }
0x5d: {  	_ =	shalt  }
0x5e: {  	_ =	shalt  }
0x5f: {  	_ =	shalt  }
0x60: {  	_ =	shalt  }
0x61: {  	_ =	shalt  }
0x62: {  	_ =	shalt  }
0x63: {  	_ =	shalt  }
0x64: {  	_ =	shalt  }
0x65: {  	_ =	shalt  }
0x66: {  	_ =	shalt  }
0x67: {  	_ =	shalt  }
0x68: {  	_ =	shalt  }
0x69: {  	_ =	shalt  }
0x6a: {  	_ =	shalt  }
0x6b: {  	_ =	shalt  }
0x6c: {  	_ =	shalt  }
0x6d: {  	_ =	shalt  }
0x6e: {  	_ =	shalt  }
0x6f: {  	_ =	shalt  }
0x70: {  	_ =	shalt  }
0x71: {  	_ =	shalt  }
0x72: {  	_ =	shalt  }
0x73: {  	_ =	shalt  }
0x74: {  	_ =	shalt  }
0x75: {  	_ =	shalt  }
0x76: {  	_ =	shalt  }
0x77: {  	_ =	shalt  }
0x78: {  	_ =	shalt  }
0x79: {  	_ =	shalt  }
0x7a: {  	_ =	shalt  }
0x7b: {  	_ =	shalt  }
0x7c: {  	_ =	shalt  }
0x7d: {  	_ =	shalt  }
0x7e: {  	_ =	shalt  }
0x7f: {  	_ =	shalt  }
0x80: {  	_ =	shalt  }
0x81: {  	_ =	shalt  }
0x82: {  	_ =	shalt  }
0x83: {  	_ =	shalt  }
0x84: {  	_ =	shalt  }
0x85: {  	_ =	shalt  }
0x86: {  	_ =	shalt  }
0x87: {  	_ =	shalt  }
.Lfunc_end0:
.L_simem_size_0:
called_computation_lowered:
.L_overlay_start_0:
0x88: {  	s2 =	sld [smem:$0x3FD9]  }
0x89: {  	s3 =	sld [smem:$0x3FFE];
	_ =	sdelay $0x1  }
0x8a: {  	s1 =	srdreg.scid  }
0x8b: {  	s0 =	sand.u32 $0x1, s1  }
0x8c: {  	s16 =	sshll.u32 s0, $0xA;
	s2 =	sadd.s32 s3, s2  }
0x8d: {  	s2 =	sadd.s32 s2, s16  }
0x8e: {  	[smem:$0x3FBD] =	sst s2  }
0x8f: {  	_ = 	snop  }
0x90: {  	(tm) =	ssettm $0x1  }
0x91: {  	s17 =	sld [smem:$0x3FFB];
	_ =	sdelay $0x3  }
0x92: {  	_ =	strace s17  }
0x93: {  	s2 =	sld [smem:$0x3FFC];
	_ =	sdelay $0x3  }
0x94: {  	_ =	strace s2  }
0x95: {  	s2 =	sld [smem:$0x3FFD];
	_ =	sdelay $0x3  }
0x96: {  	_ =	strace s2  }
0x97: {  	_ =	strace $0x8FFFFFFF  }
0x98: {  	s18 =	sld [smem:$0x3FDB];
	_ =	sdelay $0x1  }
0x99: {  	s19 =	simm.s32 $_scs_section_size  }
0x9a: {  	s4 =	simm.s32 $_size__tile_overlayer_lowered;
	s5 =	simm.s32 $_tile_overlayer_lowered  }
0x9b: {  	s22 =	simm.s32 $0x1BFF;
	s21 =	sshll.u32 s5, $0x1;
	s2 =	sadd.s32 s19, s18  }
0x9c: {  	s6 =	simm.s32 $0x0;
	s20 =	sshll.u32 s4, $0x1;
	s4 =	sadd.s32 s21, s2  }
0x9d: {  	[timem:s6], [sflag:s22] =	dma.local [hbm:s4], s20  }
0x9e: {  	_ =	swait.ge [sflag:s22], s20  }
0x9f: {  	s3 =	ssub.s32 $0x0, s20;
	[sflag:s22] =	ssyncset.done $0x0  }
0xa0: {  	[sflag:s22] =	ssyncadd.s32 s3;
	_ =	sdelay $0x1  }
0xa1: {  	s23 =	simm.s32 $0x1B8B  }
0xa2: {  	_ =	swait.ge [sflag:s23], $0x1  }
0xa3: {  	[sflag:s23] =	ssyncset.done $0x0  }
0xa4: {  	s25 =	simm.s32 $0x1B8E;
	s24 =	sld [smem:$0x3FFE];
	[sflag:s23] =	ssyncadd.s32 $0xFFFFFFFF  }
0xa5: {  	s26 =	simm.s32 $execute0_lowered;
	[smem:$0x3FD2] =	sst s25  }
0xa6: {  	s4 =	sshll.u32 s26, $0x1;
	_ =	strace $0x80000046;
	[dreg:$0x1] =	wrdreg $0xFFFFFFFF  }
0xa7: {  	s28 =	simm.s32 $_size_execute0_lowered;
	s2 =	sadd.s32 s2, s4;
	[dreg:$0x0] =	wrdreg $0x0  }
0xa8: {  	s4 =	sshll.u32 s28, $0x1;
	[dreg:$0x2] =	wrdreg s2  }
0xa9: {  	[dreg:$0x3] =	wrdreg s4  }
0xaa: {  	[dreg:$0x4] =	wrdreg $0xC0  }
0xab: {  	_ =	task [dreg:s6], $0x5FFFF  }
0xac: {  	[dreg:$0x1] =	wrdreg $0xFFFFFFFF  }
0xad: {  	[dreg:$0x0] =	wrdreg $0x60  }
0xae: {  	[dreg:$0x2] =	wrdreg s24  }
0xaf: {  	[dreg:$0x3] =	wrdreg $0xBC800  }
0xb0: {  	[dreg:$0x4] =	wrdreg $0x1FC800  }
0xb1: {  	[dreg:$0x5] =	wrdreg $0x9  }
0xb2: {  	_ =	task.clear_ibuf [dreg:s6], $0x6FFFF;
	_ =	strace $0x90000046  }
0xb3: {  	s29 =	simm.s32 $0x9;
	_ =	strace $0x80000048  }
0xb4: {  	_ =	swait.ge [sflag:s29], $0x1  }
0xb5: {  	[sflag:s29] =	ssyncadd.s32 $0xFFFFFFFF  }
0xb6: {  	_ =	strace $0x90000048  }
0xb7: {  	_ =	sfence  }
0xb8: {  	s30 =	sld [smem:$0x0];
	_ =	sdelay $0x2  }
0xb9: {  	s31 =	sshll.u32 s1, $0xD;
	s1 =	sshrl.u32 s1, $0x2  }
0xba: {  	s3 =	sand.u32 $0x4000, s31;
	s1 =	sadd.s32 s1, s30  }
0xbb: {  	s0 =	sor.u32 s3, s0;
	s1 =	sshll.u32 s1, $0x11  }
0xbc: {  	s0 =	sor.u32 s1, s0  }
0xbd: {  	s0 =	sadd.s32 $0x8F2B, s0  }
0xbe: {  	[sflag:s0] =	ssyncadd.remote.s32 $0x1  }
0xbf: {  	_ =	sfence.sel $0xFFFF  }
0xc0: {  	[dreg:$0x0] =	wrdreg $0xFFFFFFFF;
	(pc) =	sbr.abs _section_cstart, $3  }
0xc1: {  	[dreg:$0x1] =	wrdreg $0xFFFFFFFF  }
0xc2: {  	_ =	task.clear_ibuf [dreg:s6], $0x2FFFF;
	_ =	strace $0x9FFFFFFF  }
0xc3: {  	(tm) =	ssettm $0x7FFFFFFF  }
tec
execute0_lowered:
.L_overlay_start_1:
0x0: {  	(tag) =	ssettag $0x1  }
0x1: {  	s0 =	rddreg [dreg:$0x0]  }
0x2: {  	s1 =	rddreg [dreg:$0x1]  }
0x3: {  	s3 =	rddreg [dreg:$0x2]  }
0x4: {  	s2 =	srdreg.scid;
	s4 =	simm.s32 $0x0;
	s15 =	stileid.u32  }
0x5: {  	s14 =	simm.s32 $0x4;
	s18 =	simm.s32 $0xBC00;
	s20 =	simm.s32 $0x28  }
0x6: {  	s21 =	simm.s32 $0x8000;
	s28 =	simm.s32 $0x2;
	s30 =	simm.s32 $0x4080  }
0x7: {  	s31 =	simm.s32 $0x3;
	s29 =	simm.s32 $0x0;
	s8 =	smul.u32 $0x14000, s15  }
0x8: {  	s2 =	sand.u32 $0x1, s2;
	s6 =	sshll.u32 s15, $0xB;
	s9 =	smul.u32 $0x500, s15  }
0x9: {  	[smem:$0x7FF] =	sst s4;
	s22 =	sadd.s32 $0x50200, s0;
	s23 =	smul.u32 $0x50000, s15  }
0xa: {  	s13 =	smul.u32 $0xA00, s15;
	s26 =	sshll.u32 s15, $0x6;
	s15 =	simm.s32 $0x4000  }
0xb: {  	s5 =	sshll.u32 s2, $0xF;
	s7 =	smul.u32 $0x140000, s2;
	_ =	strace $0x80000047  }
0xc: {  	[dreg:$0x4] =	wrdreg s22;
	s12 =	sshll.u32 s2, $0x7;
	s2 =	ssub.s32 $0x2, s2  }
0xd: {  	s16 =	sor.u32 $0x1C04, s26;
	s26 =	simm.s32 $0xA800;
	s6 =	sor.u32 s6, s5  }
0xe: {  	s5 =	sadd.s32 $0x27E00, s0;
	s9 =	sor.u32 s12, s9;
	s24 =	sshrl.u32 s2, $0x1  }
0xf: {  	s12 =	sshrl.u32 s23, $0x2;
	s25 =	sshrl.u32 s13, $0x2;
	s23 =	simm.s32 $0x9400  }
0x10: {  	s10 =	sadd.s32 s6, s0;
	s8 =	sadd.s32 s8, s7;
	s7 =	sadd.s32 $0x4FE00, s0  }
0x11: {  	s9 =	sshrl.u32 s9, $0x3;
	s2 =	ssub.s32 s2, s24;
	s17 =	sadd.s32 s12, s1  }
.Ltmp0:
0x12: {  	s19 =	sadd.s32 s25, s3;
	s24 =	simm.s32 $0x1;
	(pc) =	sbr.rel .LBB2_1-.Ltmp0, $4  }
0x13: {  	s11 =	sshrl.u32 s8, $0x3;
	s8 =	sadd.s32 $0x50000, s0;
	s13 =	smax.u32 s2, $0x1  }
0x14: {  	s17 =	sshrl.u32 s17, $0x3;
	s19 =	sshrl.u32 s19, $0x3;
	s2 =	simm.s32 $0x4100  }
0x15: {  	s11 =	sadd.s32 s11, s0;
	s0 =	sadd.s32 s9, s0;
	s9 =	sadd.s32 $0x7E00, s10  }
0x16: {  	s10 =	sadd.s32 $0x17E00, s10;
	s11 =	sadd.s32 $0x53400, s11;
	s12 =	sadd.s32 $0x52A00, s0  }
.LBB2_4:
0x17: {  	[spmem:s1] =	stream.indirect.scatter.add.f32 [tilespmem:s23], [sflag:$0x2], $0x80, s25, s20, $0xb8;
	[tilespmem:$0x1FF00] =	vst v63  }
0x18: {  	_ = 	snop  }
0x19: {  	[spmem:s3] =	stream.indirect.scatter.add.f32 [tilespmem:s18], [sflag:$0x2], $0x1, s25, s20, $0xb8;
	[tilespmem:$0x1FF00] =	vst v63  }
0x1a: {  	_ =	swait.ge [sflag:s31], $0x1400  }
0x1b: {  	[sflag:s31] =	ssyncset.done $0x0  }
0x1c: {  	s0 =	sadd.s32 $0x4280, s22;
	[sflag:s31] =	ssyncadd.s32 $0xFFFFEC00  }
0x1d: {  	[spmem:s1] =	stream.indirect.scatter.add.f32 [tilespmem:s26], [sflag:$0x3], $0x80, s0, s20, $0xb8;
	[tilespmem:$0x1FF00] =	vst v63  }
0x1e: {  	_ = 	snop  }
0x1f: {  	[spmem:s3] =	stream.indirect.scatter.add.f32 [tilespmem:s18], [sflag:$0x3], $0x1, s0, s20, $0xb8;
	[tilespmem:$0x1FF00] =	vst v63  }
0x20: {  	_ =	swait.ge [sflag:s24], $0x1400  }
0x21: {  	[sflag:s24] =	ssyncset.done $0x0  }
0x22: {  	[sflag:s24] =	ssyncadd.s32 $0xFFFFEC00  }
0x23: {  	_ =	swait.ge [sflag:s24], $0x28  }
0x24: {  	[sflag:s24] =	ssyncset.done $0x0  }
0x25: {  	[sflag:s24] =	ssyncadd.s32 $0xFFFFFFD8  }
0x26: {  	_ =	swait.ge [sflag:s28], $0x1400  }
0x27: {  	[sflag:s28] =	ssyncset.done $0x0  }
0x28: {  	[sflag:s28] =	ssyncadd.s32 $0xFFFFEC00  }
0x29: {  	_ =	swait.ge [sflag:s28], $0x28  }
0x2a: {  	[sflag:s28] =	ssyncset.done $0x0  }
0x2b: {  	[sflag:s28] =	ssyncadd.s32 $0xFFFFFFD8  }
0x2c: {  	_ =	swait.ge [sflag:s31], $0x1400  }
0x2d: {  	[sflag:s31] =	ssyncset.done $0x0  }
0x2e: {  	[sflag:s31] =	ssyncadd.s32 $0xFFFFEC00  }
0x2f: {  	_ =	swait.ge [sflag:s31], $0x28  }
0x30: {  	[sflag:s31] =	ssyncset.done $0x0  }
0x31: {  	[sflag:s31] =	ssyncadd.s32 $0xFFFFFFD8  }
0x32: {  	[bflag:$0x0] =	sbarrier.arrive $0xFFFF  }
0x33: {  	[hbm:s11], [sflag:s16] =	dma.local [spmem:s17], $0x2800  }
0x34: {  	s29 =	sadd.s32 $0x1, s29;
	_ =	swait.ge [sflag:s14], $0x2800  }
0x35: {  	s6 =	simm.s32 $0x10;
	p0 =	sne.s32 s29, s13;
	[sflag:s14] =	ssyncset.done $0x0  }
.Ltmp1:
0x36: {  	s25 =	simm.s32 $0x20;
	[sflag:s14] =	ssyncadd.s32 $0xFFFFD800;
	(pc) =	sbr.rel @!p0 .LBB2_5-.Ltmp1, $4  }
0x37: {  	[hbm:s12@s25], [sflag:s16] =	dma.strided [spmem:s19@s6], $0x50, s24, $0x10   }
0x38: {  	_ =	swait.ge [sflag:s14], $0x50  }
0x39: {  	[sflag:s14] =	ssyncset.done $0x0  }
0x3a: {  	[sflag:s14] =	ssyncadd.s32 $0xFFFFFFB0  }
.LBB2_1:
0x3b: {  	[tilespmem:s4], [sflag:$0x4] =	stream.linear.gather [hbm4b:s9+s4], $0x3F00, $0x38;
	[tilespmem:$0x1FF00] =	vst v63  }
0x3c: {  	_ =	swait.ge [sflag:s14], $0x3F00  }
0x3d: {  	[sflag:s14] =	ssyncset.done $0x0  }
0x3e: {  	[sflag:s14] =	ssyncadd.s32 $0xFFFFC100  }
0x3f: {  	[tilespmem:s15], [sflag:$0x4] =	stream.linear.gather [hbm4b:s10+s4], $0x3F00, $0x38;
	[tilespmem:$0x1FF00] =	vst v63  }
0x40: {  	_ =	swait.ge [sflag:s14], $0x3F00  }
0x41: {  	[sflag:s14] =	ssyncset.done $0x0  }
0x42: {  	s0 =	rddreg [dreg:$0x4];
	[sflag:s14] =	ssyncadd.s32 $0xFFFFC100  }
0x43: {  	[spmem:s17], [sflag:s16] =	dma.local [hbm:s0], $0x2800  }
0x44: {  	_ =	swait.ge [sflag:s14], $0x2800  }
0x45: {  	[sflag:s14] =	ssyncset.done $0x0  }
0x46: {  	[sflag:s14] =	ssyncadd.s32 $0xFFFFD800  }
0x47: {  	[tilespmem:s18], [sflag:$0x4] =	stream.linear.gather [hbm4b:s8+s4], $0x80, $0x38;
	[tilespmem:$0x1FF00] =	vst v63  }
0x48: {  	_ =	swait.ge [sflag:s14], $0x80  }
0x49: {  	[sflag:s14] =	ssyncset.done $0x0  }
0x4a: {  	[sflag:s14] =	ssyncadd.s32 $0xFFFFFF80  }
0x4b: {  	[spmem:s19], [sflag:s16] =	dma.local [hbm:s7], $0x50  }
0x4c: {  	_ =	swait.ge [sflag:s14], $0x50  }
0x4d: {  	[sflag:s14] =	ssyncset.done $0x0  }
0x4e: {  	[sflag:s14] =	ssyncadd.s32 $0xFFFFFFB0  }
0x4f: {  	[bflag:$0x0] =	sbarrier.arrive $0xFFFF  }
0x50: {  	[tilespmem:s21], [sflag:$0x1] =	stream.indirect.gather [hbm4b:s5+s20], $0x80, s4, s20, $0xb8;
	[tilespmem:$0x1FF00] =	vst v63  }
0x51: {  	s25 =	simm.s32 $0x80  }
0x52: {  	[tilespmem:s23], [sflag:$0x2] =	stream.indirect.gather [hbm4b:s5+s20], $0x80, s25, s20, $0xb8;
	[tilespmem:$0x1FF00] =	vst v63  }
0x53: {  	_ =	swait.ge [sflag:s24], $0x1400  }
0x54: {  	[sflag:s24] =	ssyncset.done $0x0  }
0x55: {  	s6 =	simm.s32 $0x100;
	[sflag:s24] =	ssyncadd.s32 $0xFFFFEC00  }
0x56: {  	[tilespmem:s26], [sflag:$0x3] =	stream.indirect.gather [hbm4b:s5+s20], $0x80, s6, s20, $0xb8;
	[tilespmem:$0x1FF00] =	vst v63  }
0x57: {  	_ = 	snop  }
0x58: {  	[spmem:s1] =	stream.indirect.scatter.add.f32 [tilespmem:s21], [sflag:$0x1], $0x80, s15, s20, $0xb8;
	[tilespmem:$0x1FF00] =	vst v63  }
0x59: {  	_ = 	snop  }
0x5a: {  	[spmem:s3] =	stream.indirect.scatter.add.f32 [tilespmem:s18], [sflag:$0x1], $0x1, s15, s20, $0xb8;
	[tilespmem:$0x1FF00] =	vst v63  }
0x5b: {  	_ =	swait.ge [sflag:s28], $0x1400  }
0x5c: {  	[sflag:s28] =	ssyncset.done $0x0  }
0x5d: {  	[sflag:s28] =	ssyncadd.s32 $0xFFFFEC00  }
0x5e: {  	_ =	swait.ge [sflag:s24], $0x1400  }
0x5f: {  	[sflag:s24] =	ssyncset.done $0x0  }
0x60: {  	[sflag:s24] =	ssyncadd.s32 $0xFFFFEC00  }
0x61: {  	_ =	swait.ge [sflag:s24], $0x28  }
0x62: {  	[sflag:s24] =	ssyncset.done $0x0  }
0x63: {  	s22 =	simm.s32 $0x180;
	[sflag:s24] =	ssyncadd.s32 $0xFFFFFFD8  }
0x64: {  	[tilespmem:s21], [sflag:$0x1] =	stream.indirect.gather [hbm4b:s5+s20], $0x80, s22, s20, $0xb8;
	[tilespmem:$0x1FF00] =	vst v63  }
0x65: {  	_ = 	snop  }
0x66: {  	[spmem:s1] =	stream.indirect.scatter.add.f32 [tilespmem:s23], [sflag:$0x2], $0x80, s30, s20, $0xb8;
	[tilespmem:$0x1FF00] =	vst v63  }
0x67: {  	_ = 	snop  }
0x68: {  	[spmem:s3] =	stream.indirect.scatter.add.f32 [tilespmem:s18], [sflag:$0x2], $0x1, s30, s20, $0xb8;
	[tilespmem:$0x1FF00] =	vst v63  }
0x69: {  	_ =	swait.ge [sflag:s31], $0x1400  }
0x6a: {  	[sflag:s31] =	ssyncset.done $0x0  }
0x6b: {  	[sflag:s31] =	ssyncadd.s32 $0xFFFFEC00  }
0x6c: {  	_ =	swait.ge [sflag:s28], $0x1400  }
0x6d: {  	[sflag:s28] =	ssyncset.done $0x0  }
0x6e: {  	[sflag:s28] =	ssyncadd.s32 $0xFFFFEC00  }
0x6f: {  	_ =	swait.ge [sflag:s28], $0x28  }
0x70: {  	[sflag:s28] =	ssyncset.done $0x0  }
0x71: {  	s25 =	simm.s32 $0x200;
	[sflag:s28] =	ssyncadd.s32 $0xFFFFFFD8  }
0x72: {  	[tilespmem:s23], [sflag:$0x2] =	stream.indirect.gather [hbm4b:s5+s20], $0x80, s25, s20, $0xb8;
	[tilespmem:$0x1FF00] =	vst v63  }
0x73: {  	_ = 	snop  }
0x74: {  	[spmem:s1] =	stream.indirect.scatter.add.f32 [tilespmem:s26], [sflag:$0x3], $0x80, s2, s20, $0xb8;
	[tilespmem:$0x1FF00] =	vst v63  }
0x75: {  	s0 =	simm.s32 $0x0  }
0x76: {  	[spmem:s3] =	stream.indirect.scatter.add.f32 [tilespmem:s18], [sflag:$0x3], $0x1, s2, s20, $0xb8;
	[tilespmem:$0x1FF00] =	vst v63  }
.LBB2_2:
0x77: {  	_ =	swait.ge [sflag:s24], $0x1400  }
0x78: {  	[sflag:s24] =	ssyncset.done $0x0  }
0x79: {  	[sflag:s24] =	ssyncadd.s32 $0xFFFFEC00  }
0x7a: {  	_ =	swait.ge [sflag:s31], $0x1400  }
0x7b: {  	[sflag:s31] =	ssyncset.done $0x0  }
0x7c: {  	[sflag:s31] =	ssyncadd.s32 $0xFFFFEC00  }
0x7d: {  	_ =	swait.ge [sflag:s31], $0x28  }
0x7e: {  	s22 =	sshra.s32 s0, $0x2;
	[sflag:s31] =	ssyncset.done $0x0  }
0x7f: {  	s25 =	sadd.s32 $0x280, s22;
	[sflag:s31] =	ssyncadd.s32 $0xFFFFFFD8  }
0x80: {  	[tilespmem:s26], [sflag:$0x3] =	stream.indirect.gather [hbm4b:s5+s20], $0x80, s25, s20, $0xb8;
	[tilespmem:$0x1FF00] =	vst v63  }
0x81: {  	p0 =	seq.s32 s0, $0xF000;
	s6 =	sadd.s32 $0x4180, s22  }
0x82: {  	[spmem:s1] =	stream.indirect.scatter.add.f32 [tilespmem:s21], [sflag:$0x1], $0x80, s6, s20, $0xb8;
	[tilespmem:$0x1FF00] =	vst v63  }
.Ltmp2:
0x83: {  	_ = 	snop;
	(pc) =	sbr.rel @p0 .LBB2_4-.Ltmp2, $4  }
0x84: {  	[spmem:s3] =	stream.indirect.scatter.add.f32 [tilespmem:s18], [sflag:$0x1], $0x1, s6, s20, $0xb8;
	[tilespmem:$0x1FF00] =	vst v63  }
0x85: {  	_ =	swait.ge [sflag:s28], $0x1400  }
0x86: {  	[sflag:s28] =	ssyncset.done $0x0  }
0x87: {  	s25 =	sadd.s32 $0x4200, s22;
	[sflag:s28] =	ssyncadd.s32 $0xFFFFEC00  }
0x88: {  	_ =	swait.ge [sflag:s24], $0x1400  }
0x89: {  	[sflag:s24] =	ssyncset.done $0x0  }
0x8a: {  	[sflag:s24] =	ssyncadd.s32 $0xFFFFEC00  }
0x8b: {  	_ =	swait.ge [sflag:s24], $0x28  }
0x8c: {  	[sflag:s24] =	ssyncset.done $0x0  }
0x8d: {  	s6 =	sadd.s32 $0x300, s22;
	[sflag:s24] =	ssyncadd.s32 $0xFFFFFFD8  }
0x8e: {  	[tilespmem:s21], [sflag:$0x1] =	stream.indirect.gather [hbm4b:s5+s20], $0x80, s6, s20, $0xb8;
	[tilespmem:$0x1FF00] =	vst v63  }
0x8f: {  	_ = 	snop  }
0x90: {  	[spmem:s1] =	stream.indirect.scatter.add.f32 [tilespmem:s23], [sflag:$0x2], $0x80, s25, s20, $0xb8;
	[tilespmem:$0x1FF00] =	vst v63  }
0x91: {  	_ = 	snop  }
0x92: {  	[spmem:s3] =	stream.indirect.scatter.add.f32 [tilespmem:s18], [sflag:$0x2], $0x1, s25, s20, $0xb8;
	[tilespmem:$0x1FF00] =	vst v63  }
0x93: {  	_ =	swait.ge [sflag:s31], $0x1400  }
0x94: {  	[sflag:s31] =	ssyncset.done $0x0  }
0x95: {  	[sflag:s31] =	ssyncadd.s32 $0xFFFFEC00  }
0x96: {  	_ =	swait.ge [sflag:s28], $0x1400  }
0x97: {  	[sflag:s28] =	ssyncset.done $0x0  }
0x98: {  	[sflag:s28] =	ssyncadd.s32 $0xFFFFEC00  }
0x99: {  	_ =	swait.ge [sflag:s28], $0x28  }
0x9a: {  	[sflag:s28] =	ssyncset.done $0x0  }
0x9b: {  	s25 =	sadd.s32 $0x380, s22;
	[sflag:s28] =	ssyncadd.s32 $0xFFFFFFD8  }
0x9c: {  	[tilespmem:s23], [sflag:$0x2] =	stream.indirect.gather [hbm4b:s5+s20], $0x80, s25, s20, $0xb8;
	[tilespmem:$0x1FF00] =	vst v63  }
.Ltmp3:
0x9d: {  	_ = 	snop;
	(pc) =	sbr.rel .LBB2_2-.Ltmp3, $4  }
0x9e: {  	s25 =	sadd.s32 $0x4280, s22  }
0x9f: {  	[spmem:s1] =	stream.indirect.scatter.add.f32 [tilespmem:s26], [sflag:$0x3], $0x80, s25, s20, $0xb8;
	[tilespmem:$0x1FF00] =	vst v63  }
0xa0: {  	s0 =	sadd.s32 $0x600, s0  }
0xa1: {  	[spmem:s3] =	stream.indirect.scatter.add.f32 [tilespmem:s18], [sflag:$0x3], $0x1, s25, s20, $0xb8;
	[tilespmem:$0x1FF00] =	vst v63  }
.LBB2_5:
0xa2: {  	_ =	sfence.sel $0x180000  }
0xa3: {  	[bflag:$0x0] =	sbarrier.arrive $0xFFFF  }
0xa4: {  	_ =	strace $0x90000047  }
0xa5: {  	s0 =	stileid.u32;
	[bflag:$0x2] =	sbarrier.arrive $0xFFFF  }
0xa6: {  	p0 =	sne.s32 s0, $0x0;
	s0 =	rddreg [dreg:$0x3]  }
0xa7: {  	s0 =	sadd.s32 @!p0 $0x100000, s0  }
0xa8: {  	[sflag:s0] =	ssyncadd.tile.s32 @!p0 $0x1;
	_ =	shalt  }
.Lfunc_end2:
_tile_overlayer_lowered:
.L_overlay_start_2:
0xa9: {  	(tag) =	ssettag $0x2  }
0xaa: {  	s0 =	rddreg [dreg:$0x0];
	s2 =	stileid.u32  }
0xab: {  	s1 =	rddreg [dreg:$0x1];
	p0 =	sne.s32 s2, $0x0  }
0xac: {  	s3 =	rddreg [dreg:$0x2];
	[bflag:$0x3] =	sbarrier.arrive $0xFFFF;
	s2 =	simm.s32 @!p0 $0x1C04  }
0xad: {  	[timem:s3], [sflag:s2] =	dma.local @!p0 [hbm:s0], s1  }
0xae: {  	s0 =	simm.s32 @!p0 $0x4  }
0xaf: {  	_ =	swait.ge @!p0 [sflag:s0], s1  }
0xb0: {  	s1 =	ssub.s32 @!p0 $0x0, s1;
	[sflag:s0] =	ssyncset.done @!p0 $0x0  }
0xb1: {  	[sflag:s0] =	ssyncadd.s32 @!p0 s1  }
0xb2: {  	[bflag:$0x3] =	sbarrier.arrive $0xFFFF  }
0xb3: {  	_ =	shalt  }

</sc_bundles>
